<compile_context>
chip_gen: v7x
topology: tpu7x:2x2x1
jax: 0.10.2.dev20260603
libtpu: 0.0.44.dev20260713+nightly
codegen_flags: <defaults>
</compile_context>

<pallas_src>
import functools

import jax
import jax.numpy as jnp
from jax import lax
from jax.experimental import pallas as pl
from jax.experimental.pallas import tpu as pltpu
from jax.experimental.pallas import tpu_sc as plsc

N_NODES = 10000
N_EDGES = 320000
D_FEAT = 128
D_HALF = D_FEAT // 2
D_EDGE = 16
EPS = 1e-5

NC = 2
NS = 16

CHUNK_A = 400
EPT_A = N_EDGES // NS
NCH_A = EPT_A // CHUNK_A

CHUNK_B = 400
EPT_B = N_EDGES // (NC * NS)
NCH_B = EPT_B // CHUNK_B

RPT = 624
TAIL = N_NODES - NS * RPT
TAIL0 = NS * RPT

_SC_PARAMS = pltpu.CompilerParams(use_tc_tiling_on_sc=False)


def _sc_x_segment_sum(xv, src_arr, dst_arr):
    mesh = plsc.VectorSubcoreMesh(core_axis_name="c", subcore_axis_name="s")

    @functools.partial(
        pl.kernel,
        mesh=mesh,
        compiler_params=_SC_PARAMS,
        out_type=jax.ShapeDtypeStruct((N_NODES, D_FEAT), jnp.float32),
        scratch_types=[
            pltpu.VMEM_SHARED((N_NODES, D_HALF), jnp.float32),
            pltpu.VMEM((CHUNK_A,), jnp.int32),
            pltpu.VMEM((CHUNK_A,), jnp.int32),
            pltpu.VMEM((CHUNK_A,), jnp.int32),
            pltpu.VMEM((CHUNK_A,), jnp.int32),
            pltpu.VMEM((CHUNK_A, D_HALF), jnp.float32),
            pltpu.VMEM((CHUNK_A, D_HALF), jnp.float32),
            pltpu.SemaphoreType.DMA,
            pltpu.SemaphoreType.DMA,
            pltpu.SemaphoreType.DMA,
            pltpu.SemaphoreType.DMA,
        ],
    )
    def seg(xv_hbm, src_hbm, dst_hbm, outx,
            acc, sidx0, sidx1, didx0, didx1, rows0, rows1,
            sg0, sg1, si0, si1):
        c = lax.axis_index("c")
        s = lax.axis_index("s")
        r0 = s * RPT
        base0 = s * EPT_A

        sidx = (sidx0, sidx1)
        didx = (didx0, didx1)
        rows = (rows0, rows1)
        sem_g = (sg0, sg1)
        sem_i = (si0, si1)
        zv = jnp.zeros((16,), jnp.float32)

        def idx_copy(j, p):
            a = pltpu.make_async_copy(
                src_hbm.at[pl.ds(base0 + j * CHUNK_A, CHUNK_A)],
                sidx[p], sem_i[p])
            b = pltpu.make_async_copy(
                dst_hbm.at[pl.ds(base0 + j * CHUNK_A, CHUNK_A)],
                didx[p], sem_i[p])
            return a, b

        def gather(p):
            return pltpu.make_async_copy(xv_hbm.at[sidx[p]], rows[p], sem_g[p])

        def transform(p):
            for i in range(CHUNK_A // 16):
                sl = pl.ds(i * 16, 16)
                sidx[p][sl] = sidx[p][sl] * 2 + c

        a, b = idx_copy(0, 0)
        a.start(); b.start()
        a, b = idx_copy(1, 1)
        a.start(); b.start()

        def zbody(r, carry):
            for k in range(D_HALF // 16):
                rows0[r, pl.ds(k * 16, 16)] = zv
            return carry

        lax.fori_loop(0, CHUNK_A, zbody, 0)
        pltpu.sync_copy(rows0, acc.at[pl.ds(r0, CHUNK_A)])
        pltpu.sync_copy(rows0.at[pl.ds(0, RPT - CHUNK_A)],
                        acc.at[pl.ds(r0 + CHUNK_A, RPT - CHUNK_A)])

        @pl.when(s == NS - 1)
        def _():
            pltpu.sync_copy(rows0.at[pl.ds(0, TAIL)],
                            acc.at[pl.ds(TAIL0, TAIL)])

        plsc.subcore_barrier()

        a, b = idx_copy(0, 0)
        a.wait(); b.wait()
        transform(0)
        gather(0).start()

        def emit_iter(j, p):
            q = 1 - p
            gather(p).wait()

            @pl.when(j + 1 < NCH_A)
            def _():
                a, b = idx_copy(j + 1, q)
                a.wait(); b.wait()
                transform(q)
                gather(q).start()

            pltpu.sync_copy(rows[p], acc.at[didx[p]], add=True)

            @pl.when(j + 2 < NCH_A)
            def _():
                a, b = idx_copy(j + 2, p)
                a.start(); b.start()

        def body(k, carry):
            emit_iter(2 * k, 0)
            emit_iter(2 * k + 1, 1)
            return carry

        lax.fori_loop(0, NCH_A // 2, body, 0)
        plsc.subcore_barrier()

        for cc in range(NC):
            @pl.when(c == cc)
            def _():
                pltpu.sync_copy(
                    acc.at[pl.ds(r0, RPT)],
                    outx.at[pl.ds(r0, RPT), pl.ds(cc * D_HALF, D_HALF)])

                @pl.when(s == NS - 1)
                def _():
                    pltpu.sync_copy(
                        acc.at[pl.ds(TAIL0, TAIL)],
                        outx.at[pl.ds(TAIL0, TAIL), pl.ds(cc * D_HALF, D_HALF)])

    return seg(xv, src_arr, dst_arr)


def _sc_ea_segment_sum(edge_attr, dst_arr):
    mesh = plsc.VectorSubcoreMesh(core_axis_name="c", subcore_axis_name="s")

    @functools.partial(
        pl.kernel,
        mesh=mesh,
        compiler_params=_SC_PARAMS,
        out_type=jax.ShapeDtypeStruct((NC, N_NODES, D_EDGE), jnp.float32),
        scratch_types=[
            pltpu.VMEM_SHARED((N_NODES, D_EDGE), jnp.float32),
            pltpu.VMEM((CHUNK_B,), jnp.int32),
            pltpu.VMEM((CHUNK_B,), jnp.int32),
            pltpu.VMEM((CHUNK_B, D_EDGE), jnp.float32),
            pltpu.VMEM((CHUNK_B, D_EDGE), jnp.float32),
            pltpu.SemaphoreType.DMA,
            pltpu.SemaphoreType.DMA,
            pltpu.SemaphoreType.DMA,
            pltpu.SemaphoreType.DMA,
        ],
    )
    def seg(ea_hbm, dst_hbm, oute,
            eacc, edst0, edst1, erows0, erows1, si0, si1, se0, se1):
        c = lax.axis_index("c")
        s = lax.axis_index("s")
        r0 = s * RPT
        base0 = (c * NS + s) * EPT_B

        edst = (edst0, edst1)
        erows = (erows0, erows1)
        sem_i = (si0, si1)
        sem_e = (se0, se1)
        zv = jnp.zeros((16,), jnp.float32)

        def idx_copy(j, p):
            return pltpu.make_async_copy(
                dst_hbm.at[pl.ds(base0 + j * CHUNK_B, CHUNK_B)],
                edst[p], sem_i[p])

        def ea_copy(j, p):
            return pltpu.make_async_copy(
                ea_hbm.at[pl.ds(base0 + j * CHUNK_B, CHUNK_B)],
                erows[p], sem_e[p])

        def zbody(r, carry):
            erows0[r] = zv
            return carry

        lax.fori_loop(0, CHUNK_B, zbody, 0)
        pltpu.sync_copy(erows0, eacc.at[pl.ds(r0, CHUNK_B)])
        pltpu.sync_copy(erows0.at[pl.ds(0, RPT - CHUNK_B)],
                        eacc.at[pl.ds(r0 + CHUNK_B, RPT - CHUNK_B)])

        @pl.when(s == NS - 1)
        def _():
            pltpu.sync_copy(erows0.at[pl.ds(0, TAIL)],
                            eacc.at[pl.ds(TAIL0, TAIL)])

        idx_copy(0, 0).start()
        ea_copy(0, 0).start()
        idx_copy(1, 1).start()
        ea_copy(1, 1).start()

        plsc.subcore_barrier()

        def emit_iter(j, p):
            idx_copy(j, p).wait()
            ea_copy(j, p).wait()
            pltpu.sync_copy(erows[p], eacc.at[edst[p]], add=True)

            @pl.when(j + 2 < NCH_B)
            def _():
                idx_copy(j + 2, p).start()
                ea_copy(j + 2, p).start()

        def body(k, carry):
            emit_iter(2 * k, 0)

            @pl.when(2 * k + 1 < NCH_B)
            def _():
                emit_iter(2 * k + 1, 1)

            return carry

        lax.fori_loop(0, (NCH_B + 1) // 2, body, 0)
        plsc.subcore_barrier()

        pltpu.sync_copy(eacc.at[pl.ds(r0, RPT)], oute.at[c, pl.ds(r0, RPT)])

        @pl.when(s == NS - 1)
        def _():
            pltpu.sync_copy(eacc.at[pl.ds(TAIL0, TAIL)],
                            oute.at[c, pl.ds(TAIL0, TAIL)])

    return seg(edge_attr, dst_arr)


def _tc_dense_body(px_ref, pe_ref, x_ref, w1_ref, w2_ref, we_ref,
                   gamma_ref, beta_ref, o_ref):
    eagg = pe_ref[0] + pe_ref[1]
    h = jnp.dot(px_ref[...], w1_ref[...], preferred_element_type=jnp.float32)
    h = h + jnp.dot(eagg, we_ref[...], preferred_element_type=jnp.float32)
    h = h + jnp.dot(x_ref[...], w2_ref[...], preferred_element_type=jnp.float32)
    mean = jnp.mean(h, axis=0, keepdims=True)
    d = h - mean
    var = jnp.mean(d * d, axis=0, keepdims=True)
    o = d * lax.rsqrt(var + EPS) * gamma_ref[...] + beta_ref[...]
    o_ref[...] = jnp.maximum(o, 0.0)


def _tc_dense(px, pe, x, W1, W2, We, gamma, beta):
    return pl.pallas_call(
        _tc_dense_body,
        out_shape=jax.ShapeDtypeStruct((N_NODES, D_FEAT), jnp.float32),
    )(px, pe, x, W1, W2, We, gamma, beta)


@jax.jit
def kernel(x, edge_index, edge_attr, W1, W2, We, gamma, beta):
    xv = x.reshape(2 * N_NODES, D_HALF)
    px = _sc_x_segment_sum(xv, edge_index[0], edge_index[1])
    dep = (0.0 * px[0, 0]).astype(jnp.int32)
    pe = _sc_ea_segment_sum(edge_attr, edge_index[1] + dep)
    return _tc_dense(px, pe, x, W1, W2, We,
                     gamma.reshape(1, D_FEAT), beta.reshape(1, D_FEAT))

# --- scband reference (transcript-rebuilt; emitter-appended) ---
"""Pipeline reference for scband-graph-update-71605694759075 (READ-ONLY COPY).

The authoritative reference and input builder live on the scoring server;
editing this copy changes nothing except your own understanding.
"""

import jax, jax.numpy as jnp
import numpy as np

N_NODES = 10000
N_EDGES = 320000
D_FEAT = 128
D_EDGE = 16
EPS = 1e-5


def setup_inputs(seed: int = 0) -> dict:
    key = jax.random.key(seed)
    ks = jax.random.split(key, 8)
    x = jax.random.normal(ks[0], (N_NODES, D_FEAT), dtype=jnp.float32)
    edge_index = jax.random.randint(ks[1], (2, N_EDGES), 0, N_NODES, dtype=jnp.int64 if jax.config.jax_enable_x64 else jnp.int32).astype(jnp.int32)
    edge_attr = jax.random.normal(ks[2], (N_EDGES, D_EDGE), dtype=jnp.float32)
    # learned params of the message-passing layer (GraphConv-with-edge-features style)
    W1 = jax.random.normal(ks[3], (D_FEAT, D_FEAT), dtype=jnp.float32) * (1.0 / np.sqrt(D_FEAT))
    W2 = jax.random.normal(ks[4], (D_FEAT, D_FEAT), dtype=jnp.float32) * (1.0 / np.sqrt(D_FEAT))
    We = jax.random.normal(ks[5], (D_EDGE, D_FEAT), dtype=jnp.float32) * (1.0 / np.sqrt(D_EDGE))
    # batch-norm affine params
    gamma = jnp.ones((D_FEAT,), dtype=jnp.float32)
    beta = jnp.zeros((D_FEAT,), dtype=jnp.float32)
    return {"x": x, "edge_index": edge_index, "edge_attr": edge_attr, "W1": W1, "W2": W2, "We": We, "gamma": gamma, "beta": beta}


def reference(x, edge_index, edge_attr, W1, W2, We, gamma, beta):
    src = edge_index[0]
    dst = edge_index[1]
    # gnn: message = W1 * x[src] + We * edge_attr, sum-aggregate at dst, plus root transform
    msg = jnp.take(x, src, axis=0) @ W1 + edge_attr @ We
    agg = jax.ops.segment_sum(msg, dst, num_segments=x.shape[0])
    h = agg + x @ W2
    # BatchNorm1d (training mode: batch statistics, biased variance, eps=1e-5)
    mean = jnp.mean(h, axis=0)
    var = jnp.var(h, axis=0)
    h = (h - mean) / jnp.sqrt(var + EPS) * gamma + beta
    # use_relu=True
    h = jax.nn.relu(h)
    return h

if __name__ == "__main__":
    import jax
    _d = setup_inputs()
    print(jax.jit(kernel)(*tuple(_d.values())))

</pallas_src>

<mosaic_0001>
#map = affine_map<(d0, d1) -> (0, 0)>
#map1 = affine_map<(d0, d1) -> (0)>
module attributes {stable_mosaic.version = 14 : i64} {
  func.func @seg(%arg0: i32, %arg1: i32, %arg2: memref<20000x64xf32, #tpu.memory_space<hbm>>, %arg3: memref<320000xi32, #tpu.memory_space<hbm>>, %arg4: memref<320000xi32, #tpu.memory_space<hbm>>, %arg5: memref<10000x128xf32, #tpu.memory_space<hbm>>, %arg6: memref<10000x64xf32, #tpu.memory_space<vmem_shared>>, %arg7: memref<400xi32, #tpu.memory_space<vmem>>, %arg8: memref<400xi32, #tpu.memory_space<vmem>>, %arg9: memref<400xi32, #tpu.memory_space<vmem>>, %arg10: memref<400xi32, #tpu.memory_space<vmem>>, %arg11: memref<400x64xf32, #tpu.memory_space<vmem>>, %arg12: memref<400x64xf32, #tpu.memory_space<vmem>>, %arg13: memref<!tpu.dma_semaphore, #tpu.memory_space<semaphore_mem>>, %arg14: memref<!tpu.dma_semaphore, #tpu.memory_space<semaphore_mem>>, %arg15: memref<!tpu.dma_semaphore, #tpu.memory_space<semaphore_mem>>, %arg16: memref<!tpu.dma_semaphore, #tpu.memory_space<semaphore_mem>>) attributes {dimension_semantics = [#tpu.dimension_semantics<core_parallel>, #tpu.dimension_semantics<subcore_parallel>], iteration_bounds = array<i64: 2, 16>, scalar_prefetch = 0 : i64, scratch_operands = 11 : i64, tpu.core_type = #tpu.core_type<sc_vector_subcore>, window_params = [{transform_indices = #map}, {transform_indices = #map1}, {transform_indices = #map1}, {transform_indices = #map}]} {
    %mul3A = arith.constant 624 : i32
    %mul3A_0 = arith.muli %arg1, %mul3A : i32
    %mul3A_1 = arith.constant 20000 : i32
    %mul3A_2 = arith.muli %arg1, %mul3A_1 : i32
    %broadcast_in_dim3A = arith.constant 0.000000e+00 : f32
    %broadcast_in_dim3A_3 = vector.broadcast %broadcast_in_dim3A : f32 to vector<16xf32>
    %add3A = arith.constant 0 : i32
    %add3A_4 = arith.addi %mul3A_2, %add3A : i32
    %add3A_5 = arith.constant 0 : i32
    %add3A_6 = arith.addi %mul3A_2, %add3A_5 : i32
    %dma_start3A = tpu.memref_slice %arg3[%add3A_4] : memref<320000xi32, #tpu.memory_space<hbm>> -> memref<400xi32, #tpu.memory_space<hbm>>
    %dma_start3A_7 = tpu.memref_slice %arg3[%add3A_4] : memref<320000xi32, #tpu.memory_space<hbm>> -> memref<400xi32, #tpu.memory_space<hbm>>
    tpu.enqueue_dma source(%dma_start3A_7 : memref<400xi32, #tpu.memory_space<hbm>>) target(%arg7 : memref<400xi32, #tpu.memory_space<vmem>>) target_semaphore(%arg15 : memref<!tpu.dma_semaphore, #tpu.memory_space<semaphore_mem>>)
    %dma_start3A_8 = tpu.memref_slice %arg4[%add3A_6] : memref<320000xi32, #tpu.memory_space<hbm>> -> memref<400xi32, #tpu.memory_space<hbm>>
    %dma_start3A_9 = tpu.memref_slice %arg4[%add3A_6] : memref<320000xi32, #tpu.memory_space<hbm>> -> memref<400xi32, #tpu.memory_space<hbm>>
    tpu.enqueue_dma source(%dma_start3A_9 : memref<400xi32, #tpu.memory_space<hbm>>) target(%arg9 : memref<400xi32, #tpu.memory_space<vmem>>) target_semaphore(%arg15 : memref<!tpu.dma_semaphore, #tpu.memory_space<semaphore_mem>>)
    %add3A_10 = arith.constant 400 : i32
    %add3A_11 = arith.addi %mul3A_2, %add3A_10 : i32
    %add3A_12 = arith.constant 400 : i32
    %add3A_13 = arith.addi %mul3A_2, %add3A_12 : i32
    %dma_start3A_14 = tpu.memref_slice %arg3[%add3A_11] : memref<320000xi32, #tpu.memory_space<hbm>> -> memref<400xi32, #tpu.memory_space<hbm>>
    %dma_start3A_15 = tpu.memref_slice %arg3[%add3A_11] : memref<320000xi32, #tpu.memory_space<hbm>> -> memref<400xi32, #tpu.memory_space<hbm>>
    tpu.enqueue_dma source(%dma_start3A_15 : memref<400xi32, #tpu.memory_space<hbm>>) target(%arg8 : memref<400xi32, #tpu.memory_space<vmem>>) target_semaphore(%arg16 : memref<!tpu.dma_semaphore, #tpu.memory_space<semaphore_mem>>)
    %dma_start3A_16 = tpu.memref_slice %arg4[%add3A_13] : memref<320000xi32, #tpu.memory_space<hbm>> -> memref<400xi32, #tpu.memory_space<hbm>>
    %dma_start3A_17 = tpu.memref_slice %arg4[%add3A_13] : memref<320000xi32, #tpu.memory_space<hbm>> -> memref<400xi32, #tpu.memory_space<hbm>>
    tpu.enqueue_dma source(%dma_start3A_17 : memref<400xi32, #tpu.memory_space<hbm>>) target(%arg10 : memref<400xi32, #tpu.memory_space<vmem>>) target_semaphore(%arg16 : memref<!tpu.dma_semaphore, #tpu.memory_space<semaphore_mem>>)
    %scan3A = arith.constant 0 : i32
    %scan3A_18 = arith.constant 0 : i32
    %scan3A_19 = arith.constant 400 : i32
    %scan3A_20 = arith.addi %scan3A_18, %scan3A_19 : i32
    %scan3A_21 = arith.constant 1 : i32
    scf.for %scan3A_352 = %scan3A_18 to %scan3A_20 step %scan3A_21  : i32 {
      %swap3A_353 = arith.index_cast %scan3A_352 : i32 to index
      %swap3A_354 = arith.constant 0 : index
      %swap3A_355 = tpu.vector_load %arg11[%swap3A_353, %swap3A_354] {strides = array<i32>} : memref<400x64xf32, #tpu.memory_space<vmem>>, vector<1x16xf32>,
      %swap3A_356 = vector.shape_cast %swap3A_355 : vector<1x16xf32> to vector<16xf32>
      %swap3A_357 = vector.shape_cast %broadcast_in_dim3A_3 : vector<16xf32> to vector<1x16xf32>
      tpu.vector_store %arg11[%swap3A_353, %swap3A_354], %swap3A_357 {strides = array<i32>} : memref<400x64xf32, #tpu.memory_space<vmem>>, vector<1x16xf32>,
      %swap3A_358 = arith.index_cast %scan3A_352 : i32 to index
      %swap3A_359 = arith.constant 16 : index
      %swap3A_360 = tpu.vector_load %arg11[%swap3A_358, %swap3A_359] {strides = array<i32>} : memref<400x64xf32, #tpu.memory_space<vmem>>, vector<1x16xf32>,
      %swap3A_361 = vector.shape_cast %swap3A_360 : vector<1x16xf32> to vector<16xf32>
      %swap3A_362 = vector.shape_cast %broadcast_in_dim3A_3 : vector<16xf32> to vector<1x16xf32>
      tpu.vector_store %arg11[%swap3A_358, %swap3A_359], %swap3A_362 {strides = array<i32>} : memref<400x64xf32, #tpu.memory_space<vmem>>, vector<1x16xf32>,
      %swap3A_363 = arith.index_cast %scan3A_352 : i32 to index
      %swap3A_364 = arith.constant 32 : index
      %swap3A_365 = tpu.vector_load %arg11[%swap3A_363, %swap3A_364] {strides = array<i32>} : memref<400x64xf32, #tpu.memory_space<vmem>>, vector<1x16xf32>,
      %swap3A_366 = vector.shape_cast %swap3A_365 : vector<1x16xf32> to vector<16xf32>
      %swap3A_367 = vector.shape_cast %broadcast_in_dim3A_3 : vector<16xf32> to vector<1x16xf32>
      tpu.vector_store %arg11[%swap3A_363, %swap3A_364], %swap3A_367 {strides = array<i32>} : memref<400x64xf32, #tpu.memory_space<vmem>>, vector<1x16xf32>,
      %swap3A_368 = arith.index_cast %scan3A_352 : i32 to index
      %swap3A_369 = arith.constant 48 : index
      %swap3A_370 = tpu.vector_load %arg11[%swap3A_368, %swap3A_369] {strides = array<i32>} : memref<400x64xf32, #tpu.memory_space<vmem>>, vector<1x16xf32>,
      %swap3A_371 = vector.shape_cast %swap3A_370 : vector<1x16xf32> to vector<16xf32>
      %swap3A_372 = vector.shape_cast %broadcast_in_dim3A_3 : vector<16xf32> to vector<1x16xf32>
      tpu.vector_store %arg11[%swap3A_368, %swap3A_369], %swap3A_372 {strides = array<i32>} : memref<400x64xf32, #tpu.memory_space<vmem>>, vector<1x16xf32>,
    }
    %scan3A_22 = arith.constant 400 : i32
    "tpu.region"() ({
      %run_scoped3A = tpu.sem_alloc : memref<!tpu.dma_semaphore, #tpu.memory_space<semaphore_mem>>
      %dma_start3A_352 = arith.constant 0 : i32
      %dma_start3A_353 = tpu.memref_slice %arg6[%mul3A_0, %dma_start3A_352] : memref<10000x64xf32, #tpu.memory_space<vmem_shared>> -> memref<400x64xf32, #tpu.memory_space<vmem_shared>>
      %dma_start3A_354 = arith.constant 0 : i32
      %dma_start3A_355 = tpu.memref_slice %arg6[%mul3A_0, %dma_start3A_354] : memref<10000x64xf32, #tpu.memory_space<vmem_shared>> -> memref<400x64xf32, #tpu.memory_space<vmem_shared>>
      tpu.enqueue_dma source(%arg11 : memref<400x64xf32, #tpu.memory_space<vmem>>) target(%dma_start3A_355 : memref<400x64xf32, #tpu.memory_space<vmem_shared>>) target_semaphore(%run_scoped3A : memref<!tpu.dma_semaphore, #tpu.memory_space<semaphore_mem>>)
      %dma_wait3A_356 = arith.constant 0 : i32
      %dma_wait3A_357 = tpu.memref_slice %arg6[%mul3A_0, %dma_wait3A_356] : memref<10000x64xf32, #tpu.memory_space<vmem_shared>> -> memref<400x64xf32, #tpu.memory_space<vmem_shared>>
      %dma_wait3A_358 = arith.constant 0 : i32
      %dma_wait3A_359 = tpu.memref_slice %arg6[%mul3A_0, %dma_wait3A_358] : memref<10000x64xf32, #tpu.memory_space<vmem_shared>> -> memref<400x64xf32, #tpu.memory_space<vmem_shared>>
      tpu.wait_dma2 semaphore(%run_scoped3A : memref<!tpu.dma_semaphore, #tpu.memory_space<semaphore_mem>>) src(%arg11 : memref<400x64xf32, #tpu.memory_space<vmem>>) dst(%dma_wait3A_359 : memref<400x64xf32, #tpu.memory_space<vmem_shared>>)
      tpu.yield
    }) : () -> ()
    %add3A_23 = arith.constant 400 : i32
    %add3A_24 = arith.addi %mul3A_0, %add3A_23 : i32
    "tpu.region"() ({
      %run_scoped3A = tpu.sem_alloc : memref<!tpu.dma_semaphore, #tpu.memory_space<semaphore_mem>>
      %dma_start3A_352 = arith.constant 0 : i32
      %dma_start3A_353 = arith.constant 0 : i32
      %dma_start3A_354 = tpu.memref_slice %arg11[%dma_start3A_352, %dma_start3A_353] : memref<400x64xf32, #tpu.memory_space<vmem>> -> memref<224x64xf32, #tpu.memory_space<vmem>>
      %dma_start3A_355 = arith.constant 0 : i32
      %dma_start3A_356 = tpu.memref_slice %arg6[%add3A_24, %dma_start3A_355] : memref<10000x64xf32, #tpu.memory_space<vmem_shared>> -> memref<224x64xf32, #tpu.memory_space<vmem_shared>>
      %dma_start3A_357 = arith.constant 0 : i32
      %dma_start3A_358 = tpu.memref_slice %arg6[%add3A_24, %dma_start3A_357] : memref<10000x64xf32, #tpu.memory_space<vmem_shared>> -> memref<224x64xf32, #tpu.memory_space<vmem_shared>>
      %dma_start3A_359 = arith.constant 0 : i32
      %dma_start3A_360 = arith.constant 0 : i32
      %dma_start3A_361 = tpu.memref_slice %arg11[%dma_start3A_359, %dma_start3A_360] : memref<400x64xf32, #tpu.memory_space<vmem>> -> memref<224x64xf32, #tpu.memory_space<vmem>>
      tpu.enqueue_dma source(%dma_start3A_361 : memref<224x64xf32, #tpu.memory_space<vmem>>) target(%dma_start3A_358 : memref<224x64xf32, #tpu.memory_space<vmem_shared>>) target_semaphore(%run_scoped3A : memref<!tpu.dma_semaphore, #tpu.memory_space<semaphore_mem>>)
      %dma_wait3A_362 = arith.constant 0 : i32
      %dma_wait3A_363 = arith.constant 0 : i32
      %dma_wait3A_364 = tpu.memref_slice %arg11[%dma_wait3A_362, %dma_wait3A_363] : memref<400x64xf32, #tpu.memory_space<vmem>> -> memref<224x64xf32, #tpu.memory_space<vmem>>
      %dma_wait3A_365 = arith.constant 0 : i32
      %dma_wait3A_366 = tpu.memref_slice %arg6[%add3A_24, %dma_wait3A_365] : memref<10000x64xf32, #tpu.memory_space<vmem_shared>> -> memref<224x64xf32, #tpu.memory_space<vmem_shared>>
      %dma_wait3A_367 = arith.constant 0 : i32
      %dma_wait3A_368 = tpu.memref_slice %arg6[%add3A_24, %dma_wait3A_367] : memref<10000x64xf32, #tpu.memory_space<vmem_shared>> -> memref<224x64xf32, #tpu.memory_space<vmem_shared>>
      %dma_wait3A_369 = arith.constant 0 : i32
      %dma_wait3A_370 = arith.constant 0 : i32
      %dma_wait3A_371 = tpu.memref_slice %arg11[%dma_wait3A_369, %dma_wait3A_370] : memref<400x64xf32, #tpu.memory_space<vmem>> -> memref<224x64xf32, #tpu.memory_space<vmem>>
      tpu.wait_dma2 semaphore(%run_scoped3A : memref<!tpu.dma_semaphore, #tpu.memory_space<semaphore_mem>>) src(%dma_wait3A_371 : memref<224x64xf32, #tpu.memory_space<vmem>>) dst(%dma_wait3A_368 : memref<224x64xf32, #tpu.memory_space<vmem_shared>>)
      tpu.yield
    }) : () -> ()
    %eq3A = arith.constant 15 : i32
    %eq3A_25 = arith.cmpi eq, %arg1, %eq3A : i32
    %convert_element_type3A = arith.extui %eq3A_25 : i1 to i32
    %cond3A = arith.constant 0 : i32
    %cond3A_26 = arith.cmpi ne, %convert_element_type3A, %cond3A : i32
    scf.if %cond3A_26 {
      "tpu.region"() ({
        %run_scoped3A = tpu.sem_alloc : memref<!tpu.dma_semaphore, #tpu.memory_space<semaphore_mem>>
        %dma_start3A_352 = arith.constant 0 : i32
        %dma_start3A_353 = arith.constant 0 : i32
        %dma_start3A_354 = tpu.memref_slice %arg11[%dma_start3A_352, %dma_start3A_353] : memref<400x64xf32, #tpu.memory_space<vmem>> -> memref<16x64xf32, #tpu.memory_space<vmem>>
        %dma_start3A_355 = arith.constant 9984 : i32
        %dma_start3A_356 = arith.constant 0 : i32
        %dma_start3A_357 = tpu.memref_slice %arg6[%dma_start3A_355, %dma_start3A_356] : memref<10000x64xf32, #tpu.memory_space<vmem_shared>> -> memref<16x64xf32, #tpu.memory_space<vmem_shared>>
        %dma_start3A_358 = arith.constant 9984 : i32
        %dma_start3A_359 = arith.constant 0 : i32
        %dma_start3A_360 = tpu.memref_slice %arg6[%dma_start3A_358, %dma_start3A_359] : memref<10000x64xf32, #tpu.memory_space<vmem_shared>> -> memref<16x64xf32, #tpu.memory_space<vmem_shared>>
        %dma_start3A_361 = arith.constant 0 : i32
        %dma_start3A_362 = arith.constant 0 : i32
        %dma_start3A_363 = tpu.memref_slice %arg11[%dma_start3A_361, %dma_start3A_362] : memref<400x64xf32, #tpu.memory_space<vmem>> -> memref<16x64xf32, #tpu.memory_space<vmem>>
        tpu.enqueue_dma source(%dma_start3A_363 : memref<16x64xf32, #tpu.memory_space<vmem>>) target(%dma_start3A_360 : memref<16x64xf32, #tpu.memory_space<vmem_shared>>) target_semaphore(%run_scoped3A : memref<!tpu.dma_semaphore, #tpu.memory_space<semaphore_mem>>)
        %dma_wait3A_364 = arith.constant 0 : i32
        %dma_wait3A_365 = arith.constant 0 : i32
        %dma_wait3A_366 = tpu.memref_slice %arg11[%dma_wait3A_364, %dma_wait3A_365] : memref<400x64xf32, #tpu.memory_space<vmem>> -> memref<16x64xf32, #tpu.memory_space<vmem>>
        %dma_wait3A_367 = arith.constant 9984 : i32
        %dma_wait3A_368 = arith.constant 0 : i32
        %dma_wait3A_369 = tpu.memref_slice %arg6[%dma_wait3A_367, %dma_wait3A_368] : memref<10000x64xf32, #tpu.memory_space<vmem_shared>> -> memref<16x64xf32, #tpu.memory_space<vmem_shared>>
        %dma_wait3A_370 = arith.constant 9984 : i32
        %dma_wait3A_371 = arith.constant 0 : i32
        %dma_wait3A_372 = tpu.memref_slice %arg6[%dma_wait3A_370, %dma_wait3A_371] : memref<10000x64xf32, #tpu.memory_space<vmem_shared>> -> memref<16x64xf32, #tpu.memory_space<vmem_shared>>
        %dma_wait3A_373 = arith.constant 0 : i32
        %dma_wait3A_374 = arith.constant 0 : i32
        %dma_wait3A_375 = tpu.memref_slice %arg11[%dma_wait3A_373, %dma_wait3A_374] : memref<400x64xf32, #tpu.memory_space<vmem>> -> memref<16x64xf32, #tpu.memory_space<vmem>>
        tpu.wait_dma2 semaphore(%run_scoped3A : memref<!tpu.dma_semaphore, #tpu.memory_space<semaphore_mem>>) src(%dma_wait3A_375 : memref<16x64xf32, #tpu.memory_space<vmem>>) dst(%dma_wait3A_372 : memref<16x64xf32, #tpu.memory_space<vmem_shared>>)
        tpu.yield
      }) : () -> ()
    } else {
    }
    %barrier3A = arith.constant 0 : index
    tpu.barrier barrier_id(%barrier3A)
    %add3A_27 = arith.constant 0 : i32
    %add3A_28 = arith.addi %mul3A_2, %add3A_27 : i32
    %add3A_29 = arith.constant 0 : i32
    %add3A_30 = arith.addi %mul3A_2, %add3A_29 : i32
    %dma_wait3A = tpu.memref_slice %arg3[%add3A_28] : memref<320000xi32, #tpu.memory_space<hbm>> -> memref<400xi32, #tpu.memory_space<hbm>>
    %dma_wait3A_31 = tpu.memref_slice %arg3[%add3A_28] : memref<320000xi32, #tpu.memory_space<hbm>> -> memref<400xi32, #tpu.memory_space<hbm>>
    tpu.wait_dma2 semaphore(%arg15 : memref<!tpu.dma_semaphore, #tpu.memory_space<semaphore_mem>>) src(%dma_wait3A_31 : memref<400xi32, #tpu.memory_space<hbm>>) dst(%arg7 : memref<400xi32, #tpu.memory_space<vmem>>)
    %dma_wait3A_32 = tpu.memref_slice %arg4[%add3A_30] : memref<320000xi32, #tpu.memory_space<hbm>> -> memref<400xi32, #tpu.memory_space<hbm>>
    %dma_wait3A_33 = tpu.memref_slice %arg4[%add3A_30] : memref<320000xi32, #tpu.memory_space<hbm>> -> memref<400xi32, #tpu.memory_space<hbm>>
    tpu.wait_dma2 semaphore(%arg15 : memref<!tpu.dma_semaphore, #tpu.memory_space<semaphore_mem>>) src(%dma_wait3A_33 : memref<400xi32, #tpu.memory_space<hbm>>) dst(%arg9 : memref<400xi32, #tpu.memory_space<vmem>>)
    %get3A = arith.constant 0 : index
    %get3A_34 = tpu.vector_load %arg7[%get3A] {strides = array<i32>} : memref<400xi32, #tpu.memory_space<vmem>>, vector<16xi32>,
    %get3A_35 = vector.shape_cast %get3A_34 : vector<16xi32> to vector<16xi32>
    %mul3A_36 = arith.constant 2 : i32
    %mul3A_37 = vector.broadcast %mul3A_36 : i32 to vector<16xi32>
    %mul3A_38 = arith.muli %get3A_35, %mul3A_37 : vector<16xi32>
    %add3A_39 = vector.broadcast %arg0 : i32 to vector<16xi32>
    %add3A_40 = arith.addi %mul3A_38, %add3A_39 : vector<16xi32>
    %swap3A = arith.constant 0 : index
    %swap3A_41 = tpu.vector_load %arg7[%swap3A] {strides = array<i32>} : memref<400xi32, #tpu.memory_space<vmem>>, vector<16xi32>,
    %swap3A_42 = vector.shape_cast %swap3A_41 : vector<16xi32> to vector<16xi32>
    %swap3A_43 = vector.shape_cast %add3A_40 : vector<16xi32> to vector<16xi32>
    tpu.vector_store %arg7[%swap3A], %swap3A_43 {strides = array<i32>} : memref<400xi32, #tpu.memory_space<vmem>>, vector<16xi32>,
    %get3A_44 = arith.constant 16 : index
    %get3A_45 = tpu.vector_load %arg7[%get3A_44] {strides = array<i32>} : memref<400xi32, #tpu.memory_space<vmem>>, vector<16xi32>,
    %get3A_46 = vector.shape_cast %get3A_45 : vector<16xi32> to vector<16xi32>
    %mul3A_47 = arith.constant 2 : i32
    %mul3A_48 = vector.broadcast %mul3A_47 : i32 to vector<16xi32>
    %mul3A_49 = arith.muli %get3A_46, %mul3A_48 : vector<16xi32>
    %add3A_50 = vector.broadcast %arg0 : i32 to vector<16xi32>
    %add3A_51 = arith.addi %mul3A_49, %add3A_50 : vector<16xi32>
    %swap3A_52 = arith.constant 16 : index
    %swap3A_53 = tpu.vector_load %arg7[%swap3A_52] {strides = array<i32>} : memref<400xi32, #tpu.memory_space<vmem>>, vector<16xi32>,
    %swap3A_54 = vector.shape_cast %swap3A_53 : vector<16xi32> to vector<16xi32>
    %swap3A_55 = vector.shape_cast %add3A_51 : vector<16xi32> to vector<16xi32>
    tpu.vector_store %arg7[%swap3A_52], %swap3A_55 {strides = array<i32>} : memref<400xi32, #tpu.memory_space<vmem>>, vector<16xi32>,
    %get3A_56 = arith.constant 32 : index
    %get3A_57 = tpu.vector_load %arg7[%get3A_56] {strides = array<i32>} : memref<400xi32, #tpu.memory_space<vmem>>, vector<16xi32>,
    %get3A_58 = vector.shape_cast %get3A_57 : vector<16xi32> to vector<16xi32>
    %mul3A_59 = arith.constant 2 : i32
    %mul3A_60 = vector.broadcast %mul3A_59 : i32 to vector<16xi32>
    %mul3A_61 = arith.muli %get3A_58, %mul3A_60 : vector<16xi32>
    %add3A_62 = vector.broadcast %arg0 : i32 to vector<16xi32>
    %add3A_63 = arith.addi %mul3A_61, %add3A_62 : vector<16xi32>
    %swap3A_64 = arith.constant 32 : index
    %swap3A_65 = tpu.vector_load %arg7[%swap3A_64] {strides = array<i32>} : memref<400xi32, #tpu.memory_space<vmem>>, vector<16xi32>,
    %swap3A_66 = vector.shape_cast %swap3A_65 : vector<16xi32> to vector<16xi32>
    %swap3A_67 = vector.shape_cast %add3A_63 : vector<16xi32> to vector<16xi32>
    tpu.vector_store %arg7[%swap3A_64], %swap3A_67 {strides = array<i32>} : memref<400xi32, #tpu.memory_space<vmem>>, vector<16xi32>,
    %get3A_68 = arith.constant 48 : index
    %get3A_69 = tpu.vector_load %arg7[%get3A_68] {strides = array<i32>} : memref<400xi32, #tpu.memory_space<vmem>>, vector<16xi32>,
    %get3A_70 = vector.shape_cast %get3A_69 : vector<16xi32> to vector<16xi32>
    %mul3A_71 = arith.constant 2 : i32
    %mul3A_72 = vector.broadcast %mul3A_71 : i32 to vector<16xi32>
    %mul3A_73 = arith.muli %get3A_70, %mul3A_72 : vector<16xi32>
    %add3A_74 = vector.broadcast %arg0 : i32 to vector<16xi32>
    %add3A_75 = arith.addi %mul3A_73, %add3A_74 : vector<16xi32>
    %swap3A_76 = arith.constant 48 : index
    %swap3A_77 = tpu.vector_load %arg7[%swap3A_76] {strides = array<i32>} : memref<400xi32, #tpu.memory_space<vmem>>, vector<16xi32>,
    %swap3A_78 = vector.shape_cast %swap3A_77 : vector<16xi32> to vector<16xi32>
    %swap3A_79 = vector.shape_cast %add3A_75 : vector<16xi32> to vector<16xi32>
    tpu.vector_store %arg7[%swap3A_76], %swap3A_79 {strides = array<i32>} : memref<400xi32, #tpu.memory_space<vmem>>, vector<16xi32>,
    %get3A_80 = arith.constant 64 : index
    %get3A_81 = tpu.vector_load %arg7[%get3A_80] {strides = array<i32>} : memref<400xi32, #tpu.memory_space<vmem>>, vector<16xi32>,
    %get3A_82 = vector.shape_cast %get3A_81 : vector<16xi32> to vector<16xi32>
    %mul3A_83 = arith.constant 2 : i32
    %mul3A_84 = vector.broadcast %mul3A_83 : i32 to vector<16xi32>
    %mul3A_85 = arith.muli %get3A_82, %mul3A_84 : vector<16xi32>
    %add3A_86 = vector.broadcast %arg0 : i32 to vector<16xi32>
    %add3A_87 = arith.addi %mul3A_85, %add3A_86 : vector<16xi32>
    %swap3A_88 = arith.constant 64 : index
    %swap3A_89 = tpu.vector_load %arg7[%swap3A_88] {strides = array<i32>} : memref<400xi32, #tpu.memory_space<vmem>>, vector<16xi32>,
    %swap3A_90 = vector.shape_cast %swap3A_89 : vector<16xi32> to vector<16xi32>
    %swap3A_91 = vector.shape_cast %add3A_87 : vector<16xi32> to vector<16xi32>
    tpu.vector_store %arg7[%swap3A_88], %swap3A_91 {strides = array<i32>} : memref<400xi32, #tpu.memory_space<vmem>>, vector<16xi32>,
    %get3A_92 = arith.constant 80 : index
    %get3A_93 = tpu.vector_load %arg7[%get3A_92] {strides = array<i32>} : memref<400xi32, #tpu.memory_space<vmem>>, vector<16xi32>,
    %get3A_94 = vector.shape_cast %get3A_93 : vector<16xi32> to vector<16xi32>
    %mul3A_95 = arith.constant 2 : i32
    %mul3A_96 = vector.broadcast %mul3A_95 : i32 to vector<16xi32>
    %mul3A_97 = arith.muli %get3A_94, %mul3A_96 : vector<16xi32>
    %add3A_98 = vector.broadcast %arg0 : i32 to vector<16xi32>
    %add3A_99 = arith.addi %mul3A_97, %add3A_98 : vector<16xi32>
    %swap3A_100 = arith.constant 80 : index
    %swap3A_101 = tpu.vector_load %arg7[%swap3A_100] {strides = array<i32>} : memref<400xi32, #tpu.memory_space<vmem>>, vector<16xi32>,
    %swap3A_102 = vector.shape_cast %swap3A_101 : vector<16xi32> to vector<16xi32>
    %swap3A_103 = vector.shape_cast %add3A_99 : vector<16xi32> to vector<16xi32>
    tpu.vector_store %arg7[%swap3A_100], %swap3A_103 {strides = array<i32>} : memref<400xi32, #tpu.memory_space<vmem>>, vector<16xi32>,
    %get3A_104 = arith.constant 96 : index
    %get3A_105 = tpu.vector_load %arg7[%get3A_104] {strides = array<i32>} : memref<400xi32, #tpu.memory_space<vmem>>, vector<16xi32>,
    %get3A_106 = vector.shape_cast %get3A_105 : vector<16xi32> to vector<16xi32>
    %mul3A_107 = arith.constant 2 : i32
    %mul3A_108 = vector.broadcast %mul3A_107 : i32 to vector<16xi32>
    %mul3A_109 = arith.muli %get3A_106, %mul3A_108 : vector<16xi32>
    %add3A_110 = vector.broadcast %arg0 : i32 to vector<16xi32>
    %add3A_111 = arith.addi %mul3A_109, %add3A_110 : vector<16xi32>
    %swap3A_112 = arith.constant 96 : index
    %swap3A_113 = tpu.vector_load %arg7[%swap3A_112] {strides = array<i32>} : memref<400xi32, #tpu.memory_space<vmem>>, vector<16xi32>,
    %swap3A_114 = vector.shape_cast %swap3A_113 : vector<16xi32> to vector<16xi32>
    %swap3A_115 = vector.shape_cast %add3A_111 : vector<16xi32> to vector<16xi32>
    tpu.vector_store %arg7[%swap3A_112], %swap3A_115 {strides = array<i32>} : memref<400xi32, #tpu.memory_space<vmem>>, vector<16xi32>,
    %get3A_116 = arith.constant 112 : index
    %get3A_117 = tpu.vector_load %arg7[%get3A_116] {strides = array<i32>} : memref<400xi32, #tpu.memory_space<vmem>>, vector<16xi32>,
    %get3A_118 = vector.shape_cast %get3A_117 : vector<16xi32> to vector<16xi32>
    %mul3A_119 = arith.constant 2 : i32
    %mul3A_120 = vector.broadcast %mul3A_119 : i32 to vector<16xi32>
    %mul3A_121 = arith.muli %get3A_118, %mul3A_120 : vector<16xi32>
    %add3A_122 = vector.broadcast %arg0 : i32 to vector<16xi32>
    %add3A_123 = arith.addi %mul3A_121, %add3A_122 : vector<16xi32>
    %swap3A_124 = arith.constant 112 : index
    %swap3A_125 = tpu.vector_load %arg7[%swap3A_124] {strides = array<i32>} : memref<400xi32, #tpu.memory_space<vmem>>, vector<16xi32>,
    %swap3A_126 = vector.shape_cast %swap3A_125 : vector<16xi32> to vector<16xi32>
    %swap3A_127 = vector.shape_cast %add3A_123 : vector<16xi32> to vector<16xi32>
    tpu.vector_store %arg7[%swap3A_124], %swap3A_127 {strides = array<i32>} : memref<400xi32, #tpu.memory_space<vmem>>, vector<16xi32>,
    %get3A_128 = arith.constant 128 : index
    %get3A_129 = tpu.vector_load %arg7[%get3A_128] {strides = array<i32>} : memref<400xi32, #tpu.memory_space<vmem>>, vector<16xi32>,
    %get3A_130 = vector.shape_cast %get3A_129 : vector<16xi32> to vector<16xi32>
    %mul3A_131 = arith.constant 2 : i32
    %mul3A_132 = vector.broadcast %mul3A_131 : i32 to vector<16xi32>
    %mul3A_133 = arith.muli %get3A_130, %mul3A_132 : vector<16xi32>
    %add3A_134 = vector.broadcast %arg0 : i32 to vector<16xi32>
    %add3A_135 = arith.addi %mul3A_133, %add3A_134 : vector<16xi32>
    %swap3A_136 = arith.constant 128 : index
    %swap3A_137 = tpu.vector_load %arg7[%swap3A_136] {strides = array<i32>} : memref<400xi32, #tpu.memory_space<vmem>>, vector<16xi32>,
    %swap3A_138 = vector.shape_cast %swap3A_137 : vector<16xi32> to vector<16xi32>
    %swap3A_139 = vector.shape_cast %add3A_135 : vector<16xi32> to vector<16xi32>
    tpu.vector_store %arg7[%swap3A_136], %swap3A_139 {strides = array<i32>} : memref<400xi32, #tpu.memory_space<vmem>>, vector<16xi32>,
    %get3A_140 = arith.constant 144 : index
    %get3A_141 = tpu.vector_load %arg7[%get3A_140] {strides = array<i32>} : memref<400xi32, #tpu.memory_space<vmem>>, vector<16xi32>,
    %get3A_142 = vector.shape_cast %get3A_141 : vector<16xi32> to vector<16xi32>
    %mul3A_143 = arith.constant 2 : i32
    %mul3A_144 = vector.broadcast %mul3A_143 : i32 to vector<16xi32>
    %mul3A_145 = arith.muli %get3A_142, %mul3A_144 : vector<16xi32>
    %add3A_146 = vector.broadcast %arg0 : i32 to vector<16xi32>
    %add3A_147 = arith.addi %mul3A_145, %add3A_146 : vector<16xi32>
    %swap3A_148 = arith.constant 144 : index
    %swap3A_149 = tpu.vector_load %arg7[%swap3A_148] {strides = array<i32>} : memref<400xi32, #tpu.memory_space<vmem>>, vector<16xi32>,
    %swap3A_150 = vector.shape_cast %swap3A_149 : vector<16xi32> to vector<16xi32>
    %swap3A_151 = vector.shape_cast %add3A_147 : vector<16xi32> to vector<16xi32>
    tpu.vector_store %arg7[%swap3A_148], %swap3A_151 {strides = array<i32>} : memref<400xi32, #tpu.memory_space<vmem>>, vector<16xi32>,
    %get3A_152 = arith.constant 160 : index
    %get3A_153 = tpu.vector_load %arg7[%get3A_152] {strides = array<i32>} : memref<400xi32, #tpu.memory_space<vmem>>, vector<16xi32>,
    %get3A_154 = vector.shape_cast %get3A_153 : vector<16xi32> to vector<16xi32>
    %mul3A_155 = arith.constant 2 : i32
    %mul3A_156 = vector.broadcast %mul3A_155 : i32 to vector<16xi32>
    %mul3A_157 = arith.muli %get3A_154, %mul3A_156 : vector<16xi32>
    %add3A_158 = vector.broadcast %arg0 : i32 to vector<16xi32>
    %add3A_159 = arith.addi %mul3A_157, %add3A_158 : vector<16xi32>
    %swap3A_160 = arith.constant 160 : index
    %swap3A_161 = tpu.vector_load %arg7[%swap3A_160] {strides = array<i32>} : memref<400xi32, #tpu.memory_space<vmem>>, vector<16xi32>,
    %swap3A_162 = vector.shape_cast %swap3A_161 : vector<16xi32> to vector<16xi32>
    %swap3A_163 = vector.shape_cast %add3A_159 : vector<16xi32> to vector<16xi32>
    tpu.vector_store %arg7[%swap3A_160], %swap3A_163 {strides = array<i32>} : memref<400xi32, #tpu.memory_space<vmem>>, vector<16xi32>,
    %get3A_164 = arith.constant 176 : index
    %get3A_165 = tpu.vector_load %arg7[%get3A_164] {strides = array<i32>} : memref<400xi32, #tpu.memory_space<vmem>>, vector<16xi32>,
    %get3A_166 = vector.shape_cast %get3A_165 : vector<16xi32> to vector<16xi32>
    %mul3A_167 = arith.constant 2 : i32
    %mul3A_168 = vector.broadcast %mul3A_167 : i32 to vector<16xi32>
    %mul3A_169 = arith.muli %get3A_166, %mul3A_168 : vector<16xi32>
    %add3A_170 = vector.broadcast %arg0 : i32 to vector<16xi32>
    %add3A_171 = arith.addi %mul3A_169, %add3A_170 : vector<16xi32>
    %swap3A_172 = arith.constant 176 : index
    %swap3A_173 = tpu.vector_load %arg7[%swap3A_172] {strides = array<i32>} : memref<400xi32, #tpu.memory_space<vmem>>, vector<16xi32>,
    %swap3A_174 = vector.shape_cast %swap3A_173 : vector<16xi32> to vector<16xi32>
    %swap3A_175 = vector.shape_cast %add3A_171 : vector<16xi32> to vector<16xi32>
    tpu.vector_store %arg7[%swap3A_172], %swap3A_175 {strides = array<i32>} : memref<400xi32, #tpu.memory_space<vmem>>, vector<16xi32>,
    %get3A_176 = arith.constant 192 : index
    %get3A_177 = tpu.vector_load %arg7[%get3A_176] {strides = array<i32>} : memref<400xi32, #tpu.memory_space<vmem>>, vector<16xi32>,
    %get3A_178 = vector.shape_cast %get3A_177 : vector<16xi32> to vector<16xi32>
    %mul3A_179 = arith.constant 2 : i32
    %mul3A_180 = vector.broadcast %mul3A_179 : i32 to vector<16xi32>
    %mul3A_181 = arith.muli %get3A_178, %mul3A_180 : vector<16xi32>
    %add3A_182 = vector.broadcast %arg0 : i32 to vector<16xi32>
    %add3A_183 = arith.addi %mul3A_181, %add3A_182 : vector<16xi32>
    %swap3A_184 = arith.constant 192 : index
    %swap3A_185 = tpu.vector_load %arg7[%swap3A_184] {strides = array<i32>} : memref<400xi32, #tpu.memory_space<vmem>>, vector<16xi32>,
    %swap3A_186 = vector.shape_cast %swap3A_185 : vector<16xi32> to vector<16xi32>
    %swap3A_187 = vector.shape_cast %add3A_183 : vector<16xi32> to vector<16xi32>
    tpu.vector_store %arg7[%swap3A_184], %swap3A_187 {strides = array<i32>} : memref<400xi32, #tpu.memory_space<vmem>>, vector<16xi32>,
    %get3A_188 = arith.constant 208 : index
    %get3A_189 = tpu.vector_load %arg7[%get3A_188] {strides = array<i32>} : memref<400xi32, #tpu.memory_space<vmem>>, vector<16xi32>,
    %get3A_190 = vector.shape_cast %get3A_189 : vector<16xi32> to vector<16xi32>
    %mul3A_191 = arith.constant 2 : i32
    %mul3A_192 = vector.broadcast %mul3A_191 : i32 to vector<16xi32>
    %mul3A_193 = arith.muli %get3A_190, %mul3A_192 : vector<16xi32>
    %add3A_194 = vector.broadcast %arg0 : i32 to vector<16xi32>
    %add3A_195 = arith.addi %mul3A_193, %add3A_194 : vector<16xi32>
    %swap3A_196 = arith.constant 208 : index
    %swap3A_197 = tpu.vector_load %arg7[%swap3A_196] {strides = array<i32>} : memref<400xi32, #tpu.memory_space<vmem>>, vector<16xi32>,
    %swap3A_198 = vector.shape_cast %swap3A_197 : vector<16xi32> to vector<16xi32>
    %swap3A_199 = vector.shape_cast %add3A_195 : vector<16xi32> to vector<16xi32>
    tpu.vector_store %arg7[%swap3A_196], %swap3A_199 {strides = array<i32>} : memref<400xi32, #tpu.memory_space<vmem>>, vector<16xi32>,
    %get3A_200 = arith.constant 224 : index
    %get3A_201 = tpu.vector_load %arg7[%get3A_200] {strides = array<i32>} : memref<400xi32, #tpu.memory_space<vmem>>, vector<16xi32>,
    %get3A_202 = vector.shape_cast %get3A_201 : vector<16xi32> to vector<16xi32>
    %mul3A_203 = arith.constant 2 : i32
    %mul3A_204 = vector.broadcast %mul3A_203 : i32 to vector<16xi32>
    %mul3A_205 = arith.muli %get3A_202, %mul3A_204 : vector<16xi32>
    %add3A_206 = vector.broadcast %arg0 : i32 to vector<16xi32>
    %add3A_207 = arith.addi %mul3A_205, %add3A_206 : vector<16xi32>
    %swap3A_208 = arith.constant 224 : index
    %swap3A_209 = tpu.vector_load %arg7[%swap3A_208] {strides = array<i32>} : memref<400xi32, #tpu.memory_space<vmem>>, vector<16xi32>,
    %swap3A_210 = vector.shape_cast %swap3A_209 : vector<16xi32> to vector<16xi32>
    %swap3A_211 = vector.shape_cast %add3A_207 : vector<16xi32> to vector<16xi32>
    tpu.vector_store %arg7[%swap3A_208], %swap3A_211 {strides = array<i32>} : memref<400xi32, #tpu.memory_space<vmem>>, vector<16xi32>,
    %get3A_212 = arith.constant 240 : index
    %get3A_213 = tpu.vector_load %arg7[%get3A_212] {strides = array<i32>} : memref<400xi32, #tpu.memory_space<vmem>>, vector<16xi32>,
    %get3A_214 = vector.shape_cast %get3A_213 : vector<16xi32> to vector<16xi32>
    %mul3A_215 = arith.constant 2 : i32
    %mul3A_216 = vector.broadcast %mul3A_215 : i32 to vector<16xi32>
    %mul3A_217 = arith.muli %get3A_214, %mul3A_216 : vector<16xi32>
    %add3A_218 = vector.broadcast %arg0 : i32 to vector<16xi32>
    %add3A_219 = arith.addi %mul3A_217, %add3A_218 : vector<16xi32>
    %swap3A_220 = arith.constant 240 : index
    %swap3A_221 = tpu.vector_load %arg7[%swap3A_220] {strides = array<i32>} : memref<400xi32, #tpu.memory_space<vmem>>, vector<16xi32>,
    %swap3A_222 = vector.shape_cast %swap3A_221 : vector<16xi32> to vector<16xi32>
    %swap3A_223 = vector.shape_cast %add3A_219 : vector<16xi32> to vector<16xi32>
    tpu.vector_store %arg7[%swap3A_220], %swap3A_223 {strides = array<i32>} : memref<400xi32, #tpu.memory_space<vmem>>, vector<16xi32>,
    %get3A_224 = arith.constant 256 : index
    %get3A_225 = tpu.vector_load %arg7[%get3A_224] {strides = array<i32>} : memref<400xi32, #tpu.memory_space<vmem>>, vector<16xi32>,
    %get3A_226 = vector.shape_cast %get3A_225 : vector<16xi32> to vector<16xi32>
    %mul3A_227 = arith.constant 2 : i32
    %mul3A_228 = vector.broadcast %mul3A_227 : i32 to vector<16xi32>
    %mul3A_229 = arith.muli %get3A_226, %mul3A_228 : vector<16xi32>
    %add3A_230 = vector.broadcast %arg0 : i32 to vector<16xi32>
    %add3A_231 = arith.addi %mul3A_229, %add3A_230 : vector<16xi32>
    %swap3A_232 = arith.constant 256 : index
    %swap3A_233 = tpu.vector_load %arg7[%swap3A_232] {strides = array<i32>} : memref<400xi32, #tpu.memory_space<vmem>>, vector<16xi32>,
    %swap3A_234 = vector.shape_cast %swap3A_233 : vector<16xi32> to vector<16xi32>
    %swap3A_235 = vector.shape_cast %add3A_231 : vector<16xi32> to vector<16xi32>
    tpu.vector_store %arg7[%swap3A_232], %swap3A_235 {strides = array<i32>} : memref<400xi32, #tpu.memory_space<vmem>>, vector<16xi32>,
    %get3A_236 = arith.constant 272 : index
    %get3A_237 = tpu.vector_load %arg7[%get3A_236] {strides = array<i32>} : memref<400xi32, #tpu.memory_space<vmem>>, vector<16xi32>,
    %get3A_238 = vector.shape_cast %get3A_237 : vector<16xi32> to vector<16xi32>
    %mul3A_239 = arith.constant 2 : i32
    %mul3A_240 = vector.broadcast %mul3A_239 : i32 to vector<16xi32>
    %mul3A_241 = arith.muli %get3A_238, %mul3A_240 : vector<16xi32>
    %add3A_242 = vector.broadcast %arg0 : i32 to vector<16xi32>
    %add3A_243 = arith.addi %mul3A_241, %add3A_242 : vector<16xi32>
    %swap3A_244 = arith.constant 272 : index
    %swap3A_245 = tpu.vector_load %arg7[%swap3A_244] {strides = array<i32>} : memref<400xi32, #tpu.memory_space<vmem>>, vector<16xi32>,
    %swap3A_246 = vector.shape_cast %swap3A_245 : vector<16xi32> to vector<16xi32>
    %swap3A_247 = vector.shape_cast %add3A_243 : vector<16xi32> to vector<16xi32>
    tpu.vector_store %arg7[%swap3A_244], %swap3A_247 {strides = array<i32>} : memref<400xi32, #tpu.memory_space<vmem>>, vector<16xi32>,
    %get3A_248 = arith.constant 288 : index
    %get3A_249 = tpu.vector_load %arg7[%get3A_248] {strides = array<i32>} : memref<400xi32, #tpu.memory_space<vmem>>, vector<16xi32>,
    %get3A_250 = vector.shape_cast %get3A_249 : vector<16xi32> to vector<16xi32>
    %mul3A_251 = arith.constant 2 : i32
    %mul3A_252 = vector.broadcast %mul3A_251 : i32 to vector<16xi32>
    %mul3A_253 = arith.muli %get3A_250, %mul3A_252 : vector<16xi32>
    %add3A_254 = vector.broadcast %arg0 : i32 to vector<16xi32>
    %add3A_255 = arith.addi %mul3A_253, %add3A_254 : vector<16xi32>
    %swap3A_256 = arith.constant 288 : index
    %swap3A_257 = tpu.vector_load %arg7[%swap3A_256] {strides = array<i32>} : memref<400xi32, #tpu.memory_space<vmem>>, vector<16xi32>,
    %swap3A_258 = vector.shape_cast %swap3A_257 : vector<16xi32> to vector<16xi32>
    %swap3A_259 = vector.shape_cast %add3A_255 : vector<16xi32> to vector<16xi32>
    tpu.vector_store %arg7[%swap3A_256], %swap3A_259 {strides = array<i32>} : memref<400xi32, #tpu.memory_space<vmem>>, vector<16xi32>,
    %get3A_260 = arith.constant 304 : index
    %get3A_261 = tpu.vector_load %arg7[%get3A_260] {strides = array<i32>} : memref<400xi32, #tpu.memory_space<vmem>>, vector<16xi32>,
    %get3A_262 = vector.shape_cast %get3A_261 : vector<16xi32> to vector<16xi32>
    %mul3A_263 = arith.constant 2 : i32
    %mul3A_264 = vector.broadcast %mul3A_263 : i32 to vector<16xi32>
    %mul3A_265 = arith.muli %get3A_262, %mul3A_264 : vector<16xi32>
    %add3A_266 = vector.broadcast %arg0 : i32 to vector<16xi32>
    %add3A_267 = arith.addi %mul3A_265, %add3A_266 : vector<16xi32>
    %swap3A_268 = arith.constant 304 : index
    %swap3A_269 = tpu.vector_load %arg7[%swap3A_268] {strides = array<i32>} : memref<400xi32, #tpu.memory_space<vmem>>, vector<16xi32>,
    %swap3A_270 = vector.shape_cast %swap3A_269 : vector<16xi32> to vector<16xi32>
    %swap3A_271 = vector.shape_cast %add3A_267 : vector<16xi32> to vector<16xi32>
    tpu.vector_store %arg7[%swap3A_268], %swap3A_271 {strides = array<i32>} : memref<400xi32, #tpu.memory_space<vmem>>, vector<16xi32>,
    %get3A_272 = arith.constant 320 : index
    %get3A_273 = tpu.vector_load %arg7[%get3A_272] {strides = array<i32>} : memref<400xi32, #tpu.memory_space<vmem>>, vector<16xi32>,
    %get3A_274 = vector.shape_cast %get3A_273 : vector<16xi32> to vector<16xi32>
    %mul3A_275 = arith.constant 2 : i32
    %mul3A_276 = vector.broadcast %mul3A_275 : i32 to vector<16xi32>
    %mul3A_277 = arith.muli %get3A_274, %mul3A_276 : vector<16xi32>
    %add3A_278 = vector.broadcast %arg0 : i32 to vector<16xi32>
    %add3A_279 = arith.addi %mul3A_277, %add3A_278 : vector<16xi32>
    %swap3A_280 = arith.constant 320 : index
    %swap3A_281 = tpu.vector_load %arg7[%swap3A_280] {strides = array<i32>} : memref<400xi32, #tpu.memory_space<vmem>>, vector<16xi32>,
    %swap3A_282 = vector.shape_cast %swap3A_281 : vector<16xi32> to vector<16xi32>
    %swap3A_283 = vector.shape_cast %add3A_279 : vector<16xi32> to vector<16xi32>
    tpu.vector_store %arg7[%swap3A_280], %swap3A_283 {strides = array<i32>} : memref<400xi32, #tpu.memory_space<vmem>>, vector<16xi32>,
    %get3A_284 = arith.constant 336 : index
    %get3A_285 = tpu.vector_load %arg7[%get3A_284] {strides = array<i32>} : memref<400xi32, #tpu.memory_space<vmem>>, vector<16xi32>,
    %get3A_286 = vector.shape_cast %get3A_285 : vector<16xi32> to vector<16xi32>
    %mul3A_287 = arith.constant 2 : i32
    %mul3A_288 = vector.broadcast %mul3A_287 : i32 to vector<16xi32>
    %mul3A_289 = arith.muli %get3A_286, %mul3A_288 : vector<16xi32>
    %add3A_290 = vector.broadcast %arg0 : i32 to vector<16xi32>
    %add3A_291 = arith.addi %mul3A_289, %add3A_290 : vector<16xi32>
    %swap3A_292 = arith.constant 336 : index
    %swap3A_293 = tpu.vector_load %arg7[%swap3A_292] {strides = array<i32>} : memref<400xi32, #tpu.memory_space<vmem>>, vector<16xi32>,
    %swap3A_294 = vector.shape_cast %swap3A_293 : vector<16xi32> to vector<16xi32>
    %swap3A_295 = vector.shape_cast %add3A_291 : vector<16xi32> to vector<16xi32>
    tpu.vector_store %arg7[%swap3A_292], %swap3A_295 {strides = array<i32>} : memref<400xi32, #tpu.memory_space<vmem>>, vector<16xi32>,
    %get3A_296 = arith.constant 352 : index
    %get3A_297 = tpu.vector_load %arg7[%get3A_296] {strides = array<i32>} : memref<400xi32, #tpu.memory_space<vmem>>, vector<16xi32>,
    %get3A_298 = vector.shape_cast %get3A_297 : vector<16xi32> to vector<16xi32>
    %mul3A_299 = arith.constant 2 : i32
    %mul3A_300 = vector.broadcast %mul3A_299 : i32 to vector<16xi32>
    %mul3A_301 = arith.muli %get3A_298, %mul3A_300 : vector<16xi32>
    %add3A_302 = vector.broadcast %arg0 : i32 to vector<16xi32>
    %add3A_303 = arith.addi %mul3A_301, %add3A_302 : vector<16xi32>
    %swap3A_304 = arith.constant 352 : index
    %swap3A_305 = tpu.vector_load %arg7[%swap3A_304] {strides = array<i32>} : memref<400xi32, #tpu.memory_space<vmem>>, vector<16xi32>,
    %swap3A_306 = vector.shape_cast %swap3A_305 : vector<16xi32> to vector<16xi32>
    %swap3A_307 = vector.shape_cast %add3A_303 : vector<16xi32> to vector<16xi32>
    tpu.vector_store %arg7[%swap3A_304], %swap3A_307 {strides = array<i32>} : memref<400xi32, #tpu.memory_space<vmem>>, vector<16xi32>,
    %get3A_308 = arith.constant 368 : index
    %get3A_309 = tpu.vector_load %arg7[%get3A_308] {strides = array<i32>} : memref<400xi32, #tpu.memory_space<vmem>>, vector<16xi32>,
    %get3A_310 = vector.shape_cast %get3A_309 : vector<16xi32> to vector<16xi32>
    %mul3A_311 = arith.constant 2 : i32
    %mul3A_312 = vector.broadcast %mul3A_311 : i32 to vector<16xi32>
    %mul3A_313 = arith.muli %get3A_310, %mul3A_312 : vector<16xi32>
    %add3A_314 = vector.broadcast %arg0 : i32 to vector<16xi32>
    %add3A_315 = arith.addi %mul3A_313, %add3A_314 : vector<16xi32>
    %swap3A_316 = arith.constant 368 : index
    %swap3A_317 = tpu.vector_load %arg7[%swap3A_316] {strides = array<i32>} : memref<400xi32, #tpu.memory_space<vmem>>, vector<16xi32>,
    %swap3A_318 = vector.shape_cast %swap3A_317 : vector<16xi32> to vector<16xi32>
    %swap3A_319 = vector.shape_cast %add3A_315 : vector<16xi32> to vector<16xi32>
    tpu.vector_store %arg7[%swap3A_316], %swap3A_319 {strides = array<i32>} : memref<400xi32, #tpu.memory_space<vmem>>, vector<16xi32>,
    %get3A_320 = arith.constant 384 : index
    %get3A_321 = tpu.vector_load %arg7[%get3A_320] {strides = array<i32>} : memref<400xi32, #tpu.memory_space<vmem>>, vector<16xi32>,
    %get3A_322 = vector.shape_cast %get3A_321 : vector<16xi32> to vector<16xi32>
    %mul3A_323 = arith.constant 2 : i32
    %mul3A_324 = vector.broadcast %mul3A_323 : i32 to vector<16xi32>
    %mul3A_325 = arith.muli %get3A_322, %mul3A_324 : vector<16xi32>
    %add3A_326 = vector.broadcast %arg0 : i32 to vector<16xi32>
    %add3A_327 = arith.addi %mul3A_325, %add3A_326 : vector<16xi32>
    %swap3A_328 = arith.constant 384 : index
    %swap3A_329 = tpu.vector_load %arg7[%swap3A_328] {strides = array<i32>} : memref<400xi32, #tpu.memory_space<vmem>>, vector<16xi32>,
    %swap3A_330 = vector.shape_cast %swap3A_329 : vector<16xi32> to vector<16xi32>
    %swap3A_331 = vector.shape_cast %add3A_327 : vector<16xi32> to vector<16xi32>
    tpu.vector_store %arg7[%swap3A_328], %swap3A_331 {strides = array<i32>} : memref<400xi32, #tpu.memory_space<vmem>>, vector<16xi32>,
    %dma_start3A_332 = arith.constant 0 : i32
    %dma_start3A_333 = arith.constant 0 : i32
    %dma_start3A_334 = tpu.memref_slice %arg2[%dma_start3A_332, %dma_start3A_333] : memref<20000x64xf32, #tpu.memory_space<hbm>> -> memref<20000x64xf32, #tpu.memory_space<hbm>>
    tpu.enqueue_indirect_dma source(%dma_start3A_334 : memref<20000x64xf32, #tpu.memory_space<hbm>>) target(%arg11 : memref<400x64xf32, #tpu.memory_space<vmem>>) offsets(%arg7 : memref<400xi32, #tpu.memory_space<vmem>>) semaphore(%arg13 : memref<!tpu.dma_semaphore, #tpu.memory_space<semaphore_mem>>)
    %scan3A_335 = arith.constant 0 : i32
    %scan3A_336 = arith.constant 0 : i32
    %scan3A_337 = arith.constant 25 : i32
    %scan3A_338 = arith.addi %scan3A_336, %scan3A_337 : i32
    %scan3A_339 = arith.constant 1 : i32
    scf.for %scan3A_352 = %scan3A_336 to %scan3A_338 step %scan3A_339  : i32 {
      %mul3A_353 = arith.constant 2 : i32
      %mul3A_354 = arith.muli %mul3A_353, %scan3A_352 : i32
      %dma_wait3A_355 = arith.constant 0 : i32
      %dma_wait3A_356 = arith.constant 0 : i32
      %dma_wait3A_357 = tpu.memref_slice %arg2[%dma_wait3A_355, %dma_wait3A_356] : memref<20000x64xf32, #tpu.memory_space<hbm>> -> memref<20000x64xf32, #tpu.memory_space<hbm>>
      tpu.wait_indirect_dma semaphore(%arg13 : memref<!tpu.dma_semaphore, #tpu.memory_space<semaphore_mem>>) src(%dma_wait3A_357 : memref<20000x64xf32, #tpu.memory_space<hbm>>) dst(%arg11 : memref<400x64xf32, #tpu.memory_space<vmem>>)
      %add3A_358 = arith.constant 1 : i32
      %add3A_359 = arith.addi %mul3A_354, %add3A_358 : i32
      %lt3A = arith.constant 50 : i32
      %lt3A_360 = arith.cmpi slt, %add3A_359, %lt3A : i32
      %convert_element_type3A_361 = arith.extui %lt3A_360 : i1 to i32
      %cond3A_362 = arith.constant 0 : i32
      %cond3A_363 = arith.cmpi ne, %convert_element_type3A_361, %cond3A_362 : i32
      scf.if %cond3A_363 {
        %add3A_392 = arith.constant 1 : i32
        %add3A_393 = arith.addi %mul3A_354, %add3A_392 : i32
        %mul3A_394 = arith.constant 400 : i32
        %mul3A_395 = arith.muli %add3A_393, %mul3A_394 : i32
        %add3A_396 = arith.addi %mul3A_2, %mul3A_395 : i32
        %mul3A_397 = arith.constant 400 : i32
        %mul3A_398 = arith.muli %add3A_393, %mul3A_397 : i32
        %add3A_399 = arith.addi %mul3A_2, %mul3A_398 : i32
        %dma_wait3A_400 = tpu.memref_slice %arg3[%add3A_396] : memref<320000xi32, #tpu.memory_space<hbm>> -> memref<400xi32, #tpu.memory_space<hbm>>
        %dma_wait3A_401 = tpu.memref_slice %arg3[%add3A_396] : memref<320000xi32, #tpu.memory_space<hbm>> -> memref<400xi32, #tpu.memory_space<hbm>>
        tpu.wait_dma2 semaphore(%arg16 : memref<!tpu.dma_semaphore, #tpu.memory_space<semaphore_mem>>) src(%dma_wait3A_401 : memref<400xi32, #tpu.memory_space<hbm>>) dst(%arg8 : memref<400xi32, #tpu.memory_space<vmem>>)
        %dma_wait3A_402 = tpu.memref_slice %arg4[%add3A_399] : memref<320000xi32, #tpu.memory_space<hbm>> -> memref<400xi32, #tpu.memory_space<hbm>>
        %dma_wait3A_403 = tpu.memref_slice %arg4[%add3A_399] : memref<320000xi32, #tpu.memory_space<hbm>> -> memref<400xi32, #tpu.memory_space<hbm>>
        tpu.wait_dma2 semaphore(%arg16 : memref<!tpu.dma_semaphore, #tpu.memory_space<semaphore_mem>>) src(%dma_wait3A_403 : memref<400xi32, #tpu.memory_space<hbm>>) dst(%arg10 : memref<400xi32, #tpu.memory_space<vmem>>)
        %get3A_404 = arith.constant 0 : index
        %get3A_405 = tpu.vector_load %arg8[%get3A_404] {strides = array<i32>} : memref<400xi32, #tpu.memory_space<vmem>>, vector<16xi32>,
        %get3A_406 = vector.shape_cast %get3A_405 : vector<16xi32> to vector<16xi32>
        %mul3A_407 = arith.constant 2 : i32
        %mul3A_408 = vector.broadcast %mul3A_407 : i32 to vector<16xi32>
        %mul3A_409 = arith.muli %get3A_406, %mul3A_408 : vector<16xi32>
        %add3A_410 = vector.broadcast %arg0 : i32 to vector<16xi32>
        %add3A_411 = arith.addi %mul3A_409, %add3A_410 : vector<16xi32>
        %swap3A_412 = arith.constant 0 : index
        %swap3A_413 = tpu.vector_load %arg8[%swap3A_412] {strides = array<i32>} : memref<400xi32, #tpu.memory_space<vmem>>, vector<16xi32>,
        %swap3A_414 = vector.shape_cast %swap3A_413 : vector<16xi32> to vector<16xi32>
        %swap3A_415 = vector.shape_cast %add3A_411 : vector<16xi32> to vector<16xi32>
        tpu.vector_store %arg8[%swap3A_412], %swap3A_415 {strides = array<i32>} : memref<400xi32, #tpu.memory_space<vmem>>, vector<16xi32>,
        %get3A_416 = arith.constant 16 : index
        %get3A_417 = tpu.vector_load %arg8[%get3A_416] {strides = array<i32>} : memref<400xi32, #tpu.memory_space<vmem>>, vector<16xi32>,
        %get3A_418 = vector.shape_cast %get3A_417 : vector<16xi32> to vector<16xi32>
        %mul3A_419 = arith.constant 2 : i32
        %mul3A_420 = vector.broadcast %mul3A_419 : i32 to vector<16xi32>
        %mul3A_421 = arith.muli %get3A_418, %mul3A_420 : vector<16xi32>
        %add3A_422 = vector.broadcast %arg0 : i32 to vector<16xi32>
        %add3A_423 = arith.addi %mul3A_421, %add3A_422 : vector<16xi32>
        %swap3A_424 = arith.constant 16 : index
        %swap3A_425 = tpu.vector_load %arg8[%swap3A_424] {strides = array<i32>} : memref<400xi32, #tpu.memory_space<vmem>>, vector<16xi32>,
        %swap3A_426 = vector.shape_cast %swap3A_425 : vector<16xi32> to vector<16xi32>
        %swap3A_427 = vector.shape_cast %add3A_423 : vector<16xi32> to vector<16xi32>
        tpu.vector_store %arg8[%swap3A_424], %swap3A_427 {strides = array<i32>} : memref<400xi32, #tpu.memory_space<vmem>>, vector<16xi32>,
        %get3A_428 = arith.constant 32 : index
        %get3A_429 = tpu.vector_load %arg8[%get3A_428] {strides = array<i32>} : memref<400xi32, #tpu.memory_space<vmem>>, vector<16xi32>,
        %get3A_430 = vector.shape_cast %get3A_429 : vector<16xi32> to vector<16xi32>
        %mul3A_431 = arith.constant 2 : i32
        %mul3A_432 = vector.broadcast %mul3A_431 : i32 to vector<16xi32>
        %mul3A_433 = arith.muli %get3A_430, %mul3A_432 : vector<16xi32>
        %add3A_434 = vector.broadcast %arg0 : i32 to vector<16xi32>
        %add3A_435 = arith.addi %mul3A_433, %add3A_434 : vector<16xi32>
        %swap3A_436 = arith.constant 32 : index
        %swap3A_437 = tpu.vector_load %arg8[%swap3A_436] {strides = array<i32>} : memref<400xi32, #tpu.memory_space<vmem>>, vector<16xi32>,
        %swap3A_438 = vector.shape_cast %swap3A_437 : vector<16xi32> to vector<16xi32>
        %swap3A_439 = vector.shape_cast %add3A_435 : vector<16xi32> to vector<16xi32>
        tpu.vector_store %arg8[%swap3A_436], %swap3A_439 {strides = array<i32>} : memref<400xi32, #tpu.memory_space<vmem>>, vector<16xi32>,
        %get3A_440 = arith.constant 48 : index
        %get3A_441 = tpu.vector_load %arg8[%get3A_440] {strides = array<i32>} : memref<400xi32, #tpu.memory_space<vmem>>, vector<16xi32>,
        %get3A_442 = vector.shape_cast %get3A_441 : vector<16xi32> to vector<16xi32>
        %mul3A_443 = arith.constant 2 : i32
        %mul3A_444 = vector.broadcast %mul3A_443 : i32 to vector<16xi32>
        %mul3A_445 = arith.muli %get3A_442, %mul3A_444 : vector<16xi32>
        %add3A_446 = vector.broadcast %arg0 : i32 to vector<16xi32>
        %add3A_447 = arith.addi %mul3A_445, %add3A_446 : vector<16xi32>
        %swap3A_448 = arith.constant 48 : index
        %swap3A_449 = tpu.vector_load %arg8[%swap3A_448] {strides = array<i32>} : memref<400xi32, #tpu.memory_space<vmem>>, vector<16xi32>,
        %swap3A_450 = vector.shape_cast %swap3A_449 : vector<16xi32> to vector<16xi32>
        %swap3A_451 = vector.shape_cast %add3A_447 : vector<16xi32> to vector<16xi32>
        tpu.vector_store %arg8[%swap3A_448], %swap3A_451 {strides = array<i32>} : memref<400xi32, #tpu.memory_space<vmem>>, vector<16xi32>,
        %get3A_452 = arith.constant 64 : index
        %get3A_453 = tpu.vector_load %arg8[%get3A_452] {strides = array<i32>} : memref<400xi32, #tpu.memory_space<vmem>>, vector<16xi32>,
        %get3A_454 = vector.shape_cast %get3A_453 : vector<16xi32> to vector<16xi32>
        %mul3A_455 = arith.constant 2 : i32
        %mul3A_456 = vector.broadcast %mul3A_455 : i32 to vector<16xi32>
        %mul3A_457 = arith.muli %get3A_454, %mul3A_456 : vector<16xi32>
        %add3A_458 = vector.broadcast %arg0 : i32 to vector<16xi32>
        %add3A_459 = arith.addi %mul3A_457, %add3A_458 : vector<16xi32>
        %swap3A_460 = arith.constant 64 : index
        %swap3A_461 = tpu.vector_load %arg8[%swap3A_460] {strides = array<i32>} : memref<400xi32, #tpu.memory_space<vmem>>, vector<16xi32>,
        %swap3A_462 = vector.shape_cast %swap3A_461 : vector<16xi32> to vector<16xi32>
        %swap3A_463 = vector.shape_cast %add3A_459 : vector<16xi32> to vector<16xi32>
        tpu.vector_store %arg8[%swap3A_460], %swap3A_463 {strides = array<i32>} : memref<400xi32, #tpu.memory_space<vmem>>, vector<16xi32>,
        %get3A_464 = arith.constant 80 : index
        %get3A_465 = tpu.vector_load %arg8[%get3A_464] {strides = array<i32>} : memref<400xi32, #tpu.memory_space<vmem>>, vector<16xi32>,
        %get3A_466 = vector.shape_cast %get3A_465 : vector<16xi32> to vector<16xi32>
        %mul3A_467 = arith.constant 2 : i32
        %mul3A_468 = vector.broadcast %mul3A_467 : i32 to vector<16xi32>
        %mul3A_469 = arith.muli %get3A_466, %mul3A_468 : vector<16xi32>
        %add3A_470 = vector.broadcast %arg0 : i32 to vector<16xi32>
        %add3A_471 = arith.addi %mul3A_469, %add3A_470 : vector<16xi32>
        %swap3A_472 = arith.constant 80 : index
        %swap3A_473 = tpu.vector_load %arg8[%swap3A_472] {strides = array<i32>} : memref<400xi32, #tpu.memory_space<vmem>>, vector<16xi32>,
        %swap3A_474 = vector.shape_cast %swap3A_473 : vector<16xi32> to vector<16xi32>
        %swap3A_475 = vector.shape_cast %add3A_471 : vector<16xi32> to vector<16xi32>
        tpu.vector_store %arg8[%swap3A_472], %swap3A_475 {strides = array<i32>} : memref<400xi32, #tpu.memory_space<vmem>>, vector<16xi32>,
        %get3A_476 = arith.constant 96 : index
        %get3A_477 = tpu.vector_load %arg8[%get3A_476] {strides = array<i32>} : memref<400xi32, #tpu.memory_space<vmem>>, vector<16xi32>,
        %get3A_478 = vector.shape_cast %get3A_477 : vector<16xi32> to vector<16xi32>
        %mul3A_479 = arith.constant 2 : i32
        %mul3A_480 = vector.broadcast %mul3A_479 : i32 to vector<16xi32>
        %mul3A_481 = arith.muli %get3A_478, %mul3A_480 : vector<16xi32>
        %add3A_482 = vector.broadcast %arg0 : i32 to vector<16xi32>
        %add3A_483 = arith.addi %mul3A_481, %add3A_482 : vector<16xi32>
        %swap3A_484 = arith.constant 96 : index
        %swap3A_485 = tpu.vector_load %arg8[%swap3A_484] {strides = array<i32>} : memref<400xi32, #tpu.memory_space<vmem>>, vector<16xi32>,
        %swap3A_486 = vector.shape_cast %swap3A_485 : vector<16xi32> to vector<16xi32>
        %swap3A_487 = vector.shape_cast %add3A_483 : vector<16xi32> to vector<16xi32>
        tpu.vector_store %arg8[%swap3A_484], %swap3A_487 {strides = array<i32>} : memref<400xi32, #tpu.memory_space<vmem>>, vector<16xi32>,
        %get3A_488 = arith.constant 112 : index
        %get3A_489 = tpu.vector_load %arg8[%get3A_488] {strides = array<i32>} : memref<400xi32, #tpu.memory_space<vmem>>, vector<16xi32>,
        %get3A_490 = vector.shape_cast %get3A_489 : vector<16xi32> to vector<16xi32>
        %mul3A_491 = arith.constant 2 : i32
        %mul3A_492 = vector.broadcast %mul3A_491 : i32 to vector<16xi32>
        %mul3A_493 = arith.muli %get3A_490, %mul3A_492 : vector<16xi32>
        %add3A_494 = vector.broadcast %arg0 : i32 to vector<16xi32>
        %add3A_495 = arith.addi %mul3A_493, %add3A_494 : vector<16xi32>
        %swap3A_496 = arith.constant 112 : index
        %swap3A_497 = tpu.vector_load %arg8[%swap3A_496] {strides = array<i32>} : memref<400xi32, #tpu.memory_space<vmem>>, vector<16xi32>,
        %swap3A_498 = vector.shape_cast %swap3A_497 : vector<16xi32> to vector<16xi32>
        %swap3A_499 = vector.shape_cast %add3A_495 : vector<16xi32> to vector<16xi32>
        tpu.vector_store %arg8[%swap3A_496], %swap3A_499 {strides = array<i32>} : memref<400xi32, #tpu.memory_space<vmem>>, vector<16xi32>,
        %get3A_500 = arith.constant 128 : index
        %get3A_501 = tpu.vector_load %arg8[%get3A_500] {strides = array<i32>} : memref<400xi32, #tpu.memory_space<vmem>>, vector<16xi32>,
        %get3A_502 = vector.shape_cast %get3A_501 : vector<16xi32> to vector<16xi32>
        %mul3A_503 = arith.constant 2 : i32
        %mul3A_504 = vector.broadcast %mul3A_503 : i32 to vector<16xi32>
        %mul3A_505 = arith.muli %get3A_502, %mul3A_504 : vector<16xi32>
        %add3A_506 = vector.broadcast %arg0 : i32 to vector<16xi32>
        %add3A_507 = arith.addi %mul3A_505, %add3A_506 : vector<16xi32>
        %swap3A_508 = arith.constant 128 : index
        %swap3A_509 = tpu.vector_load %arg8[%swap3A_508] {strides = array<i32>} : memref<400xi32, #tpu.memory_space<vmem>>, vector<16xi32>,
        %swap3A_510 = vector.shape_cast %swap3A_509 : vector<16xi32> to vector<16xi32>
        %swap3A_511 = vector.shape_cast %add3A_507 : vector<16xi32> to vector<16xi32>
        tpu.vector_store %arg8[%swap3A_508], %swap3A_511 {strides = array<i32>} : memref<400xi32, #tpu.memory_space<vmem>>, vector<16xi32>,
        %get3A_512 = arith.constant 144 : index
        %get3A_513 = tpu.vector_load %arg8[%get3A_512] {strides = array<i32>} : memref<400xi32, #tpu.memory_space<vmem>>, vector<16xi32>,
        %get3A_514 = vector.shape_cast %get3A_513 : vector<16xi32> to vector<16xi32>
        %mul3A_515 = arith.constant 2 : i32
        %mul3A_516 = vector.broadcast %mul3A_515 : i32 to vector<16xi32>
        %mul3A_517 = arith.muli %get3A_514, %mul3A_516 : vector<16xi32>
        %add3A_518 = vector.broadcast %arg0 : i32 to vector<16xi32>
        %add3A_519 = arith.addi %mul3A_517, %add3A_518 : vector<16xi32>
        %swap3A_520 = arith.constant 144 : index
        %swap3A_521 = tpu.vector_load %arg8[%swap3A_520] {strides = array<i32>} : memref<400xi32, #tpu.memory_space<vmem>>, vector<16xi32>,
        %swap3A_522 = vector.shape_cast %swap3A_521 : vector<16xi32> to vector<16xi32>
        %swap3A_523 = vector.shape_cast %add3A_519 : vector<16xi32> to vector<16xi32>
        tpu.vector_store %arg8[%swap3A_520], %swap3A_523 {strides = array<i32>} : memref<400xi32, #tpu.memory_space<vmem>>, vector<16xi32>,
        %get3A_524 = arith.constant 160 : index
        %get3A_525 = tpu.vector_load %arg8[%get3A_524] {strides = array<i32>} : memref<400xi32, #tpu.memory_space<vmem>>, vector<16xi32>,
        %get3A_526 = vector.shape_cast %get3A_525 : vector<16xi32> to vector<16xi32>
        %mul3A_527 = arith.constant 2 : i32
        %mul3A_528 = vector.broadcast %mul3A_527 : i32 to vector<16xi32>
        %mul3A_529 = arith.muli %get3A_526, %mul3A_528 : vector<16xi32>
        %add3A_530 = vector.broadcast %arg0 : i32 to vector<16xi32>
        %add3A_531 = arith.addi %mul3A_529, %add3A_530 : vector<16xi32>
        %swap3A_532 = arith.constant 160 : index
        %swap3A_533 = tpu.vector_load %arg8[%swap3A_532] {strides = array<i32>} : memref<400xi32, #tpu.memory_space<vmem>>, vector<16xi32>,
        %swap3A_534 = vector.shape_cast %swap3A_533 : vector<16xi32> to vector<16xi32>
        %swap3A_535 = vector.shape_cast %add3A_531 : vector<16xi32> to vector<16xi32>
        tpu.vector_store %arg8[%swap3A_532], %swap3A_535 {strides = array<i32>} : memref<400xi32, #tpu.memory_space<vmem>>, vector<16xi32>,
        %get3A_536 = arith.constant 176 : index
        %get3A_537 = tpu.vector_load %arg8[%get3A_536] {strides = array<i32>} : memref<400xi32, #tpu.memory_space<vmem>>, vector<16xi32>,
        %get3A_538 = vector.shape_cast %get3A_537 : vector<16xi32> to vector<16xi32>
        %mul3A_539 = arith.constant 2 : i32
        %mul3A_540 = vector.broadcast %mul3A_539 : i32 to vector<16xi32>
        %mul3A_541 = arith.muli %get3A_538, %mul3A_540 : vector<16xi32>
        %add3A_542 = vector.broadcast %arg0 : i32 to vector<16xi32>
        %add3A_543 = arith.addi %mul3A_541, %add3A_542 : vector<16xi32>
        %swap3A_544 = arith.constant 176 : index
        %swap3A_545 = tpu.vector_load %arg8[%swap3A_544] {strides = array<i32>} : memref<400xi32, #tpu.memory_space<vmem>>, vector<16xi32>,
        %swap3A_546 = vector.shape_cast %swap3A_545 : vector<16xi32> to vector<16xi32>
        %swap3A_547 = vector.shape_cast %add3A_543 : vector<16xi32> to vector<16xi32>
        tpu.vector_store %arg8[%swap3A_544], %swap3A_547 {strides = array<i32>} : memref<400xi32, #tpu.memory_space<vmem>>, vector<16xi32>,
        %get3A_548 = arith.constant 192 : index
        %get3A_549 = tpu.vector_load %arg8[%get3A_548] {strides = array<i32>} : memref<400xi32, #tpu.memory_space<vmem>>, vector<16xi32>,
        %get3A_550 = vector.shape_cast %get3A_549 : vector<16xi32> to vector<16xi32>
        %mul3A_551 = arith.constant 2 : i32
        %mul3A_552 = vector.broadcast %mul3A_551 : i32 to vector<16xi32>
        %mul3A_553 = arith.muli %get3A_550, %mul3A_552 : vector<16xi32>
        %add3A_554 = vector.broadcast %arg0 : i32 to vector<16xi32>
        %add3A_555 = arith.addi %mul3A_553, %add3A_554 : vector<16xi32>
        %swap3A_556 = arith.constant 192 : index
        %swap3A_557 = tpu.vector_load %arg8[%swap3A_556] {strides = array<i32>} : memref<400xi32, #tpu.memory_space<vmem>>, vector<16xi32>,
        %swap3A_558 = vector.shape_cast %swap3A_557 : vector<16xi32> to vector<16xi32>
        %swap3A_559 = vector.shape_cast %add3A_555 : vector<16xi32> to vector<16xi32>
        tpu.vector_store %arg8[%swap3A_556], %swap3A_559 {strides = array<i32>} : memref<400xi32, #tpu.memory_space<vmem>>, vector<16xi32>,
        %get3A_560 = arith.constant 208 : index
        %get3A_561 = tpu.vector_load %arg8[%get3A_560] {strides = array<i32>} : memref<400xi32, #tpu.memory_space<vmem>>, vector<16xi32>,
        %get3A_562 = vector.shape_cast %get3A_561 : vector<16xi32> to vector<16xi32>
        %mul3A_563 = arith.constant 2 : i32
        %mul3A_564 = vector.broadcast %mul3A_563 : i32 to vector<16xi32>
        %mul3A_565 = arith.muli %get3A_562, %mul3A_564 : vector<16xi32>
        %add3A_566 = vector.broadcast %arg0 : i32 to vector<16xi32>
        %add3A_567 = arith.addi %mul3A_565, %add3A_566 : vector<16xi32>
        %swap3A_568 = arith.constant 208 : index
        %swap3A_569 = tpu.vector_load %arg8[%swap3A_568] {strides = array<i32>} : memref<400xi32, #tpu.memory_space<vmem>>, vector<16xi32>,
        %swap3A_570 = vector.shape_cast %swap3A_569 : vector<16xi32> to vector<16xi32>
        %swap3A_571 = vector.shape_cast %add3A_567 : vector<16xi32> to vector<16xi32>
        tpu.vector_store %arg8[%swap3A_568], %swap3A_571 {strides = array<i32>} : memref<400xi32, #tpu.memory_space<vmem>>, vector<16xi32>,
        %get3A_572 = arith.constant 224 : index
        %get3A_573 = tpu.vector_load %arg8[%get3A_572] {strides = array<i32>} : memref<400xi32, #tpu.memory_space<vmem>>, vector<16xi32>,
        %get3A_574 = vector.shape_cast %get3A_573 : vector<16xi32> to vector<16xi32>
        %mul3A_575 = arith.constant 2 : i32
        %mul3A_576 = vector.broadcast %mul3A_575 : i32 to vector<16xi32>
        %mul3A_577 = arith.muli %get3A_574, %mul3A_576 : vector<16xi32>
        %add3A_578 = vector.broadcast %arg0 : i32 to vector<16xi32>
        %add3A_579 = arith.addi %mul3A_577, %add3A_578 : vector<16xi32>
        %swap3A_580 = arith.constant 224 : index
        %swap3A_581 = tpu.vector_load %arg8[%swap3A_580] {strides = array<i32>} : memref<400xi32, #tpu.memory_space<vmem>>, vector<16xi32>,
        %swap3A_582 = vector.shape_cast %swap3A_581 : vector<16xi32> to vector<16xi32>
        %swap3A_583 = vector.shape_cast %add3A_579 : vector<16xi32> to vector<16xi32>
        tpu.vector_store %arg8[%swap3A_580], %swap3A_583 {strides = array<i32>} : memref<400xi32, #tpu.memory_space<vmem>>, vector<16xi32>,
        %get3A_584 = arith.constant 240 : index
        %get3A_585 = tpu.vector_load %arg8[%get3A_584] {strides = array<i32>} : memref<400xi32, #tpu.memory_space<vmem>>, vector<16xi32>,
        %get3A_586 = vector.shape_cast %get3A_585 : vector<16xi32> to vector<16xi32>
        %mul3A_587 = arith.constant 2 : i32
        %mul3A_588 = vector.broadcast %mul3A_587 : i32 to vector<16xi32>
        %mul3A_589 = arith.muli %get3A_586, %mul3A_588 : vector<16xi32>
        %add3A_590 = vector.broadcast %arg0 : i32 to vector<16xi32>
        %add3A_591 = arith.addi %mul3A_589, %add3A_590 : vector<16xi32>
        %swap3A_592 = arith.constant 240 : index
        %swap3A_593 = tpu.vector_load %arg8[%swap3A_592] {strides = array<i32>} : memref<400xi32, #tpu.memory_space<vmem>>, vector<16xi32>,
        %swap3A_594 = vector.shape_cast %swap3A_593 : vector<16xi32> to vector<16xi32>
        %swap3A_595 = vector.shape_cast %add3A_591 : vector<16xi32> to vector<16xi32>
        tpu.vector_store %arg8[%swap3A_592], %swap3A_595 {strides = array<i32>} : memref<400xi32, #tpu.memory_space<vmem>>, vector<16xi32>,
        %get3A_596 = arith.constant 256 : index
        %get3A_597 = tpu.vector_load %arg8[%get3A_596] {strides = array<i32>} : memref<400xi32, #tpu.memory_space<vmem>>, vector<16xi32>,
        %get3A_598 = vector.shape_cast %get3A_597 : vector<16xi32> to vector<16xi32>
        %mul3A_599 = arith.constant 2 : i32
        %mul3A_600 = vector.broadcast %mul3A_599 : i32 to vector<16xi32>
        %mul3A_601 = arith.muli %get3A_598, %mul3A_600 : vector<16xi32>
        %add3A_602 = vector.broadcast %arg0 : i32 to vector<16xi32>
        %add3A_603 = arith.addi %mul3A_601, %add3A_602 : vector<16xi32>
        %swap3A_604 = arith.constant 256 : index
        %swap3A_605 = tpu.vector_load %arg8[%swap3A_604] {strides = array<i32>} : memref<400xi32, #tpu.memory_space<vmem>>, vector<16xi32>,
        %swap3A_606 = vector.shape_cast %swap3A_605 : vector<16xi32> to vector<16xi32>
        %swap3A_607 = vector.shape_cast %add3A_603 : vector<16xi32> to vector<16xi32>
        tpu.vector_store %arg8[%swap3A_604], %swap3A_607 {strides = array<i32>} : memref<400xi32, #tpu.memory_space<vmem>>, vector<16xi32>,
        %get3A_608 = arith.constant 272 : index
        %get3A_609 = tpu.vector_load %arg8[%get3A_608] {strides = array<i32>} : memref<400xi32, #tpu.memory_space<vmem>>, vector<16xi32>,
        %get3A_610 = vector.shape_cast %get3A_609 : vector<16xi32> to vector<16xi32>
        %mul3A_611 = arith.constant 2 : i32
        %mul3A_612 = vector.broadcast %mul3A_611 : i32 to vector<16xi32>
        %mul3A_613 = arith.muli %get3A_610, %mul3A_612 : vector<16xi32>
        %add3A_614 = vector.broadcast %arg0 : i32 to vector<16xi32>
        %add3A_615 = arith.addi %mul3A_613, %add3A_614 : vector<16xi32>
        %swap3A_616 = arith.constant 272 : index
        %swap3A_617 = tpu.vector_load %arg8[%swap3A_616] {strides = array<i32>} : memref<400xi32, #tpu.memory_space<vmem>>, vector<16xi32>,
        %swap3A_618 = vector.shape_cast %swap3A_617 : vector<16xi32> to vector<16xi32>
        %swap3A_619 = vector.shape_cast %add3A_615 : vector<16xi32> to vector<16xi32>
        tpu.vector_store %arg8[%swap3A_616], %swap3A_619 {strides = array<i32>} : memref<400xi32, #tpu.memory_space<vmem>>, vector<16xi32>,
        %get3A_620 = arith.constant 288 : index
        %get3A_621 = tpu.vector_load %arg8[%get3A_620] {strides = array<i32>} : memref<400xi32, #tpu.memory_space<vmem>>, vector<16xi32>,
        %get3A_622 = vector.shape_cast %get3A_621 : vector<16xi32> to vector<16xi32>
        %mul3A_623 = arith.constant 2 : i32
        %mul3A_624 = vector.broadcast %mul3A_623 : i32 to vector<16xi32>
        %mul3A_625 = arith.muli %get3A_622, %mul3A_624 : vector<16xi32>
        %add3A_626 = vector.broadcast %arg0 : i32 to vector<16xi32>
        %add3A_627 = arith.addi %mul3A_625, %add3A_626 : vector<16xi32>
        %swap3A_628 = arith.constant 288 : index
        %swap3A_629 = tpu.vector_load %arg8[%swap3A_628] {strides = array<i32>} : memref<400xi32, #tpu.memory_space<vmem>>, vector<16xi32>,
        %swap3A_630 = vector.shape_cast %swap3A_629 : vector<16xi32> to vector<16xi32>
        %swap3A_631 = vector.shape_cast %add3A_627 : vector<16xi32> to vector<16xi32>
        tpu.vector_store %arg8[%swap3A_628], %swap3A_631 {strides = array<i32>} : memref<400xi32, #tpu.memory_space<vmem>>, vector<16xi32>,
        %get3A_632 = arith.constant 304 : index
        %get3A_633 = tpu.vector_load %arg8[%get3A_632] {strides = array<i32>} : memref<400xi32, #tpu.memory_space<vmem>>, vector<16xi32>,
        %get3A_634 = vector.shape_cast %get3A_633 : vector<16xi32> to vector<16xi32>
        %mul3A_635 = arith.constant 2 : i32
        %mul3A_636 = vector.broadcast %mul3A_635 : i32 to vector<16xi32>
        %mul3A_637 = arith.muli %get3A_634, %mul3A_636 : vector<16xi32>
        %add3A_638 = vector.broadcast %arg0 : i32 to vector<16xi32>
        %add3A_639 = arith.addi %mul3A_637, %add3A_638 : vector<16xi32>
        %swap3A_640 = arith.constant 304 : index
        %swap3A_641 = tpu.vector_load %arg8[%swap3A_640] {strides = array<i32>} : memref<400xi32, #tpu.memory_space<vmem>>, vector<16xi32>,
        %swap3A_642 = vector.shape_cast %swap3A_641 : vector<16xi32> to vector<16xi32>
        %swap3A_643 = vector.shape_cast %add3A_639 : vector<16xi32> to vector<16xi32>
        tpu.vector_store %arg8[%swap3A_640], %swap3A_643 {strides = array<i32>} : memref<400xi32, #tpu.memory_space<vmem>>, vector<16xi32>,
        %get3A_644 = arith.constant 320 : index
        %get3A_645 = tpu.vector_load %arg8[%get3A_644] {strides = array<i32>} : memref<400xi32, #tpu.memory_space<vmem>>, vector<16xi32>,
        %get3A_646 = vector.shape_cast %get3A_645 : vector<16xi32> to vector<16xi32>
        %mul3A_647 = arith.constant 2 : i32
        %mul3A_648 = vector.broadcast %mul3A_647 : i32 to vector<16xi32>
        %mul3A_649 = arith.muli %get3A_646, %mul3A_648 : vector<16xi32>
        %add3A_650 = vector.broadcast %arg0 : i32 to vector<16xi32>
        %add3A_651 = arith.addi %mul3A_649, %add3A_650 : vector<16xi32>
        %swap3A_652 = arith.constant 320 : index
        %swap3A_653 = tpu.vector_load %arg8[%swap3A_652] {strides = array<i32>} : memref<400xi32, #tpu.memory_space<vmem>>, vector<16xi32>,
        %swap3A_654 = vector.shape_cast %swap3A_653 : vector<16xi32> to vector<16xi32>
        %swap3A_655 = vector.shape_cast %add3A_651 : vector<16xi32> to vector<16xi32>
        tpu.vector_store %arg8[%swap3A_652], %swap3A_655 {strides = array<i32>} : memref<400xi32, #tpu.memory_space<vmem>>, vector<16xi32>,
        %get3A_656 = arith.constant 336 : index
        %get3A_657 = tpu.vector_load %arg8[%get3A_656] {strides = array<i32>} : memref<400xi32, #tpu.memory_space<vmem>>, vector<16xi32>,
        %get3A_658 = vector.shape_cast %get3A_657 : vector<16xi32> to vector<16xi32>
        %mul3A_659 = arith.constant 2 : i32
        %mul3A_660 = vector.broadcast %mul3A_659 : i32 to vector<16xi32>
        %mul3A_661 = arith.muli %get3A_658, %mul3A_660 : vector<16xi32>
        %add3A_662 = vector.broadcast %arg0 : i32 to vector<16xi32>
        %add3A_663 = arith.addi %mul3A_661, %add3A_662 : vector<16xi32>
        %swap3A_664 = arith.constant 336 : index
        %swap3A_665 = tpu.vector_load %arg8[%swap3A_664] {strides = array<i32>} : memref<400xi32, #tpu.memory_space<vmem>>, vector<16xi32>,
        %swap3A_666 = vector.shape_cast %swap3A_665 : vector<16xi32> to vector<16xi32>
        %swap3A_667 = vector.shape_cast %add3A_663 : vector<16xi32> to vector<16xi32>
        tpu.vector_store %arg8[%swap3A_664], %swap3A_667 {strides = array<i32>} : memref<400xi32, #tpu.memory_space<vmem>>, vector<16xi32>,
        %get3A_668 = arith.constant 352 : index
        %get3A_669 = tpu.vector_load %arg8[%get3A_668] {strides = array<i32>} : memref<400xi32, #tpu.memory_space<vmem>>, vector<16xi32>,
        %get3A_670 = vector.shape_cast %get3A_669 : vector<16xi32> to vector<16xi32>
        %mul3A_671 = arith.constant 2 : i32
        %mul3A_672 = vector.broadcast %mul3A_671 : i32 to vector<16xi32>
        %mul3A_673 = arith.muli %get3A_670, %mul3A_672 : vector<16xi32>
        %add3A_674 = vector.broadcast %arg0 : i32 to vector<16xi32>
        %add3A_675 = arith.addi %mul3A_673, %add3A_674 : vector<16xi32>
        %swap3A_676 = arith.constant 352 : index
        %swap3A_677 = tpu.vector_load %arg8[%swap3A_676] {strides = array<i32>} : memref<400xi32, #tpu.memory_space<vmem>>, vector<16xi32>,
        %swap3A_678 = vector.shape_cast %swap3A_677 : vector<16xi32> to vector<16xi32>
        %swap3A_679 = vector.shape_cast %add3A_675 : vector<16xi32> to vector<16xi32>
        tpu.vector_store %arg8[%swap3A_676], %swap3A_679 {strides = array<i32>} : memref<400xi32, #tpu.memory_space<vmem>>, vector<16xi32>,
        %get3A_680 = arith.constant 368 : index
        %get3A_681 = tpu.vector_load %arg8[%get3A_680] {strides = array<i32>} : memref<400xi32, #tpu.memory_space<vmem>>, vector<16xi32>,
        %get3A_682 = vector.shape_cast %get3A_681 : vector<16xi32> to vector<16xi32>
        %mul3A_683 = arith.constant 2 : i32
        %mul3A_684 = vector.broadcast %mul3A_683 : i32 to vector<16xi32>
        %mul3A_685 = arith.muli %get3A_682, %mul3A_684 : vector<16xi32>
        %add3A_686 = vector.broadcast %arg0 : i32 to vector<16xi32>
        %add3A_687 = arith.addi %mul3A_685, %add3A_686 : vector<16xi32>
        %swap3A_688 = arith.constant 368 : index
        %swap3A_689 = tpu.vector_load %arg8[%swap3A_688] {strides = array<i32>} : memref<400xi32, #tpu.memory_space<vmem>>, vector<16xi32>,
        %swap3A_690 = vector.shape_cast %swap3A_689 : vector<16xi32> to vector<16xi32>
        %swap3A_691 = vector.shape_cast %add3A_687 : vector<16xi32> to vector<16xi32>
        tpu.vector_store %arg8[%swap3A_688], %swap3A_691 {strides = array<i32>} : memref<400xi32, #tpu.memory_space<vmem>>, vector<16xi32>,
        %get3A_692 = arith.constant 384 : index
        %get3A_693 = tpu.vector_load %arg8[%get3A_692] {strides = array<i32>} : memref<400xi32, #tpu.memory_space<vmem>>, vector<16xi32>,
        %get3A_694 = vector.shape_cast %get3A_693 : vector<16xi32> to vector<16xi32>
        %mul3A_695 = arith.constant 2 : i32
        %mul3A_696 = vector.broadcast %mul3A_695 : i32 to vector<16xi32>
        %mul3A_697 = arith.muli %get3A_694, %mul3A_696 : vector<16xi32>
        %add3A_698 = vector.broadcast %arg0 : i32 to vector<16xi32>
        %add3A_699 = arith.addi %mul3A_697, %add3A_698 : vector<16xi32>
        %swap3A_700 = arith.constant 384 : index
        %swap3A_701 = tpu.vector_load %arg8[%swap3A_700] {strides = array<i32>} : memref<400xi32, #tpu.memory_space<vmem>>, vector<16xi32>,
        %swap3A_702 = vector.shape_cast %swap3A_701 : vector<16xi32> to vector<16xi32>
        %swap3A_703 = vector.shape_cast %add3A_699 : vector<16xi32> to vector<16xi32>
        tpu.vector_store %arg8[%swap3A_700], %swap3A_703 {strides = array<i32>} : memref<400xi32, #tpu.memory_space<vmem>>, vector<16xi32>,
        %dma_start3A_704 = arith.constant 0 : i32
        %dma_start3A_705 = arith.constant 0 : i32
        %dma_start3A_706 = tpu.memref_slice %arg2[%dma_start3A_704, %dma_start3A_705] : memref<20000x64xf32, #tpu.memory_space<hbm>> -> memref<20000x64xf32, #tpu.memory_space<hbm>>
        tpu.enqueue_indirect_dma source(%dma_start3A_706 : memref<20000x64xf32, #tpu.memory_space<hbm>>) target(%arg12 : memref<400x64xf32, #tpu.memory_space<vmem>>) offsets(%arg8 : memref<400xi32, #tpu.memory_space<vmem>>) semaphore(%arg14 : memref<!tpu.dma_semaphore, #tpu.memory_space<semaphore_mem>>)
      } else {
      }
      "tpu.region"() ({
        %run_scoped3A = tpu.sem_alloc : memref<!tpu.dma_semaphore, #tpu.memory_space<semaphore_mem>>
        %dma_start3A_392 = arith.constant 0 : i32
        %dma_start3A_393 = arith.constant 0 : i32
        %dma_start3A_394 = tpu.memref_slice %arg6[%dma_start3A_392, %dma_start3A_393] : memref<10000x64xf32, #tpu.memory_space<vmem_shared>> -> memref<10000x64xf32, #tpu.memory_space<vmem_shared>>
        tpu.enqueue_indirect_dma source(%arg11 : memref<400x64xf32, #tpu.memory_space<vmem>>) target(%dma_start3A_394 : memref<10000x64xf32, #tpu.memory_space<vmem_shared>>) offsets(%arg9 : memref<400xi32, #tpu.memory_space<vmem>>) semaphore(%run_scoped3A : memref<!tpu.dma_semaphore, #tpu.memory_space<semaphore_mem>>) {add = true}
        %dma_wait3A_395 = arith.constant 0 : i32
        %dma_wait3A_396 = arith.constant 0 : i32
        %dma_wait3A_397 = tpu.memref_slice %arg6[%dma_wait3A_395, %dma_wait3A_396] : memref<10000x64xf32, #tpu.memory_space<vmem_shared>> -> memref<10000x64xf32, #tpu.memory_space<vmem_shared>>
        tpu.wait_indirect_dma semaphore(%run_scoped3A : memref<!tpu.dma_semaphore, #tpu.memory_space<semaphore_mem>>) src(%arg11 : memref<400x64xf32, #tpu.memory_space<vmem>>) dst(%dma_wait3A_397 : memref<10000x64xf32, #tpu.memory_space<vmem_shared>>)
        tpu.yield
      }) : () -> ()
      %add3A_364 = arith.constant 2 : i32
      %add3A_365 = arith.addi %mul3A_354, %add3A_364 : i32
      %lt3A_366 = arith.constant 50 : i32
      %lt3A_367 = arith.cmpi slt, %add3A_365, %lt3A_366 : i32
      %convert_element_type3A_368 = arith.extui %lt3A_367 : i1 to i32
      %cond3A_369 = arith.constant 0 : i32
      %cond3A_370 = arith.cmpi ne, %convert_element_type3A_368, %cond3A_369 : i32
      scf.if %cond3A_370 {
        %add3A_392 = arith.constant 2 : i32
        %add3A_393 = arith.addi %mul3A_354, %add3A_392 : i32
        %mul3A_394 = arith.constant 400 : i32
        %mul3A_395 = arith.muli %add3A_393, %mul3A_394 : i32
        %add3A_396 = arith.addi %mul3A_2, %mul3A_395 : i32
        %mul3A_397 = arith.constant 400 : i32
        %mul3A_398 = arith.muli %add3A_393, %mul3A_397 : i32
        %add3A_399 = arith.addi %mul3A_2, %mul3A_398 : i32
        %dma_start3A_400 = tpu.memref_slice %arg3[%add3A_396] : memref<320000xi32, #tpu.memory_space<hbm>> -> memref<400xi32, #tpu.memory_space<hbm>>
        %dma_start3A_401 = tpu.memref_slice %arg3[%add3A_396] : memref<320000xi32, #tpu.memory_space<hbm>> -> memref<400xi32, #tpu.memory_space<hbm>>
        tpu.enqueue_dma source(%dma_start3A_401 : memref<400xi32, #tpu.memory_space<hbm>>) target(%arg7 : memref<400xi32, #tpu.memory_space<vmem>>) target_semaphore(%arg15 : memref<!tpu.dma_semaphore, #tpu.memory_space<semaphore_mem>>)
        %dma_start3A_402 = tpu.memref_slice %arg4[%add3A_399] : memref<320000xi32, #tpu.memory_space<hbm>> -> memref<400xi32, #tpu.memory_space<hbm>>
        %dma_start3A_403 = tpu.memref_slice %arg4[%add3A_399] : memref<320000xi32, #tpu.memory_space<hbm>> -> memref<400xi32, #tpu.memory_space<hbm>>
        tpu.enqueue_dma source(%dma_start3A_403 : memref<400xi32, #tpu.memory_space<hbm>>) target(%arg9 : memref<400xi32, #tpu.memory_space<vmem>>) target_semaphore(%arg15 : memref<!tpu.dma_semaphore, #tpu.memory_space<semaphore_mem>>)
      } else {
      }
      %mul3A_371 = arith.constant 2 : i32
      %mul3A_372 = arith.muli %mul3A_371, %scan3A_352 : i32
      %add3A_373 = arith.constant 1 : i32
      %add3A_374 = arith.addi %mul3A_372, %add3A_373 : i32
      %dma_wait3A_375 = arith.constant 0 : i32
      %dma_wait3A_376 = arith.constant 0 : i32
      %dma_wait3A_377 = tpu.memref_slice %arg2[%dma_wait3A_375, %dma_wait3A_376] : memref<20000x64xf32, #tpu.memory_space<hbm>> -> memref<20000x64xf32, #tpu.memory_space<hbm>>
      tpu.wait_indirect_dma semaphore(%arg14 : memref<!tpu.dma_semaphore, #tpu.memory_space<semaphore_mem>>) src(%dma_wait3A_377 : memref<20000x64xf32, #tpu.memory_space<hbm>>) dst(%arg12 : memref<400x64xf32, #tpu.memory_space<vmem>>)
      %add3A_378 = arith.constant 1 : i32
      %add3A_379 = arith.addi %add3A_374, %add3A_378 : i32
      %lt3A_380 = arith.constant 50 : i32
      %lt3A_381 = arith.cmpi slt, %add3A_379, %lt3A_380 : i32
      %convert_element_type3A_382 = arith.extui %lt3A_381 : i1 to i32
      %cond3A_383 = arith.constant 0 : i32
      %cond3A_384 = arith.cmpi ne, %convert_element_type3A_382, %cond3A_383 : i32
      scf.if %cond3A_384 {
        %add3A_392 = arith.constant 1 : i32
        %add3A_393 = arith.addi %add3A_374, %add3A_392 : i32
        %mul3A_394 = arith.constant 400 : i32
        %mul3A_395 = arith.muli %add3A_393, %mul3A_394 : i32
        %add3A_396 = arith.addi %mul3A_2, %mul3A_395 : i32
        %mul3A_397 = arith.constant 400 : i32
        %mul3A_398 = arith.muli %add3A_393, %mul3A_397 : i32
        %add3A_399 = arith.addi %mul3A_2, %mul3A_398 : i32
        %dma_wait3A_400 = tpu.memref_slice %arg3[%add3A_396] : memref<320000xi32, #tpu.memory_space<hbm>> -> memref<400xi32, #tpu.memory_space<hbm>>
        %dma_wait3A_401 = tpu.memref_slice %arg3[%add3A_396] : memref<320000xi32, #tpu.memory_space<hbm>> -> memref<400xi32, #tpu.memory_space<hbm>>
        tpu.wait_dma2 semaphore(%arg15 : memref<!tpu.dma_semaphore, #tpu.memory_space<semaphore_mem>>) src(%dma_wait3A_401 : memref<400xi32, #tpu.memory_space<hbm>>) dst(%arg7 : memref<400xi32, #tpu.memory_space<vmem>>)
        %dma_wait3A_402 = tpu.memref_slice %arg4[%add3A_399] : memref<320000xi32, #tpu.memory_space<hbm>> -> memref<400xi32, #tpu.memory_space<hbm>>
        %dma_wait3A_403 = tpu.memref_slice %arg4[%add3A_399] : memref<320000xi32, #tpu.memory_space<hbm>> -> memref<400xi32, #tpu.memory_space<hbm>>
        tpu.wait_dma2 semaphore(%arg15 : memref<!tpu.dma_semaphore, #tpu.memory_space<semaphore_mem>>) src(%dma_wait3A_403 : memref<400xi32, #tpu.memory_space<hbm>>) dst(%arg9 : memref<400xi32, #tpu.memory_space<vmem>>)
        %get3A_404 = arith.constant 0 : index
        %get3A_405 = tpu.vector_load %arg7[%get3A_404] {strides = array<i32>} : memref<400xi32, #tpu.memory_space<vmem>>, vector<16xi32>,
        %get3A_406 = vector.shape_cast %get3A_405 : vector<16xi32> to vector<16xi32>
        %mul3A_407 = arith.constant 2 : i32
        %mul3A_408 = vector.broadcast %mul3A_407 : i32 to vector<16xi32>
        %mul3A_409 = arith.muli %get3A_406, %mul3A_408 : vector<16xi32>
        %add3A_410 = vector.broadcast %arg0 : i32 to vector<16xi32>
        %add3A_411 = arith.addi %mul3A_409, %add3A_410 : vector<16xi32>
        %swap3A_412 = arith.constant 0 : index
        %swap3A_413 = tpu.vector_load %arg7[%swap3A_412] {strides = array<i32>} : memref<400xi32, #tpu.memory_space<vmem>>, vector<16xi32>,
        %swap3A_414 = vector.shape_cast %swap3A_413 : vector<16xi32> to vector<16xi32>
        %swap3A_415 = vector.shape_cast %add3A_411 : vector<16xi32> to vector<16xi32>
        tpu.vector_store %arg7[%swap3A_412], %swap3A_415 {strides = array<i32>} : memref<400xi32, #tpu.memory_space<vmem>>, vector<16xi32>,
        %get3A_416 = arith.constant 16 : index
        %get3A_417 = tpu.vector_load %arg7[%get3A_416] {strides = array<i32>} : memref<400xi32, #tpu.memory_space<vmem>>, vector<16xi32>,
        %get3A_418 = vector.shape_cast %get3A_417 : vector<16xi32> to vector<16xi32>
        %mul3A_419 = arith.constant 2 : i32
        %mul3A_420 = vector.broadcast %mul3A_419 : i32 to vector<16xi32>
        %mul3A_421 = arith.muli %get3A_418, %mul3A_420 : vector<16xi32>
        %add3A_422 = vector.broadcast %arg0 : i32 to vector<16xi32>
        %add3A_423 = arith.addi %mul3A_421, %add3A_422 : vector<16xi32>
        %swap3A_424 = arith.constant 16 : index
        %swap3A_425 = tpu.vector_load %arg7[%swap3A_424] {strides = array<i32>} : memref<400xi32, #tpu.memory_space<vmem>>, vector<16xi32>,
        %swap3A_426 = vector.shape_cast %swap3A_425 : vector<16xi32> to vector<16xi32>
        %swap3A_427 = vector.shape_cast %add3A_423 : vector<16xi32> to vector<16xi32>
        tpu.vector_store %arg7[%swap3A_424], %swap3A_427 {strides = array<i32>} : memref<400xi32, #tpu.memory_space<vmem>>, vector<16xi32>,
        %get3A_428 = arith.constant 32 : index
        %get3A_429 = tpu.vector_load %arg7[%get3A_428] {strides = array<i32>} : memref<400xi32, #tpu.memory_space<vmem>>, vector<16xi32>,
        %get3A_430 = vector.shape_cast %get3A_429 : vector<16xi32> to vector<16xi32>
        %mul3A_431 = arith.constant 2 : i32
        %mul3A_432 = vector.broadcast %mul3A_431 : i32 to vector<16xi32>
        %mul3A_433 = arith.muli %get3A_430, %mul3A_432 : vector<16xi32>
        %add3A_434 = vector.broadcast %arg0 : i32 to vector<16xi32>
        %add3A_435 = arith.addi %mul3A_433, %add3A_434 : vector<16xi32>
        %swap3A_436 = arith.constant 32 : index
        %swap3A_437 = tpu.vector_load %arg7[%swap3A_436] {strides = array<i32>} : memref<400xi32, #tpu.memory_space<vmem>>, vector<16xi32>,
        %swap3A_438 = vector.shape_cast %swap3A_437 : vector<16xi32> to vector<16xi32>
        %swap3A_439 = vector.shape_cast %add3A_435 : vector<16xi32> to vector<16xi32>
        tpu.vector_store %arg7[%swap3A_436], %swap3A_439 {strides = array<i32>} : memref<400xi32, #tpu.memory_space<vmem>>, vector<16xi32>,
        %get3A_440 = arith.constant 48 : index
        %get3A_441 = tpu.vector_load %arg7[%get3A_440] {strides = array<i32>} : memref<400xi32, #tpu.memory_space<vmem>>, vector<16xi32>,
        %get3A_442 = vector.shape_cast %get3A_441 : vector<16xi32> to vector<16xi32>
        %mul3A_443 = arith.constant 2 : i32
        %mul3A_444 = vector.broadcast %mul3A_443 : i32 to vector<16xi32>
        %mul3A_445 = arith.muli %get3A_442, %mul3A_444 : vector<16xi32>
        %add3A_446 = vector.broadcast %arg0 : i32 to vector<16xi32>
        %add3A_447 = arith.addi %mul3A_445, %add3A_446 : vector<16xi32>
        %swap3A_448 = arith.constant 48 : index
        %swap3A_449 = tpu.vector_load %arg7[%swap3A_448] {strides = array<i32>} : memref<400xi32, #tpu.memory_space<vmem>>, vector<16xi32>,
        %swap3A_450 = vector.shape_cast %swap3A_449 : vector<16xi32> to vector<16xi32>
        %swap3A_451 = vector.shape_cast %add3A_447 : vector<16xi32> to vector<16xi32>
        tpu.vector_store %arg7[%swap3A_448], %swap3A_451 {strides = array<i32>} : memref<400xi32, #tpu.memory_space<vmem>>, vector<16xi32>,
        %get3A_452 = arith.constant 64 : index
        %get3A_453 = tpu.vector_load %arg7[%get3A_452] {strides = array<i32>} : memref<400xi32, #tpu.memory_space<vmem>>, vector<16xi32>,
        %get3A_454 = vector.shape_cast %get3A_453 : vector<16xi32> to vector<16xi32>
        %mul3A_455 = arith.constant 2 : i32
        %mul3A_456 = vector.broadcast %mul3A_455 : i32 to vector<16xi32>
        %mul3A_457 = arith.muli %get3A_454, %mul3A_456 : vector<16xi32>
        %add3A_458 = vector.broadcast %arg0 : i32 to vector<16xi32>
        %add3A_459 = arith.addi %mul3A_457, %add3A_458 : vector<16xi32>
        %swap3A_460 = arith.constant 64 : index
        %swap3A_461 = tpu.vector_load %arg7[%swap3A_460] {strides = array<i32>} : memref<400xi32, #tpu.memory_space<vmem>>, vector<16xi32>,
        %swap3A_462 = vector.shape_cast %swap3A_461 : vector<16xi32> to vector<16xi32>
        %swap3A_463 = vector.shape_cast %add3A_459 : vector<16xi32> to vector<16xi32>
        tpu.vector_store %arg7[%swap3A_460], %swap3A_463 {strides = array<i32>} : memref<400xi32, #tpu.memory_space<vmem>>, vector<16xi32>,
        %get3A_464 = arith.constant 80 : index
        %get3A_465 = tpu.vector_load %arg7[%get3A_464] {strides = array<i32>} : memref<400xi32, #tpu.memory_space<vmem>>, vector<16xi32>,
        %get3A_466 = vector.shape_cast %get3A_465 : vector<16xi32> to vector<16xi32>
        %mul3A_467 = arith.constant 2 : i32
        %mul3A_468 = vector.broadcast %mul3A_467 : i32 to vector<16xi32>
        %mul3A_469 = arith.muli %get3A_466, %mul3A_468 : vector<16xi32>
        %add3A_470 = vector.broadcast %arg0 : i32 to vector<16xi32>
        %add3A_471 = arith.addi %mul3A_469, %add3A_470 : vector<16xi32>
        %swap3A_472 = arith.constant 80 : index
        %swap3A_473 = tpu.vector_load %arg7[%swap3A_472] {strides = array<i32>} : memref<400xi32, #tpu.memory_space<vmem>>, vector<16xi32>,
        %swap3A_474 = vector.shape_cast %swap3A_473 : vector<16xi32> to vector<16xi32>
        %swap3A_475 = vector.shape_cast %add3A_471 : vector<16xi32> to vector<16xi32>
        tpu.vector_store %arg7[%swap3A_472], %swap3A_475 {strides = array<i32>} : memref<400xi32, #tpu.memory_space<vmem>>, vector<16xi32>,
        %get3A_476 = arith.constant 96 : index
        %get3A_477 = tpu.vector_load %arg7[%get3A_476] {strides = array<i32>} : memref<400xi32, #tpu.memory_space<vmem>>, vector<16xi32>,
        %get3A_478 = vector.shape_cast %get3A_477 : vector<16xi32> to vector<16xi32>
        %mul3A_479 = arith.constant 2 : i32
        %mul3A_480 = vector.broadcast %mul3A_479 : i32 to vector<16xi32>
        %mul3A_481 = arith.muli %get3A_478, %mul3A_480 : vector<16xi32>
        %add3A_482 = vector.broadcast %arg0 : i32 to vector<16xi32>
        %add3A_483 = arith.addi %mul3A_481, %add3A_482 : vector<16xi32>
        %swap3A_484 = arith.constant 96 : index
        %swap3A_485 = tpu.vector_load %arg7[%swap3A_484] {strides = array<i32>} : memref<400xi32, #tpu.memory_space<vmem>>, vector<16xi32>,
        %swap3A_486 = vector.shape_cast %swap3A_485 : vector<16xi32> to vector<16xi32>
        %swap3A_487 = vector.shape_cast %add3A_483 : vector<16xi32> to vector<16xi32>
        tpu.vector_store %arg7[%swap3A_484], %swap3A_487 {strides = array<i32>} : memref<400xi32, #tpu.memory_space<vmem>>, vector<16xi32>,
        %get3A_488 = arith.constant 112 : index
        %get3A_489 = tpu.vector_load %arg7[%get3A_488] {strides = array<i32>} : memref<400xi32, #tpu.memory_space<vmem>>, vector<16xi32>,
        %get3A_490 = vector.shape_cast %get3A_489 : vector<16xi32> to vector<16xi32>
        %mul3A_491 = arith.constant 2 : i32
        %mul3A_492 = vector.broadcast %mul3A_491 : i32 to vector<16xi32>
        %mul3A_493 = arith.muli %get3A_490, %mul3A_492 : vector<16xi32>
        %add3A_494 = vector.broadcast %arg0 : i32 to vector<16xi32>
        %add3A_495 = arith.addi %mul3A_493, %add3A_494 : vector<16xi32>
        %swap3A_496 = arith.constant 112 : index
        %swap3A_497 = tpu.vector_load %arg7[%swap3A_496] {strides = array<i32>} : memref<400xi32, #tpu.memory_space<vmem>>, vector<16xi32>,
        %swap3A_498 = vector.shape_cast %swap3A_497 : vector<16xi32> to vector<16xi32>
        %swap3A_499 = vector.shape_cast %add3A_495 : vector<16xi32> to vector<16xi32>
        tpu.vector_store %arg7[%swap3A_496], %swap3A_499 {strides = array<i32>} : memref<400xi32, #tpu.memory_space<vmem>>, vector<16xi32>,
        %get3A_500 = arith.constant 128 : index
        %get3A_501 = tpu.vector_load %arg7[%get3A_500] {strides = array<i32>} : memref<400xi32, #tpu.memory_space<vmem>>, vector<16xi32>,
        %get3A_502 = vector.shape_cast %get3A_501 : vector<16xi32> to vector<16xi32>
        %mul3A_503 = arith.constant 2 : i32
        %mul3A_504 = vector.broadcast %mul3A_503 : i32 to vector<16xi32>
        %mul3A_505 = arith.muli %get3A_502, %mul3A_504 : vector<16xi32>
        %add3A_506 = vector.broadcast %arg0 : i32 to vector<16xi32>
        %add3A_507 = arith.addi %mul3A_505, %add3A_506 : vector<16xi32>
        %swap3A_508 = arith.constant 128 : index
        %swap3A_509 = tpu.vector_load %arg7[%swap3A_508] {strides = array<i32>} : memref<400xi32, #tpu.memory_space<vmem>>, vector<16xi32>,
        %swap3A_510 = vector.shape_cast %swap3A_509 : vector<16xi32> to vector<16xi32>
        %swap3A_511 = vector.shape_cast %add3A_507 : vector<16xi32> to vector<16xi32>
        tpu.vector_store %arg7[%swap3A_508], %swap3A_511 {strides = array<i32>} : memref<400xi32, #tpu.memory_space<vmem>>, vector<16xi32>,
        %get3A_512 = arith.constant 144 : index
        %get3A_513 = tpu.vector_load %arg7[%get3A_512] {strides = array<i32>} : memref<400xi32, #tpu.memory_space<vmem>>, vector<16xi32>,
        %get3A_514 = vector.shape_cast %get3A_513 : vector<16xi32> to vector<16xi32>
        %mul3A_515 = arith.constant 2 : i32
        %mul3A_516 = vector.broadcast %mul3A_515 : i32 to vector<16xi32>
        %mul3A_517 = arith.muli %get3A_514, %mul3A_516 : vector<16xi32>
        %add3A_518 = vector.broadcast %arg0 : i32 to vector<16xi32>
        %add3A_519 = arith.addi %mul3A_517, %add3A_518 : vector<16xi32>
        %swap3A_520 = arith.constant 144 : index
        %swap3A_521 = tpu.vector_load %arg7[%swap3A_520] {strides = array<i32>} : memref<400xi32, #tpu.memory_space<vmem>>, vector<16xi32>,
        %swap3A_522 = vector.shape_cast %swap3A_521 : vector<16xi32> to vector<16xi32>
        %swap3A_523 = vector.shape_cast %add3A_519 : vector<16xi32> to vector<16xi32>
        tpu.vector_store %arg7[%swap3A_520], %swap3A_523 {strides = array<i32>} : memref<400xi32, #tpu.memory_space<vmem>>, vector<16xi32>,
        %get3A_524 = arith.constant 160 : index
        %get3A_525 = tpu.vector_load %arg7[%get3A_524] {strides = array<i32>} : memref<400xi32, #tpu.memory_space<vmem>>, vector<16xi32>,
        %get3A_526 = vector.shape_cast %get3A_525 : vector<16xi32> to vector<16xi32>
        %mul3A_527 = arith.constant 2 : i32
        %mul3A_528 = vector.broadcast %mul3A_527 : i32 to vector<16xi32>
        %mul3A_529 = arith.muli %get3A_526, %mul3A_528 : vector<16xi32>
        %add3A_530 = vector.broadcast %arg0 : i32 to vector<16xi32>
        %add3A_531 = arith.addi %mul3A_529, %add3A_530 : vector<16xi32>
        %swap3A_532 = arith.constant 160 : index
        %swap3A_533 = tpu.vector_load %arg7[%swap3A_532] {strides = array<i32>} : memref<400xi32, #tpu.memory_space<vmem>>, vector<16xi32>,
        %swap3A_534 = vector.shape_cast %swap3A_533 : vector<16xi32> to vector<16xi32>
        %swap3A_535 = vector.shape_cast %add3A_531 : vector<16xi32> to vector<16xi32>
        tpu.vector_store %arg7[%swap3A_532], %swap3A_535 {strides = array<i32>} : memref<400xi32, #tpu.memory_space<vmem>>, vector<16xi32>,
        %get3A_536 = arith.constant 176 : index
        %get3A_537 = tpu.vector_load %arg7[%get3A_536] {strides = array<i32>} : memref<400xi32, #tpu.memory_space<vmem>>, vector<16xi32>,
        %get3A_538 = vector.shape_cast %get3A_537 : vector<16xi32> to vector<16xi32>
        %mul3A_539 = arith.constant 2 : i32
        %mul3A_540 = vector.broadcast %mul3A_539 : i32 to vector<16xi32>
        %mul3A_541 = arith.muli %get3A_538, %mul3A_540 : vector<16xi32>
        %add3A_542 = vector.broadcast %arg0 : i32 to vector<16xi32>
        %add3A_543 = arith.addi %mul3A_541, %add3A_542 : vector<16xi32>
        %swap3A_544 = arith.constant 176 : index
        %swap3A_545 = tpu.vector_load %arg7[%swap3A_544] {strides = array<i32>} : memref<400xi32, #tpu.memory_space<vmem>>, vector<16xi32>,
        %swap3A_546 = vector.shape_cast %swap3A_545 : vector<16xi32> to vector<16xi32>
        %swap3A_547 = vector.shape_cast %add3A_543 : vector<16xi32> to vector<16xi32>
        tpu.vector_store %arg7[%swap3A_544], %swap3A_547 {strides = array<i32>} : memref<400xi32, #tpu.memory_space<vmem>>, vector<16xi32>,
        %get3A_548 = arith.constant 192 : index
        %get3A_549 = tpu.vector_load %arg7[%get3A_548] {strides = array<i32>} : memref<400xi32, #tpu.memory_space<vmem>>, vector<16xi32>,
        %get3A_550 = vector.shape_cast %get3A_549 : vector<16xi32> to vector<16xi32>
        %mul3A_551 = arith.constant 2 : i32
        %mul3A_552 = vector.broadcast %mul3A_551 : i32 to vector<16xi32>
        %mul3A_553 = arith.muli %get3A_550, %mul3A_552 : vector<16xi32>
        %add3A_554 = vector.broadcast %arg0 : i32 to vector<16xi32>
        %add3A_555 = arith.addi %mul3A_553, %add3A_554 : vector<16xi32>
        %swap3A_556 = arith.constant 192 : index
        %swap3A_557 = tpu.vector_load %arg7[%swap3A_556] {strides = array<i32>} : memref<400xi32, #tpu.memory_space<vmem>>, vector<16xi32>,
        %swap3A_558 = vector.shape_cast %swap3A_557 : vector<16xi32> to vector<16xi32>
        %swap3A_559 = vector.shape_cast %add3A_555 : vector<16xi32> to vector<16xi32>
        tpu.vector_store %arg7[%swap3A_556], %swap3A_559 {strides = array<i32>} : memref<400xi32, #tpu.memory_space<vmem>>, vector<16xi32>,
        %get3A_560 = arith.constant 208 : index
        %get3A_561 = tpu.vector_load %arg7[%get3A_560] {strides = array<i32>} : memref<400xi32, #tpu.memory_space<vmem>>, vector<16xi32>,
        %get3A_562 = vector.shape_cast %get3A_561 : vector<16xi32> to vector<16xi32>
        %mul3A_563 = arith.constant 2 : i32
        %mul3A_564 = vector.broadcast %mul3A_563 : i32 to vector<16xi32>
        %mul3A_565 = arith.muli %get3A_562, %mul3A_564 : vector<16xi32>
        %add3A_566 = vector.broadcast %arg0 : i32 to vector<16xi32>
        %add3A_567 = arith.addi %mul3A_565, %add3A_566 : vector<16xi32>
        %swap3A_568 = arith.constant 208 : index
        %swap3A_569 = tpu.vector_load %arg7[%swap3A_568] {strides = array<i32>} : memref<400xi32, #tpu.memory_space<vmem>>, vector<16xi32>,
        %swap3A_570 = vector.shape_cast %swap3A_569 : vector<16xi32> to vector<16xi32>
        %swap3A_571 = vector.shape_cast %add3A_567 : vector<16xi32> to vector<16xi32>
        tpu.vector_store %arg7[%swap3A_568], %swap3A_571 {strides = array<i32>} : memref<400xi32, #tpu.memory_space<vmem>>, vector<16xi32>,
        %get3A_572 = arith.constant 224 : index
        %get3A_573 = tpu.vector_load %arg7[%get3A_572] {strides = array<i32>} : memref<400xi32, #tpu.memory_space<vmem>>, vector<16xi32>,
        %get3A_574 = vector.shape_cast %get3A_573 : vector<16xi32> to vector<16xi32>
        %mul3A_575 = arith.constant 2 : i32
        %mul3A_576 = vector.broadcast %mul3A_575 : i32 to vector<16xi32>
        %mul3A_577 = arith.muli %get3A_574, %mul3A_576 : vector<16xi32>
        %add3A_578 = vector.broadcast %arg0 : i32 to vector<16xi32>
        %add3A_579 = arith.addi %mul3A_577, %add3A_578 : vector<16xi32>
        %swap3A_580 = arith.constant 224 : index
        %swap3A_581 = tpu.vector_load %arg7[%swap3A_580] {strides = array<i32>} : memref<400xi32, #tpu.memory_space<vmem>>, vector<16xi32>,
        %swap3A_582 = vector.shape_cast %swap3A_581 : vector<16xi32> to vector<16xi32>
        %swap3A_583 = vector.shape_cast %add3A_579 : vector<16xi32> to vector<16xi32>
        tpu.vector_store %arg7[%swap3A_580], %swap3A_583 {strides = array<i32>} : memref<400xi32, #tpu.memory_space<vmem>>, vector<16xi32>,
        %get3A_584 = arith.constant 240 : index
        %get3A_585 = tpu.vector_load %arg7[%get3A_584] {strides = array<i32>} : memref<400xi32, #tpu.memory_space<vmem>>, vector<16xi32>,
        %get3A_586 = vector.shape_cast %get3A_585 : vector<16xi32> to vector<16xi32>
        %mul3A_587 = arith.constant 2 : i32
        %mul3A_588 = vector.broadcast %mul3A_587 : i32 to vector<16xi32>
        %mul3A_589 = arith.muli %get3A_586, %mul3A_588 : vector<16xi32>
        %add3A_590 = vector.broadcast %arg0 : i32 to vector<16xi32>
        %add3A_591 = arith.addi %mul3A_589, %add3A_590 : vector<16xi32>
        %swap3A_592 = arith.constant 240 : index
        %swap3A_593 = tpu.vector_load %arg7[%swap3A_592] {strides = array<i32>} : memref<400xi32, #tpu.memory_space<vmem>>, vector<16xi32>,
        %swap3A_594 = vector.shape_cast %swap3A_593 : vector<16xi32> to vector<16xi32>
        %swap3A_595 = vector.shape_cast %add3A_591 : vector<16xi32> to vector<16xi32>
        tpu.vector_store %arg7[%swap3A_592], %swap3A_595 {strides = array<i32>} : memref<400xi32, #tpu.memory_space<vmem>>, vector<16xi32>,
        %get3A_596 = arith.constant 256 : index
        %get3A_597 = tpu.vector_load %arg7[%get3A_596] {strides = array<i32>} : memref<400xi32, #tpu.memory_space<vmem>>, vector<16xi32>,
        %get3A_598 = vector.shape_cast %get3A_597 : vector<16xi32> to vector<16xi32>
        %mul3A_599 = arith.constant 2 : i32
        %mul3A_600 = vector.broadcast %mul3A_599 : i32 to vector<16xi32>
        %mul3A_601 = arith.muli %get3A_598, %mul3A_600 : vector<16xi32>
        %add3A_602 = vector.broadcast %arg0 : i32 to vector<16xi32>
        %add3A_603 = arith.addi %mul3A_601, %add3A_602 : vector<16xi32>
        %swap3A_604 = arith.constant 256 : index
        %swap3A_605 = tpu.vector_load %arg7[%swap3A_604] {strides = array<i32>} : memref<400xi32, #tpu.memory_space<vmem>>, vector<16xi32>,
        %swap3A_606 = vector.shape_cast %swap3A_605 : vector<16xi32> to vector<16xi32>
        %swap3A_607 = vector.shape_cast %add3A_603 : vector<16xi32> to vector<16xi32>
        tpu.vector_store %arg7[%swap3A_604], %swap3A_607 {strides = array<i32>} : memref<400xi32, #tpu.memory_space<vmem>>, vector<16xi32>,
        %get3A_608 = arith.constant 272 : index
        %get3A_609 = tpu.vector_load %arg7[%get3A_608] {strides = array<i32>} : memref<400xi32, #tpu.memory_space<vmem>>, vector<16xi32>,
        %get3A_610 = vector.shape_cast %get3A_609 : vector<16xi32> to vector<16xi32>
        %mul3A_611 = arith.constant 2 : i32
        %mul3A_612 = vector.broadcast %mul3A_611 : i32 to vector<16xi32>
        %mul3A_613 = arith.muli %get3A_610, %mul3A_612 : vector<16xi32>
        %add3A_614 = vector.broadcast %arg0 : i32 to vector<16xi32>
        %add3A_615 = arith.addi %mul3A_613, %add3A_614 : vector<16xi32>
        %swap3A_616 = arith.constant 272 : index
        %swap3A_617 = tpu.vector_load %arg7[%swap3A_616] {strides = array<i32>} : memref<400xi32, #tpu.memory_space<vmem>>, vector<16xi32>,
        %swap3A_618 = vector.shape_cast %swap3A_617 : vector<16xi32> to vector<16xi32>
        %swap3A_619 = vector.shape_cast %add3A_615 : vector<16xi32> to vector<16xi32>
        tpu.vector_store %arg7[%swap3A_616], %swap3A_619 {strides = array<i32>} : memref<400xi32, #tpu.memory_space<vmem>>, vector<16xi32>,
        %get3A_620 = arith.constant 288 : index
        %get3A_621 = tpu.vector_load %arg7[%get3A_620] {strides = array<i32>} : memref<400xi32, #tpu.memory_space<vmem>>, vector<16xi32>,
        %get3A_622 = vector.shape_cast %get3A_621 : vector<16xi32> to vector<16xi32>
        %mul3A_623 = arith.constant 2 : i32
        %mul3A_624 = vector.broadcast %mul3A_623 : i32 to vector<16xi32>
        %mul3A_625 = arith.muli %get3A_622, %mul3A_624 : vector<16xi32>
        %add3A_626 = vector.broadcast %arg0 : i32 to vector<16xi32>
        %add3A_627 = arith.addi %mul3A_625, %add3A_626 : vector<16xi32>
        %swap3A_628 = arith.constant 288 : index
        %swap3A_629 = tpu.vector_load %arg7[%swap3A_628] {strides = array<i32>} : memref<400xi32, #tpu.memory_space<vmem>>, vector<16xi32>,
        %swap3A_630 = vector.shape_cast %swap3A_629 : vector<16xi32> to vector<16xi32>
        %swap3A_631 = vector.shape_cast %add3A_627 : vector<16xi32> to vector<16xi32>
        tpu.vector_store %arg7[%swap3A_628], %swap3A_631 {strides = array<i32>} : memref<400xi32, #tpu.memory_space<vmem>>, vector<16xi32>,
        %get3A_632 = arith.constant 304 : index
        %get3A_633 = tpu.vector_load %arg7[%get3A_632] {strides = array<i32>} : memref<400xi32, #tpu.memory_space<vmem>>, vector<16xi32>,
        %get3A_634 = vector.shape_cast %get3A_633 : vector<16xi32> to vector<16xi32>
        %mul3A_635 = arith.constant 2 : i32
        %mul3A_636 = vector.broadcast %mul3A_635 : i32 to vector<16xi32>
        %mul3A_637 = arith.muli %get3A_634, %mul3A_636 : vector<16xi32>
        %add3A_638 = vector.broadcast %arg0 : i32 to vector<16xi32>
        %add3A_639 = arith.addi %mul3A_637, %add3A_638 : vector<16xi32>
        %swap3A_640 = arith.constant 304 : index
        %swap3A_641 = tpu.vector_load %arg7[%swap3A_640] {strides = array<i32>} : memref<400xi32, #tpu.memory_space<vmem>>, vector<16xi32>,
        %swap3A_642 = vector.shape_cast %swap3A_641 : vector<16xi32> to vector<16xi32>
        %swap3A_643 = vector.shape_cast %add3A_639 : vector<16xi32> to vector<16xi32>
        tpu.vector_store %arg7[%swap3A_640], %swap3A_643 {strides = array<i32>} : memref<400xi32, #tpu.memory_space<vmem>>, vector<16xi32>,
        %get3A_644 = arith.constant 320 : index
        %get3A_645 = tpu.vector_load %arg7[%get3A_644] {strides = array<i32>} : memref<400xi32, #tpu.memory_space<vmem>>, vector<16xi32>,
        %get3A_646 = vector.shape_cast %get3A_645 : vector<16xi32> to vector<16xi32>
        %mul3A_647 = arith.constant 2 : i32
        %mul3A_648 = vector.broadcast %mul3A_647 : i32 to vector<16xi32>
        %mul3A_649 = arith.muli %get3A_646, %mul3A_648 : vector<16xi32>
        %add3A_650 = vector.broadcast %arg0 : i32 to vector<16xi32>
        %add3A_651 = arith.addi %mul3A_649, %add3A_650 : vector<16xi32>
        %swap3A_652 = arith.constant 320 : index
        %swap3A_653 = tpu.vector_load %arg7[%swap3A_652] {strides = array<i32>} : memref<400xi32, #tpu.memory_space<vmem>>, vector<16xi32>,
        %swap3A_654 = vector.shape_cast %swap3A_653 : vector<16xi32> to vector<16xi32>
        %swap3A_655 = vector.shape_cast %add3A_651 : vector<16xi32> to vector<16xi32>
        tpu.vector_store %arg7[%swap3A_652], %swap3A_655 {strides = array<i32>} : memref<400xi32, #tpu.memory_space<vmem>>, vector<16xi32>,
        %get3A_656 = arith.constant 336 : index
        %get3A_657 = tpu.vector_load %arg7[%get3A_656] {strides = array<i32>} : memref<400xi32, #tpu.memory_space<vmem>>, vector<16xi32>,
        %get3A_658 = vector.shape_cast %get3A_657 : vector<16xi32> to vector<16xi32>
        %mul3A_659 = arith.constant 2 : i32
        %mul3A_660 = vector.broadcast %mul3A_659 : i32 to vector<16xi32>
        %mul3A_661 = arith.muli %get3A_658, %mul3A_660 : vector<16xi32>
        %add3A_662 = vector.broadcast %arg0 : i32 to vector<16xi32>
        %add3A_663 = arith.addi %mul3A_661, %add3A_662 : vector<16xi32>
        %swap3A_664 = arith.constant 336 : index
        %swap3A_665 = tpu.vector_load %arg7[%swap3A_664] {strides = array<i32>} : memref<400xi32, #tpu.memory_space<vmem>>, vector<16xi32>,
        %swap3A_666 = vector.shape_cast %swap3A_665 : vector<16xi32> to vector<16xi32>
        %swap3A_667 = vector.shape_cast %add3A_663 : vector<16xi32> to vector<16xi32>
        tpu.vector_store %arg7[%swap3A_664], %swap3A_667 {strides = array<i32>} : memref<400xi32, #tpu.memory_space<vmem>>, vector<16xi32>,
        %get3A_668 = arith.constant 352 : index
        %get3A_669 = tpu.vector_load %arg7[%get3A_668] {strides = array<i32>} : memref<400xi32, #tpu.memory_space<vmem>>, vector<16xi32>,
        %get3A_670 = vector.shape_cast %get3A_669 : vector<16xi32> to vector<16xi32>
        %mul3A_671 = arith.constant 2 : i32
        %mul3A_672 = vector.broadcast %mul3A_671 : i32 to vector<16xi32>
        %mul3A_673 = arith.muli %get3A_670, %mul3A_672 : vector<16xi32>
        %add3A_674 = vector.broadcast %arg0 : i32 to vector<16xi32>
        %add3A_675 = arith.addi %mul3A_673, %add3A_674 : vector<16xi32>
        %swap3A_676 = arith.constant 352 : index
        %swap3A_677 = tpu.vector_load %arg7[%swap3A_676] {strides = array<i32>} : memref<400xi32, #tpu.memory_space<vmem>>, vector<16xi32>,
        %swap3A_678 = vector.shape_cast %swap3A_677 : vector<16xi32> to vector<16xi32>
        %swap3A_679 = vector.shape_cast %add3A_675 : vector<16xi32> to vector<16xi32>
        tpu.vector_store %arg7[%swap3A_676], %swap3A_679 {strides = array<i32>} : memref<400xi32, #tpu.memory_space<vmem>>, vector<16xi32>,
        %get3A_680 = arith.constant 368 : index
        %get3A_681 = tpu.vector_load %arg7[%get3A_680] {strides = array<i32>} : memref<400xi32, #tpu.memory_space<vmem>>, vector<16xi32>,
        %get3A_682 = vector.shape_cast %get3A_681 : vector<16xi32> to vector<16xi32>
        %mul3A_683 = arith.constant 2 : i32
        %mul3A_684 = vector.broadcast %mul3A_683 : i32 to vector<16xi32>
        %mul3A_685 = arith.muli %get3A_682, %mul3A_684 : vector<16xi32>
        %add3A_686 = vector.broadcast %arg0 : i32 to vector<16xi32>
        %add3A_687 = arith.addi %mul3A_685, %add3A_686 : vector<16xi32>
        %swap3A_688 = arith.constant 368 : index
        %swap3A_689 = tpu.vector_load %arg7[%swap3A_688] {strides = array<i32>} : memref<400xi32, #tpu.memory_space<vmem>>, vector<16xi32>,
        %swap3A_690 = vector.shape_cast %swap3A_689 : vector<16xi32> to vector<16xi32>
        %swap3A_691 = vector.shape_cast %add3A_687 : vector<16xi32> to vector<16xi32>
        tpu.vector_store %arg7[%swap3A_688], %swap3A_691 {strides = array<i32>} : memref<400xi32, #tpu.memory_space<vmem>>, vector<16xi32>,
        %get3A_692 = arith.constant 384 : index
        %get3A_693 = tpu.vector_load %arg7[%get3A_692] {strides = array<i32>} : memref<400xi32, #tpu.memory_space<vmem>>, vector<16xi32>,
        %get3A_694 = vector.shape_cast %get3A_693 : vector<16xi32> to vector<16xi32>
        %mul3A_695 = arith.constant 2 : i32
        %mul3A_696 = vector.broadcast %mul3A_695 : i32 to vector<16xi32>
        %mul3A_697 = arith.muli %get3A_694, %mul3A_696 : vector<16xi32>
        %add3A_698 = vector.broadcast %arg0 : i32 to vector<16xi32>
        %add3A_699 = arith.addi %mul3A_697, %add3A_698 : vector<16xi32>
        %swap3A_700 = arith.constant 384 : index
        %swap3A_701 = tpu.vector_load %arg7[%swap3A_700] {strides = array<i32>} : memref<400xi32, #tpu.memory_space<vmem>>, vector<16xi32>,
        %swap3A_702 = vector.shape_cast %swap3A_701 : vector<16xi32> to vector<16xi32>
        %swap3A_703 = vector.shape_cast %add3A_699 : vector<16xi32> to vector<16xi32>
        tpu.vector_store %arg7[%swap3A_700], %swap3A_703 {strides = array<i32>} : memref<400xi32, #tpu.memory_space<vmem>>, vector<16xi32>,
        %dma_start3A_704 = arith.constant 0 : i32
        %dma_start3A_705 = arith.constant 0 : i32
        %dma_start3A_706 = tpu.memref_slice %arg2[%dma_start3A_704, %dma_start3A_705] : memref<20000x64xf32, #tpu.memory_space<hbm>> -> memref<20000x64xf32, #tpu.memory_space<hbm>>
        tpu.enqueue_indirect_dma source(%dma_start3A_706 : memref<20000x64xf32, #tpu.memory_space<hbm>>) target(%arg11 : memref<400x64xf32, #tpu.memory_space<vmem>>) offsets(%arg7 : memref<400xi32, #tpu.memory_space<vmem>>) semaphore(%arg13 : memref<!tpu.dma_semaphore, #tpu.memory_space<semaphore_mem>>)
      } else {
      }
      "tpu.region"() ({
        %run_scoped3A = tpu.sem_alloc : memref<!tpu.dma_semaphore, #tpu.memory_space<semaphore_mem>>
        %dma_start3A_392 = arith.constant 0 : i32
        %dma_start3A_393 = arith.constant 0 : i32
        %dma_start3A_394 = tpu.memref_slice %arg6[%dma_start3A_392, %dma_start3A_393] : memref<10000x64xf32, #tpu.memory_space<vmem_shared>> -> memref<10000x64xf32, #tpu.memory_space<vmem_shared>>
        tpu.enqueue_indirect_dma source(%arg12 : memref<400x64xf32, #tpu.memory_space<vmem>>) target(%dma_start3A_394 : memref<10000x64xf32, #tpu.memory_space<vmem_shared>>) offsets(%arg10 : memref<400xi32, #tpu.memory_space<vmem>>) semaphore(%run_scoped3A : memref<!tpu.dma_semaphore, #tpu.memory_space<semaphore_mem>>) {add = true}
        %dma_wait3A_395 = arith.constant 0 : i32
        %dma_wait3A_396 = arith.constant 0 : i32
        %dma_wait3A_397 = tpu.memref_slice %arg6[%dma_wait3A_395, %dma_wait3A_396] : memref<10000x64xf32, #tpu.memory_space<vmem_shared>> -> memref<10000x64xf32, #tpu.memory_space<vmem_shared>>
        tpu.wait_indirect_dma semaphore(%run_scoped3A : memref<!tpu.dma_semaphore, #tpu.memory_space<semaphore_mem>>) src(%arg12 : memref<400x64xf32, #tpu.memory_space<vmem>>) dst(%dma_wait3A_397 : memref<10000x64xf32, #tpu.memory_space<vmem_shared>>)
        tpu.yield
      }) : () -> ()
      %add3A_385 = arith.constant 2 : i32
      %add3A_386 = arith.addi %add3A_374, %add3A_385 : i32
      %lt3A_387 = arith.constant 50 : i32
      %lt3A_388 = arith.cmpi slt, %add3A_386, %lt3A_387 : i32
      %convert_element_type3A_389 = arith.extui %lt3A_388 : i1 to i32
      %cond3A_390 = arith.constant 0 : i32
      %cond3A_391 = arith.cmpi ne, %convert_element_type3A_389, %cond3A_390 : i32
      scf.if %cond3A_391 {
        %add3A_392 = arith.constant 2 : i32
        %add3A_393 = arith.addi %add3A_374, %add3A_392 : i32
        %mul3A_394 = arith.constant 400 : i32
        %mul3A_395 = arith.muli %add3A_393, %mul3A_394 : i32
        %add3A_396 = arith.addi %mul3A_2, %mul3A_395 : i32
        %mul3A_397 = arith.constant 400 : i32
        %mul3A_398 = arith.muli %add3A_393, %mul3A_397 : i32
        %add3A_399 = arith.addi %mul3A_2, %mul3A_398 : i32
        %dma_start3A_400 = tpu.memref_slice %arg3[%add3A_396] : memref<320000xi32, #tpu.memory_space<hbm>> -> memref<400xi32, #tpu.memory_space<hbm>>
        %dma_start3A_401 = tpu.memref_slice %arg3[%add3A_396] : memref<320000xi32, #tpu.memory_space<hbm>> -> memref<400xi32, #tpu.memory_space<hbm>>
        tpu.enqueue_dma source(%dma_start3A_401 : memref<400xi32, #tpu.memory_space<hbm>>) target(%arg8 : memref<400xi32, #tpu.memory_space<vmem>>) target_semaphore(%arg16 : memref<!tpu.dma_semaphore, #tpu.memory_space<semaphore_mem>>)
        %dma_start3A_402 = tpu.memref_slice %arg4[%add3A_399] : memref<320000xi32, #tpu.memory_space<hbm>> -> memref<400xi32, #tpu.memory_space<hbm>>
        %dma_start3A_403 = tpu.memref_slice %arg4[%add3A_399] : memref<320000xi32, #tpu.memory_space<hbm>> -> memref<400xi32, #tpu.memory_space<hbm>>
        tpu.enqueue_dma source(%dma_start3A_403 : memref<400xi32, #tpu.memory_space<hbm>>) target(%arg10 : memref<400xi32, #tpu.memory_space<vmem>>) target_semaphore(%arg16 : memref<!tpu.dma_semaphore, #tpu.memory_space<semaphore_mem>>)
      } else {
      }
    }
    %scan3A_340 = arith.constant 25 : i32
    %barrier3A_341 = arith.constant 0 : index
    tpu.barrier barrier_id(%barrier3A_341)
    %eq3A_342 = arith.constant 0 : i32
    %eq3A_343 = arith.cmpi eq, %arg0, %eq3A_342 : i32
    %convert_element_type3A_344 = arith.extui %eq3A_343 : i1 to i32
    %cond3A_345 = arith.constant 0 : i32
    %cond3A_346 = arith.cmpi ne, %convert_element_type3A_344, %cond3A_345 : i32
    scf.if %cond3A_346 {
      "tpu.region"() ({
        %run_scoped3A = tpu.sem_alloc : memref<!tpu.dma_semaphore, #tpu.memory_space<semaphore_mem>>
        %dma_start3A_357 = arith.constant 0 : i32
        %dma_start3A_358 = tpu.memref_slice %arg5[%mul3A_0, %dma_start3A_357] : memref<10000x128xf32, #tpu.memory_space<hbm>> -> memref<624x64xf32, #tpu.memory_space<hbm>>
        %dma_start3A_359 = arith.constant 0 : i32
        %dma_start3A_360 = tpu.memref_slice %arg6[%mul3A_0, %dma_start3A_359] : memref<10000x64xf32, #tpu.memory_space<vmem_shared>> -> memref<624x64xf32, #tpu.memory_space<vmem_shared>>
        tpu.enqueue_dma source(%dma_start3A_360 : memref<624x64xf32, #tpu.memory_space<vmem_shared>>) target(%dma_start3A_358 : memref<624x64xf32, #tpu.memory_space<hbm>>) target_semaphore(%run_scoped3A : memref<!tpu.dma_semaphore, #tpu.memory_space<semaphore_mem>>)
        %dma_wait3A_361 = arith.constant 0 : i32
        %dma_wait3A_362 = tpu.memref_slice %arg5[%mul3A_0, %dma_wait3A_361] : memref<10000x128xf32, #tpu.memory_space<hbm>> -> memref<624x64xf32, #tpu.memory_space<hbm>>
        %dma_wait3A_363 = arith.constant 0 : i32
        %dma_wait3A_364 = tpu.memref_slice %arg6[%mul3A_0, %dma_wait3A_363] : memref<10000x64xf32, #tpu.memory_space<vmem_shared>> -> memref<624x64xf32, #tpu.memory_space<vmem_shared>>
        tpu.wait_dma2 semaphore(%run_scoped3A : memref<!tpu.dma_semaphore, #tpu.memory_space<semaphore_mem>>) src(%dma_wait3A_364 : memref<624x64xf32, #tpu.memory_space<vmem_shared>>) dst(%dma_wait3A_362 : memref<624x64xf32, #tpu.memory_space<hbm>>)
        tpu.yield
      }) : () -> ()
      %eq3A_352 = arith.constant 15 : i32
      %eq3A_353 = arith.cmpi eq, %arg1, %eq3A_352 : i32
      %convert_element_type3A_354 = arith.extui %eq3A_353 : i1 to i32
      %cond3A_355 = arith.constant 0 : i32
      %cond3A_356 = arith.cmpi ne, %convert_element_type3A_354, %cond3A_355 : i32
      scf.if %cond3A_356 {
        "tpu.region"() ({
          %run_scoped3A = tpu.sem_alloc : memref<!tpu.dma_semaphore, #tpu.memory_space<semaphore_mem>>
          %dma_start3A_357 = arith.constant 9984 : i32
          %dma_start3A_358 = arith.constant 0 : i32
          %dma_start3A_359 = tpu.memref_slice %arg5[%dma_start3A_357, %dma_start3A_358] : memref<10000x128xf32, #tpu.memory_space<hbm>> -> memref<16x64xf32, #tpu.memory_space<hbm>>
          %dma_start3A_360 = arith.constant 9984 : i32
          %dma_start3A_361 = arith.constant 0 : i32
          %dma_start3A_362 = tpu.memref_slice %arg6[%dma_start3A_360, %dma_start3A_361] : memref<10000x64xf32, #tpu.memory_space<vmem_shared>> -> memref<16x64xf32, #tpu.memory_space<vmem_shared>>
          tpu.enqueue_dma source(%dma_start3A_362 : memref<16x64xf32, #tpu.memory_space<vmem_shared>>) target(%dma_start3A_359 : memref<16x64xf32, #tpu.memory_space<hbm>>) target_semaphore(%run_scoped3A : memref<!tpu.dma_semaphore, #tpu.memory_space<semaphore_mem>>)
          %dma_wait3A_363 = arith.constant 9984 : i32
          %dma_wait3A_364 = arith.constant 0 : i32
          %dma_wait3A_365 = tpu.memref_slice %arg5[%dma_wait3A_363, %dma_wait3A_364] : memref<10000x128xf32, #tpu.memory_space<hbm>> -> memref<16x64xf32, #tpu.memory_space<hbm>>
          %dma_wait3A_366 = arith.constant 9984 : i32
          %dma_wait3A_367 = arith.constant 0 : i32
          %dma_wait3A_368 = tpu.memref_slice %arg6[%dma_wait3A_366, %dma_wait3A_367] : memref<10000x64xf32, #tpu.memory_space<vmem_shared>> -> memref<16x64xf32, #tpu.memory_space<vmem_shared>>
          tpu.wait_dma2 semaphore(%run_scoped3A : memref<!tpu.dma_semaphore, #tpu.memory_space<semaphore_mem>>) src(%dma_wait3A_368 : memref<16x64xf32, #tpu.memory_space<vmem_shared>>) dst(%dma_wait3A_365 : memref<16x64xf32, #tpu.memory_space<hbm>>)
          tpu.yield
        }) : () -> ()
      } else {
      }
    } else {
    }
    %eq3A_347 = arith.constant 1 : i32
    %eq3A_348 = arith.cmpi eq, %arg0, %eq3A_347 : i32
    %convert_element_type3A_349 = arith.extui %eq3A_348 : i1 to i32
    %cond3A_350 = arith.constant 0 : i32
    %cond3A_351 = arith.cmpi ne, %convert_element_type3A_349, %cond3A_350 : i32
    scf.if %cond3A_351 {
      "tpu.region"() ({
        %run_scoped3A = tpu.sem_alloc : memref<!tpu.dma_semaphore, #tpu.memory_space<semaphore_mem>>
        %dma_start3A_357 = arith.constant 64 : i32
        %dma_start3A_358 = tpu.memref_slice %arg5[%mul3A_0, %dma_start3A_357] : memref<10000x128xf32, #tpu.memory_space<hbm>> -> memref<624x64xf32, #tpu.memory_space<hbm>>
        %dma_start3A_359 = arith.constant 0 : i32
        %dma_start3A_360 = tpu.memref_slice %arg6[%mul3A_0, %dma_start3A_359] : memref<10000x64xf32, #tpu.memory_space<vmem_shared>> -> memref<624x64xf32, #tpu.memory_space<vmem_shared>>
        tpu.enqueue_dma source(%dma_start3A_360 : memref<624x64xf32, #tpu.memory_space<vmem_shared>>) target(%dma_start3A_358 : memref<624x64xf32, #tpu.memory_space<hbm>>) target_semaphore(%run_scoped3A : memref<!tpu.dma_semaphore, #tpu.memory_space<semaphore_mem>>)
        %dma_wait3A_361 = arith.constant 64 : i32
        %dma_wait3A_362 = tpu.memref_slice %arg5[%mul3A_0, %dma_wait3A_361] : memref<10000x128xf32, #tpu.memory_space<hbm>> -> memref<624x64xf32, #tpu.memory_space<hbm>>
        %dma_wait3A_363 = arith.constant 0 : i32
        %dma_wait3A_364 = tpu.memref_slice %arg6[%mul3A_0, %dma_wait3A_363] : memref<10000x64xf32, #tpu.memory_space<vmem_shared>> -> memref<624x64xf32, #tpu.memory_space<vmem_shared>>
        tpu.wait_dma2 semaphore(%run_scoped3A : memref<!tpu.dma_semaphore, #tpu.memory_space<semaphore_mem>>) src(%dma_wait3A_364 : memref<624x64xf32, #tpu.memory_space<vmem_shared>>) dst(%dma_wait3A_362 : memref<624x64xf32, #tpu.memory_space<hbm>>)
        tpu.yield
      }) : () -> ()
      %eq3A_352 = arith.constant 15 : i32
      %eq3A_353 = arith.cmpi eq, %arg1, %eq3A_352 : i32
      %convert_element_type3A_354 = arith.extui %eq3A_353 : i1 to i32
      %cond3A_355 = arith.constant 0 : i32
      %cond3A_356 = arith.cmpi ne, %convert_element_type3A_354, %cond3A_355 : i32
      scf.if %cond3A_356 {
        "tpu.region"() ({
          %run_scoped3A = tpu.sem_alloc : memref<!tpu.dma_semaphore, #tpu.memory_space<semaphore_mem>>
          %dma_start3A_357 = arith.constant 9984 : i32
          %dma_start3A_358 = arith.constant 64 : i32
          %dma_start3A_359 = tpu.memref_slice %arg5[%dma_start3A_357, %dma_start3A_358] : memref<10000x128xf32, #tpu.memory_space<hbm>> -> memref<16x64xf32, #tpu.memory_space<hbm>>
          %dma_start3A_360 = arith.constant 9984 : i32
          %dma_start3A_361 = arith.constant 0 : i32
          %dma_start3A_362 = tpu.memref_slice %arg6[%dma_start3A_360, %dma_start3A_361] : memref<10000x64xf32, #tpu.memory_space<vmem_shared>> -> memref<16x64xf32, #tpu.memory_space<vmem_shared>>
          tpu.enqueue_dma source(%dma_start3A_362 : memref<16x64xf32, #tpu.memory_space<vmem_shared>>) target(%dma_start3A_359 : memref<16x64xf32, #tpu.memory_space<hbm>>) target_semaphore(%run_scoped3A : memref<!tpu.dma_semaphore, #tpu.memory_space<semaphore_mem>>)
          %dma_wait3A_363 = arith.constant 9984 : i32
          %dma_wait3A_364 = arith.constant 64 : i32
          %dma_wait3A_365 = tpu.memref_slice %arg5[%dma_wait3A_363, %dma_wait3A_364] : memref<10000x128xf32, #tpu.memory_space<hbm>> -> memref<16x64xf32, #tpu.memory_space<hbm>>
          %dma_wait3A_366 = arith.constant 9984 : i32
          %dma_wait3A_367 = arith.constant 0 : i32
          %dma_wait3A_368 = tpu.memref_slice %arg6[%dma_wait3A_366, %dma_wait3A_367] : memref<10000x64xf32, #tpu.memory_space<vmem_shared>> -> memref<16x64xf32, #tpu.memory_space<vmem_shared>>
          tpu.wait_dma2 semaphore(%run_scoped3A : memref<!tpu.dma_semaphore, #tpu.memory_space<semaphore_mem>>) src(%dma_wait3A_368 : memref<16x64xf32, #tpu.memory_space<vmem_shared>>) dst(%dma_wait3A_365 : memref<16x64xf32, #tpu.memory_space<hbm>>)
          tpu.yield
        }) : () -> ()
      } else {
      }
    } else {
    }
    return
  }
}

#map = affine_map<(d0, d1) -> (0, 0)>
#map1 = affine_map<(d0, d1) -> (0)>
#map2 = affine_map<(d0, d1) -> (0, 0, 0)>
module attributes {stable_mosaic.version = 14 : i64} {
  func.func @seg(%arg0: i32, %arg1: i32, %arg2: memref<320000x16xf32, #tpu.memory_space<hbm>>, %arg3: memref<320000xi32, #tpu.memory_space<hbm>>, %arg4: memref<2x10000x16xf32, #tpu.memory_space<hbm>>, %arg5: memref<10000x16xf32, #tpu.memory_space<vmem_shared>>, %arg6: memref<400xi32, #tpu.memory_space<vmem>>, %arg7: memref<400xi32, #tpu.memory_space<vmem>>, %arg8: memref<400x16xf32, #tpu.memory_space<vmem>>, %arg9: memref<400x16xf32, #tpu.memory_space<vmem>>, %arg10: memref<!tpu.dma_semaphore, #tpu.memory_space<semaphore_mem>>, %arg11: memref<!tpu.dma_semaphore, #tpu.memory_space<semaphore_mem>>, %arg12: memref<!tpu.dma_semaphore, #tpu.memory_space<semaphore_mem>>, %arg13: memref<!tpu.dma_semaphore, #tpu.memory_space<semaphore_mem>>) attributes {dimension_semantics = [#tpu.dimension_semantics<core_parallel>, #tpu.dimension_semantics<subcore_parallel>], iteration_bounds = array<i64: 2, 16>, scalar_prefetch = 0 : i64, scratch_operands = 9 : i64, tpu.core_type = #tpu.core_type<sc_vector_subcore>, window_params = [{transform_indices = #map}, {transform_indices = #map1}, {transform_indices = #map2}]} {
    %mul3A = arith.constant 624 : i32
    %mul3A_0 = arith.muli %arg1, %mul3A : i32
    %mul3A_1 = arith.constant 16 : i32
    %mul3A_2 = arith.muli %arg0, %mul3A_1 : i32
    %add3A = arith.addi %mul3A_2, %arg1 : i32
    %mul3A_3 = arith.constant 10000 : i32
    %mul3A_4 = arith.muli %add3A, %mul3A_3 : i32
    %broadcast_in_dim3A = arith.constant 0.000000e+00 : f32
    %broadcast_in_dim3A_5 = vector.broadcast %broadcast_in_dim3A : f32 to vector<16xf32>
    %scan3A = arith.constant 0 : i32
    %scan3A_6 = arith.constant 0 : i32
    %scan3A_7 = arith.constant 400 : i32
    %scan3A_8 = arith.addi %scan3A_6, %scan3A_7 : i32
    %scan3A_9 = arith.constant 1 : i32
    scf.for %scan3A_46 = %scan3A_6 to %scan3A_8 step %scan3A_9  : i32 {
      %swap3A = arith.index_cast %scan3A_46 : i32 to index
      %swap3A_47 = arith.constant 0 : index
      %swap3A_48 = tpu.vector_load %arg8[%swap3A, %swap3A_47] {strides = array<i32>} : memref<400x16xf32, #tpu.memory_space<vmem>>, vector<1x16xf32>,
      %swap3A_49 = vector.shape_cast %swap3A_48 : vector<1x16xf32> to vector<16xf32>
      %swap3A_50 = vector.shape_cast %broadcast_in_dim3A_5 : vector<16xf32> to vector<1x16xf32>
      tpu.vector_store %arg8[%swap3A, %swap3A_47], %swap3A_50 {strides = array<i32>} : memref<400x16xf32, #tpu.memory_space<vmem>>, vector<1x16xf32>,
    }
    %scan3A_10 = arith.constant 400 : i32
    "tpu.region"() ({
      %run_scoped3A = tpu.sem_alloc : memref<!tpu.dma_semaphore, #tpu.memory_space<semaphore_mem>>
      %dma_start3A_46 = arith.constant 0 : i32
      %dma_start3A_47 = tpu.memref_slice %arg5[%mul3A_0, %dma_start3A_46] : memref<10000x16xf32, #tpu.memory_space<vmem_shared>> -> memref<400x16xf32, #tpu.memory_space<vmem_shared>>
      %dma_start3A_48 = arith.constant 0 : i32
      %dma_start3A_49 = tpu.memref_slice %arg5[%mul3A_0, %dma_start3A_48] : memref<10000x16xf32, #tpu.memory_space<vmem_shared>> -> memref<400x16xf32, #tpu.memory_space<vmem_shared>>
      tpu.enqueue_dma source(%arg8 : memref<400x16xf32, #tpu.memory_space<vmem>>) target(%dma_start3A_49 : memref<400x16xf32, #tpu.memory_space<vmem_shared>>) target_semaphore(%run_scoped3A : memref<!tpu.dma_semaphore, #tpu.memory_space<semaphore_mem>>)
      %dma_wait3A = arith.constant 0 : i32
      %dma_wait3A_50 = tpu.memref_slice %arg5[%mul3A_0, %dma_wait3A] : memref<10000x16xf32, #tpu.memory_space<vmem_shared>> -> memref<400x16xf32, #tpu.memory_space<vmem_shared>>
      %dma_wait3A_51 = arith.constant 0 : i32
      %dma_wait3A_52 = tpu.memref_slice %arg5[%mul3A_0, %dma_wait3A_51] : memref<10000x16xf32, #tpu.memory_space<vmem_shared>> -> memref<400x16xf32, #tpu.memory_space<vmem_shared>>
      tpu.wait_dma2 semaphore(%run_scoped3A : memref<!tpu.dma_semaphore, #tpu.memory_space<semaphore_mem>>) src(%arg8 : memref<400x16xf32, #tpu.memory_space<vmem>>) dst(%dma_wait3A_52 : memref<400x16xf32, #tpu.memory_space<vmem_shared>>)
      tpu.yield
    }) : () -> ()
    %add3A_11 = arith.constant 400 : i32
    %add3A_12 = arith.addi %mul3A_0, %add3A_11 : i32
    "tpu.region"() ({
      %run_scoped3A = tpu.sem_alloc : memref<!tpu.dma_semaphore, #tpu.memory_space<semaphore_mem>>
      %dma_start3A_46 = arith.constant 0 : i32
      %dma_start3A_47 = arith.constant 0 : i32
      %dma_start3A_48 = tpu.memref_slice %arg8[%dma_start3A_46, %dma_start3A_47] : memref<400x16xf32, #tpu.memory_space<vmem>> -> memref<224x16xf32, #tpu.memory_space<vmem>>
      %dma_start3A_49 = arith.constant 0 : i32
      %dma_start3A_50 = tpu.memref_slice %arg5[%add3A_12, %dma_start3A_49] : memref<10000x16xf32, #tpu.memory_space<vmem_shared>> -> memref<224x16xf32, #tpu.memory_space<vmem_shared>>
      %dma_start3A_51 = arith.constant 0 : i32
      %dma_start3A_52 = tpu.memref_slice %arg5[%add3A_12, %dma_start3A_51] : memref<10000x16xf32, #tpu.memory_space<vmem_shared>> -> memref<224x16xf32, #tpu.memory_space<vmem_shared>>
      %dma_start3A_53 = arith.constant 0 : i32
      %dma_start3A_54 = arith.constant 0 : i32
      %dma_start3A_55 = tpu.memref_slice %arg8[%dma_start3A_53, %dma_start3A_54] : memref<400x16xf32, #tpu.memory_space<vmem>> -> memref<224x16xf32, #tpu.memory_space<vmem>>
      tpu.enqueue_dma source(%dma_start3A_55 : memref<224x16xf32, #tpu.memory_space<vmem>>) target(%dma_start3A_52 : memref<224x16xf32, #tpu.memory_space<vmem_shared>>) target_semaphore(%run_scoped3A : memref<!tpu.dma_semaphore, #tpu.memory_space<semaphore_mem>>)
      %dma_wait3A = arith.constant 0 : i32
      %dma_wait3A_56 = arith.constant 0 : i32
      %dma_wait3A_57 = tpu.memref_slice %arg8[%dma_wait3A, %dma_wait3A_56] : memref<400x16xf32, #tpu.memory_space<vmem>> -> memref<224x16xf32, #tpu.memory_space<vmem>>
      %dma_wait3A_58 = arith.constant 0 : i32
      %dma_wait3A_59 = tpu.memref_slice %arg5[%add3A_12, %dma_wait3A_58] : memref<10000x16xf32, #tpu.memory_space<vmem_shared>> -> memref<224x16xf32, #tpu.memory_space<vmem_shared>>
      %dma_wait3A_60 = arith.constant 0 : i32
      %dma_wait3A_61 = tpu.memref_slice %arg5[%add3A_12, %dma_wait3A_60] : memref<10000x16xf32, #tpu.memory_space<vmem_shared>> -> memref<224x16xf32, #tpu.memory_space<vmem_shared>>
      %dma_wait3A_62 = arith.constant 0 : i32
      %dma_wait3A_63 = arith.constant 0 : i32
      %dma_wait3A_64 = tpu.memref_slice %arg8[%dma_wait3A_62, %dma_wait3A_63] : memref<400x16xf32, #tpu.memory_space<vmem>> -> memref<224x16xf32, #tpu.memory_space<vmem>>
      tpu.wait_dma2 semaphore(%run_scoped3A : memref<!tpu.dma_semaphore, #tpu.memory_space<semaphore_mem>>) src(%dma_wait3A_64 : memref<224x16xf32, #tpu.memory_space<vmem>>) dst(%dma_wait3A_61 : memref<224x16xf32, #tpu.memory_space<vmem_shared>>)
      tpu.yield
    }) : () -> ()
    %eq3A = arith.constant 15 : i32
    %eq3A_13 = arith.cmpi eq, %arg1, %eq3A : i32
    %convert_element_type3A = arith.extui %eq3A_13 : i1 to i32
    %cond3A = arith.constant 0 : i32
    %cond3A_14 = arith.cmpi ne, %convert_element_type3A, %cond3A : i32
    scf.if %cond3A_14 {
      "tpu.region"() ({
        %run_scoped3A = tpu.sem_alloc : memref<!tpu.dma_semaphore, #tpu.memory_space<semaphore_mem>>
        %dma_start3A_46 = arith.constant 0 : i32
        %dma_start3A_47 = arith.constant 0 : i32
        %dma_start3A_48 = tpu.memref_slice %arg8[%dma_start3A_46, %dma_start3A_47] : memref<400x16xf32, #tpu.memory_space<vmem>> -> memref<16x16xf32, #tpu.memory_space<vmem>>
        %dma_start3A_49 = arith.constant 9984 : i32
        %dma_start3A_50 = arith.constant 0 : i32
        %dma_start3A_51 = tpu.memref_slice %arg5[%dma_start3A_49, %dma_start3A_50] : memref<10000x16xf32, #tpu.memory_space<vmem_shared>> -> memref<16x16xf32, #tpu.memory_space<vmem_shared>>
        %dma_start3A_52 = arith.constant 9984 : i32
        %dma_start3A_53 = arith.constant 0 : i32
        %dma_start3A_54 = tpu.memref_slice %arg5[%dma_start3A_52, %dma_start3A_53] : memref<10000x16xf32, #tpu.memory_space<vmem_shared>> -> memref<16x16xf32, #tpu.memory_space<vmem_shared>>
        %dma_start3A_55 = arith.constant 0 : i32
        %dma_start3A_56 = arith.constant 0 : i32
        %dma_start3A_57 = tpu.memref_slice %arg8[%dma_start3A_55, %dma_start3A_56] : memref<400x16xf32, #tpu.memory_space<vmem>> -> memref<16x16xf32, #tpu.memory_space<vmem>>
        tpu.enqueue_dma source(%dma_start3A_57 : memref<16x16xf32, #tpu.memory_space<vmem>>) target(%dma_start3A_54 : memref<16x16xf32, #tpu.memory_space<vmem_shared>>) target_semaphore(%run_scoped3A : memref<!tpu.dma_semaphore, #tpu.memory_space<semaphore_mem>>)
        %dma_wait3A = arith.constant 0 : i32
        %dma_wait3A_58 = arith.constant 0 : i32
        %dma_wait3A_59 = tpu.memref_slice %arg8[%dma_wait3A, %dma_wait3A_58] : memref<400x16xf32, #tpu.memory_space<vmem>> -> memref<16x16xf32, #tpu.memory_space<vmem>>
        %dma_wait3A_60 = arith.constant 9984 : i32
        %dma_wait3A_61 = arith.constant 0 : i32
        %dma_wait3A_62 = tpu.memref_slice %arg5[%dma_wait3A_60, %dma_wait3A_61] : memref<10000x16xf32, #tpu.memory_space<vmem_shared>> -> memref<16x16xf32, #tpu.memory_space<vmem_shared>>
        %dma_wait3A_63 = arith.constant 9984 : i32
        %dma_wait3A_64 = arith.constant 0 : i32
        %dma_wait3A_65 = tpu.memref_slice %arg5[%dma_wait3A_63, %dma_wait3A_64] : memref<10000x16xf32, #tpu.memory_space<vmem_shared>> -> memref<16x16xf32, #tpu.memory_space<vmem_shared>>
        %dma_wait3A_66 = arith.constant 0 : i32
        %dma_wait3A_67 = arith.constant 0 : i32
        %dma_wait3A_68 = tpu.memref_slice %arg8[%dma_wait3A_66, %dma_wait3A_67] : memref<400x16xf32, #tpu.memory_space<vmem>> -> memref<16x16xf32, #tpu.memory_space<vmem>>
        tpu.wait_dma2 semaphore(%run_scoped3A : memref<!tpu.dma_semaphore, #tpu.memory_space<semaphore_mem>>) src(%dma_wait3A_68 : memref<16x16xf32, #tpu.memory_space<vmem>>) dst(%dma_wait3A_65 : memref<16x16xf32, #tpu.memory_space<vmem_shared>>)
        tpu.yield
      }) : () -> ()
    } else {
    }
    %add3A_15 = arith.constant 0 : i32
    %add3A_16 = arith.addi %mul3A_4, %add3A_15 : i32
    %dma_start3A = tpu.memref_slice %arg3[%add3A_16] : memref<320000xi32, #tpu.memory_space<hbm>> -> memref<400xi32, #tpu.memory_space<hbm>>
    %dma_start3A_17 = tpu.memref_slice %arg3[%add3A_16] : memref<320000xi32, #tpu.memory_space<hbm>> -> memref<400xi32, #tpu.memory_space<hbm>>
    tpu.enqueue_dma source(%dma_start3A_17 : memref<400xi32, #tpu.memory_space<hbm>>) target(%arg6 : memref<400xi32, #tpu.memory_space<vmem>>) target_semaphore(%arg10 : memref<!tpu.dma_semaphore, #tpu.memory_space<semaphore_mem>>)
    %add3A_18 = arith.constant 0 : i32
    %add3A_19 = arith.addi %mul3A_4, %add3A_18 : i32
    %dma_start3A_20 = arith.constant 0 : i32
    %dma_start3A_21 = tpu.memref_slice %arg2[%add3A_19, %dma_start3A_20] : memref<320000x16xf32, #tpu.memory_space<hbm>> -> memref<400x16xf32, #tpu.memory_space<hbm>>
    %dma_start3A_22 = arith.constant 0 : i32
    %dma_start3A_23 = tpu.memref_slice %arg2[%add3A_19, %dma_start3A_22] : memref<320000x16xf32, #tpu.memory_space<hbm>> -> memref<400x16xf32, #tpu.memory_space<hbm>>
    tpu.enqueue_dma source(%dma_start3A_23 : memref<400x16xf32, #tpu.memory_space<hbm>>) target(%arg8 : memref<400x16xf32, #tpu.memory_space<vmem>>) target_semaphore(%arg12 : memref<!tpu.dma_semaphore, #tpu.memory_space<semaphore_mem>>)
    %add3A_24 = arith.constant 400 : i32
    %add3A_25 = arith.addi %mul3A_4, %add3A_24 : i32
    %dma_start3A_26 = tpu.memref_slice %arg3[%add3A_25] : memref<320000xi32, #tpu.memory_space<hbm>> -> memref<400xi32, #tpu.memory_space<hbm>>
    %dma_start3A_27 = tpu.memref_slice %arg3[%add3A_25] : memref<320000xi32, #tpu.memory_space<hbm>> -> memref<400xi32, #tpu.memory_space<hbm>>
    tpu.enqueue_dma source(%dma_start3A_27 : memref<400xi32, #tpu.memory_space<hbm>>) target(%arg7 : memref<400xi32, #tpu.memory_space<vmem>>) target_semaphore(%arg11 : memref<!tpu.dma_semaphore, #tpu.memory_space<semaphore_mem>>)
    %add3A_28 = arith.constant 400 : i32
    %add3A_29 = arith.addi %mul3A_4, %add3A_28 : i32
    %dma_start3A_30 = arith.constant 0 : i32
    %dma_start3A_31 = tpu.memref_slice %arg2[%add3A_29, %dma_start3A_30] : memref<320000x16xf32, #tpu.memory_space<hbm>> -> memref<400x16xf32, #tpu.memory_space<hbm>>
    %dma_start3A_32 = arith.constant 0 : i32
    %dma_start3A_33 = tpu.memref_slice %arg2[%add3A_29, %dma_start3A_32] : memref<320000x16xf32, #tpu.memory_space<hbm>> -> memref<400x16xf32, #tpu.memory_space<hbm>>
    tpu.enqueue_dma source(%dma_start3A_33 : memref<400x16xf32, #tpu.memory_space<hbm>>) target(%arg9 : memref<400x16xf32, #tpu.memory_space<vmem>>) target_semaphore(%arg13 : memref<!tpu.dma_semaphore, #tpu.memory_space<semaphore_mem>>)
    %barrier3A = arith.constant 0 : index
    tpu.barrier barrier_id(%barrier3A)
    %scan3A_34 = arith.constant 0 : i32
    %scan3A_35 = arith.constant 0 : i32
    %scan3A_36 = arith.constant 13 : i32
    %scan3A_37 = arith.addi %scan3A_35, %scan3A_36 : i32
    %scan3A_38 = arith.constant 1 : i32
    scf.for %scan3A_46 = %scan3A_35 to %scan3A_37 step %scan3A_38  : i32 {
      %mul3A_47 = arith.constant 2 : i32
      %mul3A_48 = arith.muli %mul3A_47, %scan3A_46 : i32
      %mul3A_49 = arith.constant 400 : i32
      %mul3A_50 = arith.muli %mul3A_48, %mul3A_49 : i32
      %add3A_51 = arith.addi %mul3A_4, %mul3A_50 : i32
      %dma_wait3A = tpu.memref_slice %arg3[%add3A_51] : memref<320000xi32, #tpu.memory_space<hbm>> -> memref<400xi32, #tpu.memory_space<hbm>>
      %dma_wait3A_52 = tpu.memref_slice %arg3[%add3A_51] : memref<320000xi32, #tpu.memory_space<hbm>> -> memref<400xi32, #tpu.memory_space<hbm>>
      tpu.wait_dma2 semaphore(%arg10 : memref<!tpu.dma_semaphore, #tpu.memory_space<semaphore_mem>>) src(%dma_wait3A_52 : memref<400xi32, #tpu.memory_space<hbm>>) dst(%arg6 : memref<400xi32, #tpu.memory_space<vmem>>)
      %mul3A_53 = arith.constant 400 : i32
      %mul3A_54 = arith.muli %mul3A_48, %mul3A_53 : i32
      %add3A_55 = arith.addi %mul3A_4, %mul3A_54 : i32
      %dma_wait3A_56 = arith.constant 0 : i32
      %dma_wait3A_57 = tpu.memref_slice %arg2[%add3A_55, %dma_wait3A_56] : memref<320000x16xf32, #tpu.memory_space<hbm>> -> memref<400x16xf32, #tpu.memory_space<hbm>>
      %dma_wait3A_58 = arith.constant 0 : i32
      %dma_wait3A_59 = tpu.memref_slice %arg2[%add3A_55, %dma_wait3A_58] : memref<320000x16xf32, #tpu.memory_space<hbm>> -> memref<400x16xf32, #tpu.memory_space<hbm>>
      tpu.wait_dma2 semaphore(%arg12 : memref<!tpu.dma_semaphore, #tpu.memory_space<semaphore_mem>>) src(%dma_wait3A_59 : memref<400x16xf32, #tpu.memory_space<hbm>>) dst(%arg8 : memref<400x16xf32, #tpu.memory_space<vmem>>)
      "tpu.region"() ({
        %run_scoped3A = tpu.sem_alloc : memref<!tpu.dma_semaphore, #tpu.memory_space<semaphore_mem>>
        %dma_start3A_75 = arith.constant 0 : i32
        %dma_start3A_76 = arith.constant 0 : i32
        %dma_start3A_77 = tpu.memref_slice %arg5[%dma_start3A_75, %dma_start3A_76] : memref<10000x16xf32, #tpu.memory_space<vmem_shared>> -> memref<10000x16xf32, #tpu.memory_space<vmem_shared>>
        tpu.enqueue_indirect_dma source(%arg8 : memref<400x16xf32, #tpu.memory_space<vmem>>) target(%dma_start3A_77 : memref<10000x16xf32, #tpu.memory_space<vmem_shared>>) offsets(%arg6 : memref<400xi32, #tpu.memory_space<vmem>>) semaphore(%run_scoped3A : memref<!tpu.dma_semaphore, #tpu.memory_space<semaphore_mem>>) {add = true}
        %dma_wait3A_78 = arith.constant 0 : i32
        %dma_wait3A_79 = arith.constant 0 : i32
        %dma_wait3A_80 = tpu.memref_slice %arg5[%dma_wait3A_78, %dma_wait3A_79] : memref<10000x16xf32, #tpu.memory_space<vmem_shared>> -> memref<10000x16xf32, #tpu.memory_space<vmem_shared>>
        tpu.wait_indirect_dma semaphore(%run_scoped3A : memref<!tpu.dma_semaphore, #tpu.memory_space<semaphore_mem>>) src(%arg8 : memref<400x16xf32, #tpu.memory_space<vmem>>) dst(%dma_wait3A_80 : memref<10000x16xf32, #tpu.memory_space<vmem_shared>>)
        tpu.yield
      }) : () -> ()
      %add3A_60 = arith.constant 2 : i32
      %add3A_61 = arith.addi %mul3A_48, %add3A_60 : i32
      %lt3A = arith.constant 25 : i32
      %lt3A_62 = arith.cmpi slt, %add3A_61, %lt3A : i32
      %convert_element_type3A_63 = arith.extui %lt3A_62 : i1 to i32
      %cond3A_64 = arith.constant 0 : i32
      %cond3A_65 = arith.cmpi ne, %convert_element_type3A_63, %cond3A_64 : i32
      scf.if %cond3A_65 {
        %add3A_75 = arith.constant 2 : i32
        %add3A_76 = arith.addi %mul3A_48, %add3A_75 : i32
        %mul3A_77 = arith.constant 400 : i32
        %mul3A_78 = arith.muli %add3A_76, %mul3A_77 : i32
        %add3A_79 = arith.addi %mul3A_4, %mul3A_78 : i32
        %dma_start3A_80 = tpu.memref_slice %arg3[%add3A_79] : memref<320000xi32, #tpu.memory_space<hbm>> -> memref<400xi32, #tpu.memory_space<hbm>>
        %dma_start3A_81 = tpu.memref_slice %arg3[%add3A_79] : memref<320000xi32, #tpu.memory_space<hbm>> -> memref<400xi32, #tpu.memory_space<hbm>>
        tpu.enqueue_dma source(%dma_start3A_81 : memref<400xi32, #tpu.memory_space<hbm>>) target(%arg6 : memref<400xi32, #tpu.memory_space<vmem>>) target_semaphore(%arg10 : memref<!tpu.dma_semaphore, #tpu.memory_space<semaphore_mem>>)
        %add3A_82 = arith.constant 2 : i32
        %add3A_83 = arith.addi %mul3A_48, %add3A_82 : i32
        %mul3A_84 = arith.constant 400 : i32
        %mul3A_85 = arith.muli %add3A_83, %mul3A_84 : i32
        %add3A_86 = arith.addi %mul3A_4, %mul3A_85 : i32
        %dma_start3A_87 = arith.constant 0 : i32
        %dma_start3A_88 = tpu.memref_slice %arg2[%add3A_86, %dma_start3A_87] : memref<320000x16xf32, #tpu.memory_space<hbm>> -> memref<400x16xf32, #tpu.memory_space<hbm>>
        %dma_start3A_89 = arith.constant 0 : i32
        %dma_start3A_90 = tpu.memref_slice %arg2[%add3A_86, %dma_start3A_89] : memref<320000x16xf32, #tpu.memory_space<hbm>> -> memref<400x16xf32, #tpu.memory_space<hbm>>
        tpu.enqueue_dma source(%dma_start3A_90 : memref<400x16xf32, #tpu.memory_space<hbm>>) target(%arg8 : memref<400x16xf32, #tpu.memory_space<vmem>>) target_semaphore(%arg12 : memref<!tpu.dma_semaphore, #tpu.memory_space<semaphore_mem>>)
      } else {
      }
      %mul3A_66 = arith.constant 2 : i32
      %mul3A_67 = arith.muli %mul3A_66, %scan3A_46 : i32
      %add3A_68 = arith.constant 1 : i32
      %add3A_69 = arith.addi %mul3A_67, %add3A_68 : i32
      %lt3A_70 = arith.constant 25 : i32
      %lt3A_71 = arith.cmpi slt, %add3A_69, %lt3A_70 : i32
      %convert_element_type3A_72 = arith.extui %lt3A_71 : i1 to i32
      %cond3A_73 = arith.constant 0 : i32
      %cond3A_74 = arith.cmpi ne, %convert_element_type3A_72, %cond3A_73 : i32
      scf.if %cond3A_74 {
        %mul3A_75 = arith.constant 2 : i32
        %mul3A_76 = arith.muli %mul3A_75, %scan3A_46 : i32
        %add3A_77 = arith.constant 1 : i32
        %add3A_78 = arith.addi %mul3A_76, %add3A_77 : i32
        %mul3A_79 = arith.constant 400 : i32
        %mul3A_80 = arith.muli %add3A_78, %mul3A_79 : i32
        %add3A_81 = arith.addi %mul3A_4, %mul3A_80 : i32
        %dma_wait3A_82 = tpu.memref_slice %arg3[%add3A_81] : memref<320000xi32, #tpu.memory_space<hbm>> -> memref<400xi32, #tpu.memory_space<hbm>>
        %dma_wait3A_83 = tpu.memref_slice %arg3[%add3A_81] : memref<320000xi32, #tpu.memory_space<hbm>> -> memref<400xi32, #tpu.memory_space<hbm>>
        tpu.wait_dma2 semaphore(%arg11 : memref<!tpu.dma_semaphore, #tpu.memory_space<semaphore_mem>>) src(%dma_wait3A_83 : memref<400xi32, #tpu.memory_space<hbm>>) dst(%arg7 : memref<400xi32, #tpu.memory_space<vmem>>)
        %mul3A_84 = arith.constant 400 : i32
        %mul3A_85 = arith.muli %add3A_78, %mul3A_84 : i32
        %add3A_86 = arith.addi %mul3A_4, %mul3A_85 : i32
        %dma_wait3A_87 = arith.constant 0 : i32
        %dma_wait3A_88 = tpu.memref_slice %arg2[%add3A_86, %dma_wait3A_87] : memref<320000x16xf32, #tpu.memory_space<hbm>> -> memref<400x16xf32, #tpu.memory_space<hbm>>
        %dma_wait3A_89 = arith.constant 0 : i32
        %dma_wait3A_90 = tpu.memref_slice %arg2[%add3A_86, %dma_wait3A_89] : memref<320000x16xf32, #tpu.memory_space<hbm>> -> memref<400x16xf32, #tpu.memory_space<hbm>>
        tpu.wait_dma2 semaphore(%arg13 : memref<!tpu.dma_semaphore, #tpu.memory_space<semaphore_mem>>) src(%dma_wait3A_90 : memref<400x16xf32, #tpu.memory_space<hbm>>) dst(%arg9 : memref<400x16xf32, #tpu.memory_space<vmem>>)
        "tpu.region"() ({
          %run_scoped3A = tpu.sem_alloc : memref<!tpu.dma_semaphore, #tpu.memory_space<semaphore_mem>>
          %dma_start3A_98 = arith.constant 0 : i32
          %dma_start3A_99 = arith.constant 0 : i32
          %dma_start3A_100 = tpu.memref_slice %arg5[%dma_start3A_98, %dma_start3A_99] : memref<10000x16xf32, #tpu.memory_space<vmem_shared>> -> memref<10000x16xf32, #tpu.memory_space<vmem_shared>>
          tpu.enqueue_indirect_dma source(%arg9 : memref<400x16xf32, #tpu.memory_space<vmem>>) target(%dma_start3A_100 : memref<10000x16xf32, #tpu.memory_space<vmem_shared>>) offsets(%arg7 : memref<400xi32, #tpu.memory_space<vmem>>) semaphore(%run_scoped3A : memref<!tpu.dma_semaphore, #tpu.memory_space<semaphore_mem>>) {add = true}
          %dma_wait3A_101 = arith.constant 0 : i32
          %dma_wait3A_102 = arith.constant 0 : i32
          %dma_wait3A_103 = tpu.memref_slice %arg5[%dma_wait3A_101, %dma_wait3A_102] : memref<10000x16xf32, #tpu.memory_space<vmem_shared>> -> memref<10000x16xf32, #tpu.memory_space<vmem_shared>>
          tpu.wait_indirect_dma semaphore(%run_scoped3A : memref<!tpu.dma_semaphore, #tpu.memory_space<semaphore_mem>>) src(%arg9 : memref<400x16xf32, #tpu.memory_space<vmem>>) dst(%dma_wait3A_103 : memref<10000x16xf32, #tpu.memory_space<vmem_shared>>)
          tpu.yield
        }) : () -> ()
        %add3A_91 = arith.constant 2 : i32
        %add3A_92 = arith.addi %add3A_78, %add3A_91 : i32
        %lt3A_93 = arith.constant 25 : i32
        %lt3A_94 = arith.cmpi slt, %add3A_92, %lt3A_93 : i32
        %convert_element_type3A_95 = arith.extui %lt3A_94 : i1 to i32
        %cond3A_96 = arith.constant 0 : i32
        %cond3A_97 = arith.cmpi ne, %convert_element_type3A_95, %cond3A_96 : i32
        scf.if %cond3A_97 {
          %add3A_98 = arith.constant 2 : i32
          %add3A_99 = arith.addi %add3A_78, %add3A_98 : i32
          %mul3A_100 = arith.constant 400 : i32
          %mul3A_101 = arith.muli %add3A_99, %mul3A_100 : i32
          %add3A_102 = arith.addi %mul3A_4, %mul3A_101 : i32
          %dma_start3A_103 = tpu.memref_slice %arg3[%add3A_102] : memref<320000xi32, #tpu.memory_space<hbm>> -> memref<400xi32, #tpu.memory_space<hbm>>
          %dma_start3A_104 = tpu.memref_slice %arg3[%add3A_102] : memref<320000xi32, #tpu.memory_space<hbm>> -> memref<400xi32, #tpu.memory_space<hbm>>
          tpu.enqueue_dma source(%dma_start3A_104 : memref<400xi32, #tpu.memory_space<hbm>>) target(%arg7 : memref<400xi32, #tpu.memory_space<vmem>>) target_semaphore(%arg11 : memref<!tpu.dma_semaphore, #tpu.memory_space<semaphore_mem>>)
          %add3A_105 = arith.constant 2 : i32
          %add3A_106 = arith.addi %add3A_78, %add3A_105 : i32
          %mul3A_107 = arith.constant 400 : i32
          %mul3A_108 = arith.muli %add3A_106, %mul3A_107 : i32
          %add3A_109 = arith.addi %mul3A_4, %mul3A_108 : i32
          %dma_start3A_110 = arith.constant 0 : i32
          %dma_start3A_111 = tpu.memref_slice %arg2[%add3A_109, %dma_start3A_110] : memref<320000x16xf32, #tpu.memory_space<hbm>> -> memref<400x16xf32, #tpu.memory_space<hbm>>
          %dma_start3A_112 = arith.constant 0 : i32
          %dma_start3A_113 = tpu.memref_slice %arg2[%add3A_109, %dma_start3A_112] : memref<320000x16xf32, #tpu.memory_space<hbm>> -> memref<400x16xf32, #tpu.memory_space<hbm>>
          tpu.enqueue_dma source(%dma_start3A_113 : memref<400x16xf32, #tpu.memory_space<hbm>>) target(%arg9 : memref<400x16xf32, #tpu.memory_space<vmem>>) target_semaphore(%arg13 : memref<!tpu.dma_semaphore, #tpu.memory_space<semaphore_mem>>)
        } else {
        }
      } else {
      }
    }
    %scan3A_39 = arith.constant 13 : i32
    %barrier3A_40 = arith.constant 0 : index
    tpu.barrier barrier_id(%barrier3A_40)
    "tpu.region"() ({
      %run_scoped3A = tpu.sem_alloc : memref<!tpu.dma_semaphore, #tpu.memory_space<semaphore_mem>>
      %dma_start3A_46 = arith.constant 0 : i32
      %dma_start3A_47 = tpu.memref_slice %arg4[%arg0, %mul3A_0, %dma_start3A_46] : memref<2x10000x16xf32, #tpu.memory_space<hbm>> -> memref<1x624x16xf32, #tpu.memory_space<hbm>>
      %dma_start3A_48 = tpu.memref_squeeze %dma_start3A_47 : memref<1x624x16xf32, #tpu.memory_space<hbm>> -> memref<624x16xf32, #tpu.memory_space<hbm>>
      %dma_start3A_49 = arith.constant 0 : i32
      %dma_start3A_50 = tpu.memref_slice %arg5[%mul3A_0, %dma_start3A_49] : memref<10000x16xf32, #tpu.memory_space<vmem_shared>> -> memref<624x16xf32, #tpu.memory_space<vmem_shared>>
      tpu.enqueue_dma source(%dma_start3A_50 : memref<624x16xf32, #tpu.memory_space<vmem_shared>>) target(%dma_start3A_48 : memref<624x16xf32, #tpu.memory_space<hbm>>) target_semaphore(%run_scoped3A : memref<!tpu.dma_semaphore, #tpu.memory_space<semaphore_mem>>)
      %dma_wait3A = arith.constant 0 : i32
      %dma_wait3A_51 = tpu.memref_slice %arg4[%arg0, %mul3A_0, %dma_wait3A] : memref<2x10000x16xf32, #tpu.memory_space<hbm>> -> memref<1x624x16xf32, #tpu.memory_space<hbm>>
      %dma_wait3A_52 = tpu.memref_squeeze %dma_wait3A_51 : memref<1x624x16xf32, #tpu.memory_space<hbm>> -> memref<624x16xf32, #tpu.memory_space<hbm>>
      %dma_wait3A_53 = arith.constant 0 : i32
      %dma_wait3A_54 = tpu.memref_slice %arg5[%mul3A_0, %dma_wait3A_53] : memref<10000x16xf32, #tpu.memory_space<vmem_shared>> -> memref<624x16xf32, #tpu.memory_space<vmem_shared>>
      tpu.wait_dma2 semaphore(%run_scoped3A : memref<!tpu.dma_semaphore, #tpu.memory_space<semaphore_mem>>) src(%dma_wait3A_54 : memref<624x16xf32, #tpu.memory_space<vmem_shared>>) dst(%dma_wait3A_52 : memref<624x16xf32, #tpu.memory_space<hbm>>)
      tpu.yield
    }) : () -> ()
    %eq3A_41 = arith.constant 15 : i32
    %eq3A_42 = arith.cmpi eq, %arg1, %eq3A_41 : i32
    %convert_element_type3A_43 = arith.extui %eq3A_42 : i1 to i32
    %cond3A_44 = arith.constant 0 : i32
    %cond3A_45 = arith.cmpi ne, %convert_element_type3A_43, %cond3A_44 : i32
    scf.if %cond3A_45 {
      "tpu.region"() ({
        %run_scoped3A = tpu.sem_alloc : memref<!tpu.dma_semaphore, #tpu.memory_space<semaphore_mem>>
        %dma_start3A_46 = arith.constant 9984 : i32
        %dma_start3A_47 = arith.constant 0 : i32
        %dma_start3A_48 = tpu.memref_slice %arg4[%arg0, %dma_start3A_46, %dma_start3A_47] : memref<2x10000x16xf32, #tpu.memory_space<hbm>> -> memref<1x16x16xf32, #tpu.memory_space<hbm>>
        %dma_start3A_49 = tpu.memref_squeeze %dma_start3A_48 : memref<1x16x16xf32, #tpu.memory_space<hbm>> -> memref<16x16xf32, #tpu.memory_space<hbm>>
        %dma_start3A_50 = arith.constant 9984 : i32
        %dma_start3A_51 = arith.constant 0 : i32
        %dma_start3A_52 = tpu.memref_slice %arg5[%dma_start3A_50, %dma_start3A_51] : memref<10000x16xf32, #tpu.memory_space<vmem_shared>> -> memref<16x16xf32, #tpu.memory_space<vmem_shared>>
        tpu.enqueue_dma source(%dma_start3A_52 : memref<16x16xf32, #tpu.memory_space<vmem_shared>>) target(%dma_start3A_49 : memref<16x16xf32, #tpu.memory_space<hbm>>) target_semaphore(%run_scoped3A : memref<!tpu.dma_semaphore, #tpu.memory_space<semaphore_mem>>)
        %dma_wait3A = arith.constant 9984 : i32
        %dma_wait3A_53 = arith.constant 0 : i32
        %dma_wait3A_54 = tpu.memref_slice %arg4[%arg0, %dma_wait3A, %dma_wait3A_53] : memref<2x10000x16xf32, #tpu.memory_space<hbm>> -> memref<1x16x16xf32, #tpu.memory_space<hbm>>
        %dma_wait3A_55 = tpu.memref_squeeze %dma_wait3A_54 : memref<1x16x16xf32, #tpu.memory_space<hbm>> -> memref<16x16xf32, #tpu.memory_space<hbm>>
        %dma_wait3A_56 = arith.constant 9984 : i32
        %dma_wait3A_57 = arith.constant 0 : i32
        %dma_wait3A_58 = tpu.memref_slice %arg5[%dma_wait3A_56, %dma_wait3A_57] : memref<10000x16xf32, #tpu.memory_space<vmem_shared>> -> memref<16x16xf32, #tpu.memory_space<vmem_shared>>
        tpu.wait_dma2 semaphore(%run_scoped3A : memref<!tpu.dma_semaphore, #tpu.memory_space<semaphore_mem>>) src(%dma_wait3A_58 : memref<16x16xf32, #tpu.memory_space<vmem_shared>>) dst(%dma_wait3A_55 : memref<16x16xf32, #tpu.memory_space<hbm>>)
        tpu.yield
      }) : () -> ()
    } else {
    }
    return
  }
}

module attributes {stable_mosaic.version = 14 : i64} {
  func.func @_tc_dense_body(%arg0: memref<10000x128xf32, #tpu.memory_space<vmem>>, %arg1: memref<2x10000x16xf32, #tpu.memory_space<vmem>>, %arg2: memref<10000x128xf32, #tpu.memory_space<vmem>>, %arg3: memref<128x128xf32, #tpu.memory_space<vmem>>, %arg4: memref<128x128xf32, #tpu.memory_space<vmem>>, %arg5: memref<16x128xf32, #tpu.memory_space<vmem>>, %arg6: memref<1x128xf32, #tpu.memory_space<vmem>>, %arg7: memref<1x128xf32, #tpu.memory_space<vmem>>, %arg8: memref<10000x128xf32, #tpu.memory_space<vmem>>) attributes {dimension_semantics = [], scalar_prefetch = 0 : i64, scratch_operands = 0 : i64, tpu.core_type = #tpu.core_type<tc>} {
    %get3A = arith.constant 0 : index
    %get3A_0 = arith.constant 0 : index
    %get3A_1 = arith.constant 0 : index
    %get3A_2 = vector.load %arg1[%get3A, %get3A_0, %get3A_1] : memref<2x10000x16xf32, #tpu.memory_space<vmem>>, vector<1x10000x16xf32>
    %get3A_3 = vector.shape_cast %get3A_2 : vector<1x10000x16xf32> to vector<10000x16xf32>
    %get3A_4 = arith.constant 1 : index
    %get3A_5 = arith.constant 0 : index
    %get3A_6 = arith.constant 0 : index
    %get3A_7 = vector.load %arg1[%get3A_4, %get3A_5, %get3A_6] : memref<2x10000x16xf32, #tpu.memory_space<vmem>>, vector<1x10000x16xf32>
    %get3A_8 = vector.shape_cast %get3A_7 : vector<1x10000x16xf32> to vector<10000x16xf32>
    %add3A = arith.addf %get3A_3, %get3A_8 : vector<10000x16xf32>
    %get3A_9 = arith.constant 0 : index
    %get3A_10 = arith.constant 0 : index
    %get3A_11 = vector.load %arg0[%get3A_9, %get3A_10] : memref<10000x128xf32, #tpu.memory_space<vmem>>, vector<10000x128xf32>
    %get3A_12 = arith.constant 0 : index
    %get3A_13 = arith.constant 0 : index
    %get3A_14 = vector.load %arg3[%get3A_12, %get3A_13] : memref<128x128xf32, #tpu.memory_space<vmem>>, vector<128x128xf32>
    %dot_general3A = arith.constant dense<0.000000e+00> : vector<10000x128xf32>
    %dot_general3A_15 = tpu.matmul %get3A_11, %get3A_14, %dot_general3A {dimension_numbers = #tpu.dot_dimension_numbers<[1], [0], [0], [1], [0, 0, 1, 1], [], []>, transpose_lhs_hint = false} : vector<10000x128xf32>, vector<128x128xf32>, vector<10000x128xf32> -> vector<10000x128xf32>
    %get3A_16 = arith.constant 0 : index
    %get3A_17 = arith.constant 0 : index
    %get3A_18 = vector.load %arg5[%get3A_16, %get3A_17] : memref<16x128xf32, #tpu.memory_space<vmem>>, vector<16x128xf32>
    %dot_general3A_19 = arith.constant dense<0.000000e+00> : vector<10000x128xf32>
    %dot_general3A_20 = tpu.matmul %add3A, %get3A_18, %dot_general3A_19 {dimension_numbers = #tpu.dot_dimension_numbers<[1], [0], [0], [1], [0, 0, 1, 1], [], []>, transpose_lhs_hint = false} : vector<10000x16xf32>, vector<16x128xf32>, vector<10000x128xf32> -> vector<10000x128xf32>
    %add3A_21 = arith.addf %dot_general3A_15, %dot_general3A_20 : vector<10000x128xf32>
    %get3A_22 = arith.constant 0 : index
    %get3A_23 = arith.constant 0 : index
    %get3A_24 = vector.load %arg2[%get3A_22, %get3A_23] : memref<10000x128xf32, #tpu.memory_space<vmem>>, vector<10000x128xf32>
    %get3A_25 = arith.constant 0 : index
    %get3A_26 = arith.constant 0 : index
    %get3A_27 = vector.load %arg4[%get3A_25, %get3A_26] : memref<128x128xf32, #tpu.memory_space<vmem>>, vector<128x128xf32>
    %dot_general3A_28 = arith.constant dense<0.000000e+00> : vector<10000x128xf32>
    %dot_general3A_29 = tpu.matmul %get3A_24, %get3A_27, %dot_general3A_28 {dimension_numbers = #tpu.dot_dimension_numbers<[1], [0], [0], [1], [0, 0, 1, 1], [], []>, transpose_lhs_hint = false} : vector<10000x128xf32>, vector<128x128xf32>, vector<10000x128xf32> -> vector<10000x128xf32>
    %add3A_30 = arith.addf %add3A_21, %dot_general3A_29 : vector<10000x128xf32>
    %reduce_sum3A = arith.constant dense<0.000000e+00> : vector<128xf32>
    %reduce_sum3A_31 = vector.multi_reduction <add>, %add3A_30, %reduce_sum3A [0] : vector<10000x128xf32> to vector<128xf32>
    %broadcast_in_dim3A = vector.shape_cast %reduce_sum3A_31 : vector<128xf32> to vector<1x128xf32>
    %div3A = arith.constant 1.000000e+04 : f32
    %div3A_32 = vector.broadcast %div3A : f32 to vector<1x128xf32>
    %div3A_33 = arith.divf %broadcast_in_dim3A, %div3A_32 : vector<1x128xf32>
    %sub3A = vector.broadcast %div3A_33 : vector<1x128xf32> to vector<10000x128xf32>
    %sub3A_34 = arith.subf %add3A_30, %sub3A : vector<10000x128xf32>
    %mul3A = arith.mulf %sub3A_34, %sub3A_34 : vector<10000x128xf32>
    %reduce_sum3A_35 = arith.constant dense<0.000000e+00> : vector<128xf32>
    %reduce_sum3A_36 = vector.multi_reduction <add>, %mul3A, %reduce_sum3A_35 [0] : vector<10000x128xf32> to vector<128xf32>
    %broadcast_in_dim3A_37 = vector.shape_cast %reduce_sum3A_36 : vector<128xf32> to vector<1x128xf32>
    %div3A_38 = arith.constant 1.000000e+04 : f32
    %div3A_39 = vector.broadcast %div3A_38 : f32 to vector<1x128xf32>
    %div3A_40 = arith.divf %broadcast_in_dim3A_37, %div3A_39 : vector<1x128xf32>
    %add3A_41 = arith.constant 9.99999974E-6 : f32
    %add3A_42 = vector.broadcast %add3A_41 : f32 to vector<1x128xf32>
    %add3A_43 = arith.addf %div3A_40, %add3A_42 : vector<1x128xf32>
    %rsqrt3A = math.rsqrt %add3A_43 : vector<1x128xf32>
    %mul3A_44 = vector.broadcast %rsqrt3A : vector<1x128xf32> to vector<10000x128xf32>
    %mul3A_45 = arith.mulf %sub3A_34, %mul3A_44 : vector<10000x128xf32>
    %get3A_46 = arith.constant 0 : index
    %get3A_47 = arith.constant 0 : index
    %get3A_48 = vector.load %arg6[%get3A_46, %get3A_47] : memref<1x128xf32, #tpu.memory_space<vmem>>, vector<1x128xf32>
    %mul3A_49 = vector.broadcast %get3A_48 : vector<1x128xf32> to vector<10000x128xf32>
    %mul3A_50 = arith.mulf %mul3A_45, %mul3A_49 : vector<10000x128xf32>
    %get3A_51 = arith.constant 0 : index
    %get3A_52 = arith.constant 0 : index
    %get3A_53 = vector.load %arg7[%get3A_51, %get3A_52] : memref<1x128xf32, #tpu.memory_space<vmem>>, vector<1x128xf32>
    %add3A_54 = vector.broadcast %get3A_53 : vector<1x128xf32> to vector<10000x128xf32>
    %add3A_55 = arith.addf %mul3A_50, %add3A_54 : vector<10000x128xf32>
    %max3A = arith.constant 0.000000e+00 : f32
    %max3A_56 = vector.broadcast %max3A : f32 to vector<10000x128xf32>
    %max3A_57 = arith.maximumf %add3A_55, %max3A_56 : vector<10000x128xf32>
    %swap3A = arith.constant 0 : index
    %swap3A_58 = arith.constant 0 : index
    %swap3A_59 = vector.load %arg8[%swap3A, %swap3A_58] : memref<10000x128xf32, #tpu.memory_space<vmem>>, vector<10000x128xf32>
    tpu.vector_store %arg8[%swap3A, %swap3A_58], %max3A_57 {strides = array<i32>} : memref<10000x128xf32, #tpu.memory_space<vmem>>, vector<10000x128xf32>,
    return
  }
}

</mosaic_0001>

<sc_bundles>
// kernel: kernel.5.cloned.1.call-start
scs
__scs_entry_jumppad:
0x0: {  	(pc) =	sbr.rel $0x88, $3  }
0x1: {  	(tag) =	ssettag $0x0;
	lr =	simm.s32 $0x1  }
0x2: {  	[smem:$0x3F99] =	sst lr;
	_ =	strace $0xD0000000  }
0x3: {  	_ = 	snop  }
0x4: {  	_ = 	snop  }
0x5: {  	_ = 	snop  }
0x6: {  	_ = 	snop  }
0x7: {  	_ = 	snop  }
__scs_overlays_trampoline_lowered:
0x8: {  	[smem:$0x3FA8] =	sst s0  }
0x9: {  	[smem:$0x3FA9] =	sst s1  }
0xa: {  	[smem:$0x3FAA] =	sst s2  }
0xb: {  	[smem:$0x3FAB] =	sst s3  }
0xc: {  	[smem:$0x3FAC] =	sst s4  }
0xd: {  	[smem:$0x3FAD] =	sst s5  }
0xe: {  	[smem:$0x3FAE] =	sst s6  }
0xf: {  	[smem:$0x3FAF] =	sst s7  }
0x10: {  	[smem:$0x3FB0] =	sst s8  }
0x11: {  	[smem:$0x3FB1] =	sst s9;
	s0 =	simm.s32 @!p0 $0x0  }
0x12: {  	s1 =	sld [smem:$0x3F97];
	s0 =	simm.s32 @p0 $0x1  }
0x13: {  	[smem:$0x3FB2] =	sst s0;
	s0 =	simm.s32 @!p1 $0x0  }
0x14: {  	s2 =	sld [smem:$0x3F96];
	s0 =	simm.s32 @p1 $0x1  }
0x15: {  	[smem:$0x3FB3] =	sst s0;
	s0 =	simm.s32 @!p2 $0x0  }
0x16: {  	s3 =	sld [smem:$0x3FDB];
	s0 =	simm.s32 @p2 $0x1  }
0x17: {  	s4 =	simm.s32 $0x1BF5;
	[smem:$0x3FB5] =	sst s0  }
0x18: {  	s0 =	sld [smem:$0x3F98];
	_ =	swait.ge [sflag:s4], $0x0  }
0x19: {  	s7 =	sld [smem:$0x3F99]  }
0x1a: {  	s8 =	sadd.s32 $0xFFFFE003, lr  }
0x1b: {  	s9 =	sadd.s32 $0xFFFFFEF7, lr;
	s5 =	simm.s32 $0xFFFFFFFF;
	p2 =	slt.u32 s8, $0xFFFFF086  }
0x1c: {  	p1 =	slt.u32 s9, $0xF7A;
	s5 =	simm.s32 @!p2 $0x0  }
0x1d: {  	s5 =	simm.s32 @p1 $0x1;
	p0 =	seq.s32 s7, s2  }
0x1e: {  	s7 =	smul.u32 @!p0 $0xF7A, s2;
	p2 =	seq.s32 @!p0 s5, $0x0  }
0x1f: {  	s9 =	smul.u32 $0xF7A, s1;
	s8 =	simm.s32 @!p0 $0x1BF5;
	p2 =	por !p2, p0  }
0x20: {  	[sflag:s8] =	ssyncset.s32 @!p0 $0xFFFFF086;
	s6 =	sadd.s32 @!p0 s3, s7;
	s7 =	simm.s32 @!p0 $0x108  }
0x21: {  	s3 =	sadd.s32 s3, s9;
	s6 =	sadd.s32 @!p0 $0x88, s6;
	s7 =	simm.s32 @p2 $0x1082  }
0x22: {  	[simem:s7], [sflag:s8] =	dma.local @!p0 [hbm:s6], $0xF7A  }
0x23: {  	s9 =	sor.u32 $0xD0000000, s2;
	s6 =	simm.s32 $0x108;
	_ =	swait.ge @!p0 [sflag:s8], $0x0  }
0x24: {  	s3 =	sadd.s32 $0x88, s3;
	s6 =	simm.s32 @!p1 $0x1082;
	[sflag:s4] =	ssyncset.s32 $0xFFFFF086  }
0x25: {  	[simem:s6], [sflag:s4] =	dma.local [hbm:s3], $0xF7A  }
0x26: {  	[smem:$0x3F99] =	sst s1;
	(tag) =	ssettag s2;
	_ =	strace s9  }
0x27: {  	s1 =	sld [smem:$0x3FA9]  }
0x28: {  	s2 =	sld [smem:$0x3FAA]  }
0x29: {  	s4 =	sld [smem:$0x3FAC]  }
0x2a: {  	p0 =	seq.s32 s5, $0x0;
	s5 =	sld [smem:$0x3FAD]  }
0x2b: {  	s6 =	sld [smem:$0x3FAE]  }
0x2c: {  	s7 =	sld [smem:$0x3FAF]  }
0x2d: {  	s3 =	simm.s32 $0x108;
	s8 =	sld [smem:$0x3FB0]  }
0x2e: {  	s3 =	simm.s32 @!p0 $0x1082;
	s9 =	sld [smem:$0x3FB1]  }
0x2f: {  	lr =	sadd.s32 s0, s3;
	s0 =	sld [smem:$0x3FA8]  }
0x30: {  	s3 =	sld [smem:$0x3FAB]  }
0x31: {  	[smem:$0x3FB4] =	sst s10  }
0x32: {  	s10 =	sld [smem:$0x3FB2];
	_ =	sdelay $0x3  }
0x33: {  	p0 =	seq.s32 s10, $0x1;
	s10 =	sld [smem:$0x3FB4];
	_ =	sdelay $0x3  }
0x34: {  	[smem:$0x3FB4] =	sst s10  }
0x35: {  	s10 =	sld [smem:$0x3FB3];
	_ =	sdelay $0x3  }
0x36: {  	p1 =	seq.s32 s10, $0x1;
	s10 =	sld [smem:$0x3FB4];
	_ =	sdelay $0x3  }
0x37: {  	[smem:$0x3FB4] =	sst s10  }
0x38: {  	s10 =	sld [smem:$0x3FB5]  }
0x39: {  	_ = 	snop;
	(pc) =	sbr.ind lr, $3  }
0x3a: {  	_ = 	snop  }
0x3b: {  	_ = 	snop  }
0x3c: {  	p2 =	seq.s32 s10, $0x1;
	s10 =	sld [smem:$0x3FB4]  }
0x3d: {  	_ =	shalt  }
0x3e: {  	_ =	shalt  }
0x3f: {  	_ =	shalt  }
0x40: {  	_ =	shalt  }
0x41: {  	_ =	shalt  }
0x42: {  	_ =	shalt  }
0x43: {  	_ =	shalt  }
0x44: {  	_ =	shalt  }
0x45: {  	_ =	shalt  }
0x46: {  	_ =	shalt  }
0x47: {  	_ =	shalt  }
0x48: {  	_ =	shalt  }
0x49: {  	_ =	shalt  }
0x4a: {  	_ =	shalt  }
0x4b: {  	_ =	shalt  }
0x4c: {  	_ =	shalt  }
0x4d: {  	_ =	shalt  }
0x4e: {  	_ =	shalt  }
0x4f: {  	_ =	shalt  }
0x50: {  	_ =	shalt  }
0x51: {  	_ =	shalt  }
0x52: {  	_ =	shalt  }
0x53: {  	_ =	shalt  }
0x54: {  	_ =	shalt  }
0x55: {  	_ =	shalt  }
0x56: {  	_ =	shalt  }
0x57: {  	_ =	shalt  }
0x58: {  	_ =	shalt  }
0x59: {  	_ =	shalt  }
0x5a: {  	_ =	shalt  }
0x5b: {  	_ =	shalt  }
0x5c: {  	_ =	shalt  }
0x5d: {  	_ =	shalt  }
0x5e: {  	_ =	shalt  }
0x5f: {  	_ =	shalt  }
0x60: {  	_ =	shalt  }
0x61: {  	_ =	shalt  }
0x62: {  	_ =	shalt  }
0x63: {  	_ =	shalt  }
0x64: {  	_ =	shalt  }
0x65: {  	_ =	shalt  }
0x66: {  	_ =	shalt  }
0x67: {  	_ =	shalt  }
0x68: {  	_ =	shalt  }
0x69: {  	_ =	shalt  }
0x6a: {  	_ =	shalt  }
0x6b: {  	_ =	shalt  }
0x6c: {  	_ =	shalt  }
0x6d: {  	_ =	shalt  }
0x6e: {  	_ =	shalt  }
0x6f: {  	_ =	shalt  }
0x70: {  	_ =	shalt  }
0x71: {  	_ =	shalt  }
0x72: {  	_ =	shalt  }
0x73: {  	_ =	shalt  }
0x74: {  	_ =	shalt  }
0x75: {  	_ =	shalt  }
0x76: {  	_ =	shalt  }
0x77: {  	_ =	shalt  }
0x78: {  	_ =	shalt  }
0x79: {  	_ =	shalt  }
0x7a: {  	_ =	shalt  }
0x7b: {  	_ =	shalt  }
0x7c: {  	_ =	shalt  }
0x7d: {  	_ =	shalt  }
0x7e: {  	_ =	shalt  }
0x7f: {  	_ =	shalt  }
0x80: {  	_ =	shalt  }
0x81: {  	_ =	shalt  }
0x82: {  	_ =	shalt  }
0x83: {  	_ =	shalt  }
0x84: {  	_ =	shalt  }
0x85: {  	_ =	shalt  }
0x86: {  	_ =	shalt  }
0x87: {  	_ =	shalt  }
.Lfunc_end0:
.L_simem_size_0:
called_computation_lowered:
.L_overlay_start_0:
0x88: {  	s2 =	sld [smem:$0x3FD9]  }
0x89: {  	s3 =	sld [smem:$0x3FFE];
	_ =	sdelay $0x1  }
0x8a: {  	s1 =	srdreg.scid  }
0x8b: {  	s0 =	sand.u32 $0x1, s1  }
0x8c: {  	s17 =	sshll.u32 s0, $0xA;
	s2 =	sadd.s32 s3, s2  }
0x8d: {  	s2 =	sadd.s32 s2, s17  }
0x8e: {  	[smem:$0x3FC0] =	sst s2  }
0x8f: {  	_ = 	snop  }
0x90: {  	s2 =	sld [smem:$0x3FC9]  }
0x91: {  	s18 =	sld [smem:$0x3FD0];
	(tm) =	ssettm $0x1  }
0x92: {  	s4 =	sld [smem:$0x3FFB];
	_ =	sdelay $0x3  }
0x93: {  	_ =	strace s4  }
0x94: {  	s4 =	sld [smem:$0x3FFC];
	_ =	sdelay $0x3  }
0x95: {  	_ =	strace s4  }
0x96: {  	s4 =	sld [smem:$0x3FFD];
	_ =	sdelay $0x3  }
0x97: {  	_ =	strace s4  }
0x98: {  	_ =	strace $0x8FFFFFFF  }
0x99: {  	s19 =	sld [smem:$0x3FDB];
	_ =	sdelay $0x1  }
0x9a: {  	s5 =	simm.s32 $_scs_section_size  }
0x9b: {  	s6 =	simm.s32 $_size__tile_overlayer_lowered;
	s7 =	simm.s32 $_tile_overlayer_lowered  }
0x9c: {  	s22 =	simm.s32 $0x1BFF;
	s21 =	sshll.u32 s7, $0x1;
	s4 =	sadd.s32 s5, s19  }
0x9d: {  	s8 =	simm.s32 $0x0;
	s20 =	sshll.u32 s6, $0x1;
	s6 =	sadd.s32 s21, s4  }
0x9e: {  	[timem:s8], [sflag:s22] =	dma.local [hbm:s6], s20  }
0x9f: {  	_ =	swait.ge [sflag:s22], s20  }
0xa0: {  	s5 =	ssub.s32 $0x0, s20;
	[sflag:s22] =	ssyncset.done $0x0  }
0xa1: {  	[sflag:s22] =	ssyncadd.s32 s5;
	_ =	sdelay $0x1  }
0xa2: {  	s23 =	simm.s32 $0x1B8B  }
0xa3: {  	_ =	swait.ge [sflag:s23], $0x1  }
0xa4: {  	[sflag:s23] =	ssyncset.done $0x0  }
0xa5: {  	s25 =	simm.s32 $0x1B8E;
	s24 =	sld [smem:$0x3FFE];
	[sflag:s23] =	ssyncadd.s32 $0xFFFFFFFF  }
0xa6: {  	s26 =	simm.s32 $execute0_lowered;
	[smem:$0x3FD2] =	sst s25  }
0xa7: {  	s6 =	sshll.u32 s26, $0x1;
	_ =	strace $0x80000046;
	[dreg:$0x1] =	wrdreg $0xFFFFFFFF  }
0xa8: {  	s28 =	simm.s32 $_size_execute0_lowered;
	s4 =	sadd.s32 s4, s6;
	[dreg:$0x0] =	wrdreg $0x0  }
0xa9: {  	s6 =	sshll.u32 s28, $0x1;
	[dreg:$0x2] =	wrdreg s4  }
0xaa: {  	[dreg:$0x3] =	wrdreg s6  }
0xab: {  	[dreg:$0x4] =	wrdreg $0xC0  }
0xac: {  	_ =	task [dreg:s8], $0x5FFFF  }
0xad: {  	[dreg:$0x1] =	wrdreg $0xFFFFFFFF  }
0xae: {  	[dreg:$0x0] =	wrdreg $0x60  }
0xaf: {  	[dreg:$0x2] =	wrdreg s2  }
0xb0: {  	[dreg:$0x3] =	wrdreg s24  }
0xb1: {  	[dreg:$0x4] =	wrdreg s18  }
0xb2: {  	[dreg:$0x5] =	wrdreg $0x0  }
0xb3: {  	[dreg:$0x6] =	wrdreg $0x9  }
0xb4: {  	_ =	task.clear_ibuf [dreg:s8], $0x7FFFF;
	_ =	strace $0x90000046  }
0xb5: {  	s29 =	simm.s32 $0x9;
	_ =	strace $0x80000048  }
0xb6: {  	_ =	swait.ge [sflag:s29], $0x1  }
0xb7: {  	[sflag:s29] =	ssyncadd.s32 $0xFFFFFFFF  }
0xb8: {  	_ =	strace $0x90000048  }
0xb9: {  	_ =	sfence  }
0xba: {  	s30 =	sld [smem:$0x0];
	_ =	sdelay $0x2  }
0xbb: {  	s31 =	sshll.u32 s1, $0xD;
	s1 =	sshrl.u32 s1, $0x2  }
0xbc: {  	s3 =	sand.u32 $0x4000, s31;
	s1 =	sadd.s32 s1, s30  }
0xbd: {  	s0 =	sor.u32 s3, s0;
	s1 =	sshll.u32 s1, $0x11  }
0xbe: {  	s0 =	sor.u32 s1, s0  }
0xbf: {  	s0 =	sadd.s32 $0x8F2B, s0  }
0xc0: {  	[sflag:s0] =	ssyncadd.remote.s32 $0x1  }
0xc1: {  	_ =	sfence.sel $0xFFFF  }
0xc2: {  	[dreg:$0x0] =	wrdreg $0xFFFFFFFF;
	(pc) =	sbr.abs _section_cstart, $3  }
0xc3: {  	[dreg:$0x1] =	wrdreg $0xFFFFFFFF  }
0xc4: {  	_ =	task.clear_ibuf [dreg:s8], $0x2FFFF;
	_ =	strace $0x9FFFFFFF  }
0xc5: {  	(tm) =	ssettm $0x7FFFFFFF  }
tec
execute0_lowered:
.L_overlay_start_1:
0x0: {  	(tag) =	ssettag $0x1  }
0x1: {  	s1 =	rddreg [dreg:$0x0]  }
0x2: {  	s0 =	rddreg [dreg:$0x1]  }
0x3: {  	s3 =	rddreg [dreg:$0x2]  }
0x4: {  	s2 =	rddreg [dreg:$0x3];
	s4 =	simm.s32 $0x0  }
0x5: {  	s5 =	srdreg.scid;
	s25 =	stileid.u32;
	s19 =	simm.s32 $0x9C40  }
0x6: {  	s20 =	simm.s32 $0x9F60;
	s21 =	simm.s32 $0x9DD0;
	s22 =	simm.s32 $0xA0F0  }
0x7: {  	s23 =	simm.s32 $0xA280;
	s28 =	simm.s32 $0x1;
	s29 =	simm.s32 $0x4  }
0x8: {  	s30 =	simm.s32 $0x10680;
	s31 =	simm.s32 $0x2;
	s6 =	smul.u32 $0x4E20, s25  }
0x9: {  	[smem:$0x7FF] =	sst s4;
	s12 =	sand.u32 $0x1, s5;
	s8 =	smul.u32 $0x27000, s25  }
0xa: {  	s13 =	sadd.s32 $0x2A00, s0;
	s0 =	sadd.s32 $0xC800, s0;
	s15 =	smul.u32 $0x2700, s25  }
0xb: {  	s11 =	sadd.s32 $0x9C000, s2;
	s26 =	smul.u32 $0x9C4, s25;
	s17 =	sadd.s32 $0x27000, s3  }
0xc: {  	p1 =	sne.s32 s25, $0xF;
	p2 =	seq.s32 s25, $0xF;
	s25 =	simm.s32 $0x3  }
0xd: {  	_ =	strace $0x80000047;
	s5 =	ssub.s32 $0x2, s12;
	p0 =	seq.s32 s12, $0x1  }
0xe: {  	[dreg:$0x6] =	wrdreg s17;
	s7 =	sshrl.u32 s5, $0x1;
	s24 =	sshrl.u32 s6, $0x3  }
0xf: {  	s8 =	sshrl.u32 s8, $0x2;
	s16 =	sadd.s32 s3, s15;
	s3 =	sadd.s32 $0x27008, s3  }
0x10: {  	s17 =	sadd.s32 s26, s0;
	s18 =	sadd.s32 s26, s13;
	s26 =	simm.s32 $0x190  }
0x11: {  	s14 =	ssub.s32 s5, s7;
	s5 =	sadd.s32 s13, s24;
	s6 =	sadd.s32 s0, s24  }
.Ltmp0:
0x12: {  	s9 =	sadd.s32 $0x32, s24;
	[dreg:$0x5] =	wrdreg s16;
	(pc) =	sbr.rel .LBB2_1-.Ltmp0, $4  }
0x13: {  	s7 =	sadd.s32 s8, s2;
	s16 =	sadd.s32 $0x8, s16;
	[dreg:$0x8] =	wrdreg s3  }
0x14: {  	s24 =	simm.s32 $0x5;
	s8 =	sadd.s32 s13, s9;
	s9 =	sadd.s32 s0, s9  }
0x15: {  	s10 =	sadd.s32 $0x6400, s7;
	[dreg:$0x7] =	wrdreg s16;
	s16 =	smax.u32 s14, $0x1  }
0x16: {  	v1 =	vimm.f32 $0.0e+00;
	v0 =	vmov s12;
	s0 =	simm.s32 $0x10;
	s14 =	simm.s32 $0x8;
	s13 =	simm.s32 $0x0  }
.LBB2_12:
0x17: {  	s3 =	sshrl.u32 s11, $0x3  }
0x18: {  	[hbm:s12@s0], [sflag:s15] =	dma.strided [spmem:s3@s14], $0x80, s28, $0x8   }
0x19: {  	_ =	swait.ge [sflag:s24], $0x80  }
0x1a: {  	[sflag:s24] =	ssyncset.done $0x0  }
0x1b: {  	[sflag:s24] =	ssyncadd.s32 $0xFFFFFF80  }
.LBB2_13:
0x1c: {  	s13 =	sadd.s32 $0x1, s13  }
0x1d: {  	p3 =	sne.s32 s13, s16  }
.Ltmp1:
0x1e: {  	_ = 	snop;
	(pc) =	sbr.rel @!p3 .LBB2_14-.Ltmp1, $1  }
0x1f: {  	_ =	sdelay $0x3  }
.LBB2_1:
0x20: {  	[tilespmem:s19], [sflag:$0x3] =	stream.linear.gather [hbm4b:s5+s4], $0x190, $0x38;
	[tilespmem:$0x16A80] =	vst v63  }
0x21: {  	_ = 	snop  }
0x22: {  	[tilespmem:s20], [sflag:$0x3] =	stream.linear.gather [hbm4b:s6+s4], $0x190, $0x38;
	[tilespmem:$0x16A80] =	vst v63  }
0x23: {  	_ = 	snop  }
0x24: {  	[tilespmem:s21], [sflag:$0x4] =	stream.linear.gather [hbm4b:s8+s4], $0x190, $0x38;
	[tilespmem:$0x16A80] =	vst v63  }
0x25: {  	s12 =	simm.s32 $0x100;
	s15 =	simm.s32 $0x0  }
0x26: {  	[tilespmem:s22], [sflag:$0x4] =	stream.linear.gather [hbm4b:s9+s4], $0x190, $0x38;
	[tilespmem:$0x16A80] =	vst v63  }
.LBB2_2:
0x27: {  	p3 =	sne.s32 s12, $0x18F00;
	[tilespmem:s15+$0xA2B0] =	vst v1;
	s3 =	smov.u32 s12;
	s12 =	sadd.s32 $0x100, s12  }
.Ltmp2:
0x28: {  	[tilespmem:s15+$0xA2A0] =	vst v1;
	(pc) =	sbr.rel @p3 .LBB2_2-.Ltmp2, $3  }
0x29: {  	[tilespmem:s15+$0xA280] =	vst v1  }
0x2a: {  	[tilespmem:s15+$0xA290] =	vst v1;
	_ =	sdelay $0x1  }
0x2b: {  	s15 =	sshra.s32 s3, $0x2  }
0x2c: {  	[tilespmem:s15+$0xA2B0] =	vst v1  }
0x2d: {  	[tilespmem:s15+$0xA2A0] =	vst v1  }
0x2e: {  	[tilespmem:s15+$0xA280] =	vst v1  }
0x2f: {  	[tilespmem:s15+$0xA290] =	vst v1  }
0x30: {  	[spmem:s7] =	stream.linear.scatter [tilespmem:s23], [sflag:$0x5], $0x6400, $0x38;
	[tilespmem:$0x16A80] =	vst v63  }
0x31: {  	_ =	swait.ge [sflag:s24], $0x6400  }
0x32: {  	[sflag:s24] =	ssyncset.done $0x0  }
0x33: {  	[sflag:s24] =	ssyncadd.s32 $0xFFFF9C00  }
0x34: {  	[spmem:s10] =	stream.linear.scatter [tilespmem:s23], [sflag:$0x5], $0x3800, $0x38;
	[tilespmem:$0x16A80] =	vst v63  }
0x35: {  	_ =	swait.ge [sflag:s24], $0x3800  }
0x36: {  	[sflag:s24] =	ssyncset.done $0x0  }
0x37: {  	s3 =	simm.s32 @!p1 $0xA280;
	[sflag:s24] =	ssyncadd.s32 $0xFFFFC800  }
0x38: {  	[spmem:s11] =	stream.linear.scatter @!p1 [tilespmem:s3], [sflag:$0x5], $0x400, $0x38;
	[tilespmem:$0x16A80] =	vst v63  }
0x39: {  	s3 =	simm.s32 @!p1 $0x5  }
0x3a: {  	_ =	swait.ge @!p1 [sflag:s3], $0x400  }
0x3b: {  	[sflag:s3] =	ssyncset.done @!p1 $0x0  }
0x3c: {  	[sflag:s3] =	ssyncadd.s32 @!p1 $0xFFFFFC00  }
0x3d: {  	[bflag:$0x0] =	sbarrier.arrive $0xFFFF  }
0x3e: {  	_ =	swait.ge [sflag:s25], $0x190  }
0x3f: {  	[sflag:s25] =	ssyncset.done $0x0  }
0x40: {  	[sflag:s25] =	ssyncadd.s32 $0xFFFFFE70  }
0x41: {  	_ =	swait.ge [sflag:s25], $0x190  }
0x42: {  	[sflag:s25] =	ssyncset.done $0x0  }
0x43: {  	[sflag:s25] =	ssyncadd.s32 $0xFFFFFE70  }
0x44: {  	v2 =	vld [tilespmem:$0x9C40]  }
0x45: {  	v3 =	vld [tilespmem:$0x9C50]  }
0x46: {  	v4 =	vld [tilespmem:$0x9C60]  }
0x47: {  	v5 =	vld [tilespmem:$0x9C70]  }
0x48: {  	v6 =	vld [tilespmem:$0x9C80]  }
0x49: {  	v7 =	vld [tilespmem:$0x9C90];
	v2 =	vshll.u32 v2, $0x1  }
0x4a: {  	v8 =	vld [tilespmem:$0x9CA0];
	v3 =	vshll.u32 v3, $0x1;
	v2 =	vor.u32 v0, v2  }
0x4b: {  	v46 =	vld [tilespmem:$0x9CB0];
	[tilespmem:$0x9C40] =	vst v2;
	v2 =	vor.u32 v0, v3;
	v3 =	vshll.u32 v4, $0x1  }
0x4c: {  	v47 =	vld [tilespmem:$0x9CC0];
	[tilespmem:$0x9C50] =	vst v2;
	v2 =	vor.u32 v0, v3;
	v3 =	vshll.u32 v5, $0x1  }
0x4d: {  	v48 =	vld [tilespmem:$0x9CD0];
	[tilespmem:$0x9C60] =	vst v2;
	v2 =	vor.u32 v0, v3;
	v3 =	vshll.u32 v6, $0x1  }
0x4e: {  	v49 =	vld [tilespmem:$0x9CE0];
	[tilespmem:$0x9C70] =	vst v2;
	v2 =	vor.u32 v0, v3;
	v3 =	vshll.u32 v7, $0x1  }
0x4f: {  	v50 =	vld [tilespmem:$0x9CF0];
	[tilespmem:$0x9C80] =	vst v2;
	v2 =	vor.u32 v0, v3;
	v3 =	vshll.u32 v8, $0x1  }
0x50: {  	v51 =	vld [tilespmem:$0x9D00];
	[tilespmem:$0x9C90] =	vst v2;
	v2 =	vor.u32 v0, v3;
	v3 =	vshll.u32 v46, $0x1  }
0x51: {  	v52 =	vld [tilespmem:$0x9D10];
	[tilespmem:$0x9CA0] =	vst v2;
	v2 =	vor.u32 v0, v3;
	v3 =	vshll.u32 v47, $0x1  }
0x52: {  	v53 =	vld [tilespmem:$0x9D20];
	[tilespmem:$0x9CB0] =	vst v2;
	v2 =	vor.u32 v0, v3;
	v3 =	vshll.u32 v48, $0x1  }
0x53: {  	v54 =	vld [tilespmem:$0x9D30];
	[tilespmem:$0x9CC0] =	vst v2;
	v2 =	vor.u32 v0, v3;
	v3 =	vshll.u32 v49, $0x1  }
0x54: {  	v55 =	vld [tilespmem:$0x9D40];
	[tilespmem:$0x9CD0] =	vst v2;
	v2 =	vor.u32 v0, v3;
	v3 =	vshll.u32 v50, $0x1  }
0x55: {  	v56 =	vld [tilespmem:$0x9D50];
	[tilespmem:$0x9CE0] =	vst v2;
	v2 =	vor.u32 v0, v3;
	v3 =	vshll.u32 v51, $0x1  }
0x56: {  	v57 =	vld [tilespmem:$0x9D60];
	[tilespmem:$0x9CF0] =	vst v2;
	v2 =	vor.u32 v0, v3;
	v3 =	vshll.u32 v52, $0x1  }
0x57: {  	v58 =	vld [tilespmem:$0x9D70];
	[tilespmem:$0x9D00] =	vst v2;
	v2 =	vor.u32 v0, v3;
	v3 =	vshll.u32 v53, $0x1  }
0x58: {  	v59 =	vld [tilespmem:$0x9D80];
	[tilespmem:$0x9D10] =	vst v2;
	v2 =	vor.u32 v0, v3;
	v3 =	vshll.u32 v54, $0x1  }
0x59: {  	v60 =	vld [tilespmem:$0x9D90];
	[tilespmem:$0x9D20] =	vst v2;
	v2 =	vor.u32 v0, v3;
	v3 =	vshll.u32 v55, $0x1  }
0x5a: {  	v61 =	vld [tilespmem:$0x9DA0];
	[tilespmem:$0x9D30] =	vst v2;
	v2 =	vor.u32 v0, v3;
	v3 =	vshll.u32 v56, $0x1  }
0x5b: {  	v62 =	vld [tilespmem:$0x9DB0];
	[tilespmem:$0x9D40] =	vst v2;
	v2 =	vor.u32 v0, v3;
	v3 =	vshll.u32 v57, $0x1  }
0x5c: {  	v63 =	vld [tilespmem:$0x9DC0];
	[tilespmem:$0x9D50] =	vst v2;
	v2 =	vor.u32 v0, v3;
	v3 =	vshll.u32 v58, $0x1  }
0x5d: {  	[tilespmem:$0x9D60] =	vst v2;
	v2 =	vor.u32 v0, v3;
	v3 =	vshll.u32 v59, $0x1  }
0x5e: {  	[tilespmem:$0x9D70] =	vst v2;
	v2 =	vor.u32 v0, v3;
	v3 =	vshll.u32 v60, $0x1  }
0x5f: {  	[tilespmem:$0x9D80] =	vst v2;
	v2 =	vor.u32 v0, v3;
	v3 =	vshll.u32 v61, $0x1  }
0x60: {  	[tilespmem:$0x9D90] =	vst v2;
	v2 =	vor.u32 v0, v3;
	v3 =	vshll.u32 v62, $0x1  }
0x61: {  	[tilespmem:$0x9DA0] =	vst v2;
	v2 =	vor.u32 v0, v3;
	v3 =	vshll.u32 v63, $0x1  }
0x62: {  	[tilespmem:$0x9DB0] =	vst v2;
	v2 =	vor.u32 v0, v3  }
0x63: {  	s15 =	simm.s32 $0xFFFFF6A0;
	[tilespmem:$0x9DC0] =	vst v2  }
0x64: {  	[tilespmem:s23], [sflag:$0x1] =	stream.indirect.gather [hbm4b:s1+s26], $0x40, s19, s26, $0xb8;
	[tilespmem:$0x16A80] =	vst v63  }
.LBB2_4:
0x65: {  	_ =	swait.ge [sflag:s28], $0x6400  }
0x66: {  	[sflag:s28] =	ssyncset.done $0x0  }
0x67: {  	[sflag:s28] =	ssyncadd.s32 $0xFFFF9C00  }
0x68: {  	_ =	swait.ge [sflag:s29], $0x190  }
0x69: {  	[sflag:s29] =	ssyncset.done $0x0  }
0x6a: {  	[sflag:s29] =	ssyncadd.s32 $0xFFFFFE70  }
0x6b: {  	_ =	swait.ge [sflag:s29], $0x190  }
0x6c: {  	[sflag:s29] =	ssyncset.done $0x0  }
0x6d: {  	[sflag:s29] =	ssyncadd.s32 $0xFFFFFE70  }
0x6e: {  	v2 =	vld [tilespmem:$0x9DD0]  }
0x6f: {  	v3 =	vld [tilespmem:$0x9DE0]  }
0x70: {  	v4 =	vld [tilespmem:$0x9DF0]  }
0x71: {  	v5 =	vld [tilespmem:$0x9E00]  }
0x72: {  	v6 =	vld [tilespmem:$0x9E10]  }
0x73: {  	v7 =	vld [tilespmem:$0x9E20];
	v2 =	vshll.u32 v2, $0x1  }
0x74: {  	v8 =	vld [tilespmem:$0x9E30];
	v3 =	vshll.u32 v3, $0x1;
	v2 =	vor.u32 v0, v2  }
0x75: {  	v46 =	vld [tilespmem:$0x9E40];
	[tilespmem:$0x9DD0] =	vst v2;
	v2 =	vor.u32 v0, v3;
	v3 =	vshll.u32 v4, $0x1  }
0x76: {  	v47 =	vld [tilespmem:$0x9E50];
	[tilespmem:$0x9DE0] =	vst v2;
	v2 =	vor.u32 v0, v3;
	v3 =	vshll.u32 v5, $0x1  }
0x77: {  	v48 =	vld [tilespmem:$0x9E60];
	[tilespmem:$0x9DF0] =	vst v2;
	v2 =	vor.u32 v0, v3;
	v3 =	vshll.u32 v6, $0x1  }
0x78: {  	v49 =	vld [tilespmem:$0x9E70];
	[tilespmem:$0x9E00] =	vst v2;
	v2 =	vor.u32 v0, v3;
	v3 =	vshll.u32 v7, $0x1  }
0x79: {  	v50 =	vld [tilespmem:$0x9E80];
	[tilespmem:$0x9E10] =	vst v2;
	v2 =	vor.u32 v0, v3;
	v3 =	vshll.u32 v8, $0x1  }
0x7a: {  	v51 =	vld [tilespmem:$0x9E90];
	[tilespmem:$0x9E20] =	vst v2;
	v2 =	vor.u32 v0, v3;
	v3 =	vshll.u32 v46, $0x1  }
0x7b: {  	v52 =	vld [tilespmem:$0x9EA0];
	[tilespmem:$0x9E30] =	vst v2;
	v2 =	vor.u32 v0, v3;
	v3 =	vshll.u32 v47, $0x1  }
0x7c: {  	v53 =	vld [tilespmem:$0x9EB0];
	[tilespmem:$0x9E40] =	vst v2;
	v2 =	vor.u32 v0, v3;
	v3 =	vshll.u32 v48, $0x1  }
0x7d: {  	v54 =	vld [tilespmem:$0x9EC0];
	[tilespmem:$0x9E50] =	vst v2;
	v2 =	vor.u32 v0, v3;
	v3 =	vshll.u32 v49, $0x1  }
0x7e: {  	v55 =	vld [tilespmem:$0x9ED0];
	[tilespmem:$0x9E60] =	vst v2;
	v2 =	vor.u32 v0, v3;
	v3 =	vshll.u32 v50, $0x1  }
0x7f: {  	v56 =	vld [tilespmem:$0x9EE0];
	[tilespmem:$0x9E70] =	vst v2;
	v2 =	vor.u32 v0, v3;
	v3 =	vshll.u32 v51, $0x1  }
0x80: {  	v57 =	vld [tilespmem:$0x9EF0];
	[tilespmem:$0x9E80] =	vst v2;
	v2 =	vor.u32 v0, v3;
	v3 =	vshll.u32 v52, $0x1  }
0x81: {  	v58 =	vld [tilespmem:$0x9F00];
	[tilespmem:$0x9E90] =	vst v2;
	v2 =	vor.u32 v0, v3;
	v3 =	vshll.u32 v53, $0x1  }
0x82: {  	v59 =	vld [tilespmem:$0x9F10];
	[tilespmem:$0x9EA0] =	vst v2;
	v2 =	vor.u32 v0, v3;
	v3 =	vshll.u32 v54, $0x1  }
0x83: {  	v60 =	vld [tilespmem:$0x9F20];
	[tilespmem:$0x9EB0] =	vst v2;
	v2 =	vor.u32 v0, v3;
	v3 =	vshll.u32 v55, $0x1  }
0x84: {  	v61 =	vld [tilespmem:$0x9F30];
	[tilespmem:$0x9EC0] =	vst v2;
	v2 =	vor.u32 v0, v3;
	v3 =	vshll.u32 v56, $0x1  }
0x85: {  	v62 =	vld [tilespmem:$0x9F40];
	[tilespmem:$0x9ED0] =	vst v2;
	v2 =	vor.u32 v0, v3;
	v3 =	vshll.u32 v57, $0x1  }
0x86: {  	v63 =	vld [tilespmem:$0x9F50];
	[tilespmem:$0x9EE0] =	vst v2;
	v2 =	vor.u32 v0, v3;
	v3 =	vshll.u32 v58, $0x1  }
0x87: {  	[tilespmem:$0x9EF0] =	vst v2;
	v2 =	vor.u32 v0, v3;
	v3 =	vshll.u32 v59, $0x1  }
0x88: {  	[tilespmem:$0x9F00] =	vst v2;
	v2 =	vor.u32 v0, v3;
	v3 =	vshll.u32 v60, $0x1  }
0x89: {  	[tilespmem:$0x9F10] =	vst v2;
	v2 =	vor.u32 v0, v3;
	v3 =	vshll.u32 v61, $0x1  }
0x8a: {  	[tilespmem:$0x9F20] =	vst v2;
	v2 =	vor.u32 v0, v3;
	v3 =	vshll.u32 v62, $0x1  }
0x8b: {  	[tilespmem:$0x9F30] =	vst v2;
	v2 =	vor.u32 v0, v3;
	v3 =	vshll.u32 v63, $0x1  }
0x8c: {  	[tilespmem:$0x9F40] =	vst v2;
	v2 =	vor.u32 v0, v3  }
0x8d: {  	p3 =	seq.s32 s15, $0x0;
	[tilespmem:$0x9F50] =	vst v2  }
0x8e: {  	[tilespmem:s30], [sflag:$0x2] =	stream.indirect.gather [hbm4b:s1+s26], $0x40, s21, s26, $0xb8;
	[tilespmem:$0x16A80] =	vst v63  }
.Ltmp3:
0x8f: {  	_ = 	snop;
	(pc) =	sbr.rel @p3 .LBB2_6-.Ltmp3, $4  }
0x90: {  	[spmem:s2] =	stream.indirect.scatter.add.f32 [tilespmem:s23], [sflag:$0x5], $0x40, s20, s26, $0xb8;
	[tilespmem:$0x16A80] =	vst v63  }
0x91: {  	_ =	swait.ge [sflag:s24], $0x6400  }
0x92: {  	[sflag:s24] =	ssyncset.done $0x0  }
0x93: {  	[sflag:s24] =	ssyncadd.s32 $0xFFFF9C00  }
0x94: {  	s3 =	sadd.s32 s15, s18  }
0x95: {  	s12 =	sadd.s32 s15, s17;
	s3 =	sadd.s32 $0x9C4, s3  }
0x96: {  	[tilespmem:s19], [sflag:$0x3] =	stream.linear.gather [hbm4b:s3+s4], $0x190, $0x38;
	[tilespmem:$0x16A80] =	vst v63  }
0x97: {  	s3 =	sadd.s32 $0x9C4, s12  }
0x98: {  	[tilespmem:s20], [sflag:$0x3] =	stream.linear.gather [hbm4b:s3+s4], $0x190, $0x38;
	[tilespmem:$0x16A80] =	vst v63  }
0x99: {  	_ =	swait.ge [sflag:s31], $0x6400  }
0x9a: {  	[sflag:s31] =	ssyncset.done $0x0  }
0x9b: {  	[sflag:s31] =	ssyncadd.s32 $0xFFFF9C00  }
0x9c: {  	_ =	swait.ge [sflag:s25], $0x190  }
0x9d: {  	[sflag:s25] =	ssyncset.done $0x0  }
0x9e: {  	[sflag:s25] =	ssyncadd.s32 $0xFFFFFE70  }
0x9f: {  	_ =	swait.ge [sflag:s25], $0x190  }
0xa0: {  	[sflag:s25] =	ssyncset.done $0x0  }
0xa1: {  	[sflag:s25] =	ssyncadd.s32 $0xFFFFFE70  }
0xa2: {  	v2 =	vld [tilespmem:$0x9C40]  }
0xa3: {  	v3 =	vld [tilespmem:$0x9C50]  }
0xa4: {  	v4 =	vld [tilespmem:$0x9C60]  }
0xa5: {  	v5 =	vld [tilespmem:$0x9C70]  }
0xa6: {  	v6 =	vld [tilespmem:$0x9C80]  }
0xa7: {  	v7 =	vld [tilespmem:$0x9C90];
	v2 =	vshll.u32 v2, $0x1  }
0xa8: {  	v8 =	vld [tilespmem:$0x9CA0];
	v3 =	vshll.u32 v3, $0x1;
	v2 =	vor.u32 v0, v2  }
0xa9: {  	v46 =	vld [tilespmem:$0x9CB0];
	[tilespmem:$0x9C40] =	vst v2;
	v2 =	vor.u32 v0, v3;
	v3 =	vshll.u32 v4, $0x1  }
0xaa: {  	v47 =	vld [tilespmem:$0x9CC0];
	[tilespmem:$0x9C50] =	vst v2;
	v2 =	vor.u32 v0, v3;
	v3 =	vshll.u32 v5, $0x1  }
0xab: {  	v48 =	vld [tilespmem:$0x9CD0];
	[tilespmem:$0x9C60] =	vst v2;
	v2 =	vor.u32 v0, v3;
	v3 =	vshll.u32 v6, $0x1  }
0xac: {  	v49 =	vld [tilespmem:$0x9CE0];
	[tilespmem:$0x9C70] =	vst v2;
	v2 =	vor.u32 v0, v3;
	v3 =	vshll.u32 v7, $0x1  }
0xad: {  	v50 =	vld [tilespmem:$0x9CF0];
	[tilespmem:$0x9C80] =	vst v2;
	v2 =	vor.u32 v0, v3;
	v3 =	vshll.u32 v8, $0x1  }
0xae: {  	v51 =	vld [tilespmem:$0x9D00];
	[tilespmem:$0x9C90] =	vst v2;
	v2 =	vor.u32 v0, v3;
	v3 =	vshll.u32 v46, $0x1  }
0xaf: {  	v52 =	vld [tilespmem:$0x9D10];
	[tilespmem:$0x9CA0] =	vst v2;
	v2 =	vor.u32 v0, v3;
	v3 =	vshll.u32 v47, $0x1  }
0xb0: {  	v53 =	vld [tilespmem:$0x9D20];
	[tilespmem:$0x9CB0] =	vst v2;
	v2 =	vor.u32 v0, v3;
	v3 =	vshll.u32 v48, $0x1  }
0xb1: {  	v54 =	vld [tilespmem:$0x9D30];
	[tilespmem:$0x9CC0] =	vst v2;
	v2 =	vor.u32 v0, v3;
	v3 =	vshll.u32 v49, $0x1  }
0xb2: {  	v55 =	vld [tilespmem:$0x9D40];
	[tilespmem:$0x9CD0] =	vst v2;
	v2 =	vor.u32 v0, v3;
	v3 =	vshll.u32 v50, $0x1  }
0xb3: {  	v56 =	vld [tilespmem:$0x9D50];
	[tilespmem:$0x9CE0] =	vst v2;
	v2 =	vor.u32 v0, v3;
	v3 =	vshll.u32 v51, $0x1  }
0xb4: {  	v57 =	vld [tilespmem:$0x9D60];
	[tilespmem:$0x9CF0] =	vst v2;
	v2 =	vor.u32 v0, v3;
	v3 =	vshll.u32 v52, $0x1  }
0xb5: {  	v58 =	vld [tilespmem:$0x9D70];
	[tilespmem:$0x9D00] =	vst v2;
	v2 =	vor.u32 v0, v3;
	v3 =	vshll.u32 v53, $0x1  }
0xb6: {  	v59 =	vld [tilespmem:$0x9D80];
	[tilespmem:$0x9D10] =	vst v2;
	v2 =	vor.u32 v0, v3;
	v3 =	vshll.u32 v54, $0x1  }
0xb7: {  	v60 =	vld [tilespmem:$0x9D90];
	[tilespmem:$0x9D20] =	vst v2;
	v2 =	vor.u32 v0, v3;
	v3 =	vshll.u32 v55, $0x1  }
0xb8: {  	v61 =	vld [tilespmem:$0x9DA0];
	[tilespmem:$0x9D30] =	vst v2;
	v2 =	vor.u32 v0, v3;
	v3 =	vshll.u32 v56, $0x1  }
0xb9: {  	v62 =	vld [tilespmem:$0x9DB0];
	[tilespmem:$0x9D40] =	vst v2;
	v2 =	vor.u32 v0, v3;
	v3 =	vshll.u32 v57, $0x1  }
0xba: {  	v63 =	vld [tilespmem:$0x9DC0];
	[tilespmem:$0x9D50] =	vst v2;
	v2 =	vor.u32 v0, v3;
	v3 =	vshll.u32 v58, $0x1  }
0xbb: {  	[tilespmem:$0x9D60] =	vst v2;
	v2 =	vor.u32 v0, v3;
	v3 =	vshll.u32 v59, $0x1  }
0xbc: {  	[tilespmem:$0x9D70] =	vst v2;
	v2 =	vor.u32 v0, v3;
	v3 =	vshll.u32 v60, $0x1  }
0xbd: {  	[tilespmem:$0x9D80] =	vst v2;
	v2 =	vor.u32 v0, v3;
	v3 =	vshll.u32 v61, $0x1  }
.Ltmp4:
0xbe: {  	[tilespmem:$0x9D90] =	vst v2;
	v2 =	vor.u32 v0, v3;
	v3 =	vshll.u32 v62, $0x1;
	(pc) =	sbr.rel .LBB2_7-.Ltmp4, $4  }
0xbf: {  	[tilespmem:$0x9DA0] =	vst v2;
	v2 =	vor.u32 v0, v3;
	v3 =	vshll.u32 v63, $0x1  }
0xc0: {  	[tilespmem:$0x9DB0] =	vst v2;
	v2 =	vor.u32 v0, v3  }
0xc1: {  	[tilespmem:$0x9DC0] =	vst v2  }
0xc2: {  	[tilespmem:s23], [sflag:$0x1] =	stream.indirect.gather [hbm4b:s1+s26], $0x40, s19, s26, $0xb8;
	[tilespmem:$0x16A80] =	vst v63  }
.LBB2_6:
0xc3: {  	_ =	swait.ge [sflag:s31], $0x6400  }
0xc4: {  	[sflag:s31] =	ssyncset.done $0x0  }
0xc5: {  	[sflag:s31] =	ssyncadd.s32 $0xFFFF9C00  }
.LBB2_7:
.Ltmp5:
0xc6: {  	(pc) =	sbr.rel @p3 .LBB2_9-.Ltmp5, $4  }
0xc7: {  	[spmem:s2] =	stream.indirect.scatter.add.f32 [tilespmem:s30], [sflag:$0x5], $0x40, s22, s26, $0xb8;
	[tilespmem:$0x16A80] =	vst v63  }
0xc8: {  	_ =	swait.ge [sflag:s24], $0x6400  }
0xc9: {  	[sflag:s24] =	ssyncset.done $0x0  }
0xca: {  	[sflag:s24] =	ssyncadd.s32 $0xFFFF9C00  }
.Ltmp6:
0xcb: {  	s3 =	sadd.s32 s15, s18;
	(pc) =	sbr.rel .LBB2_4-.Ltmp6, $4  }
0xcc: {  	s12 =	sadd.s32 s15, s17;
	s3 =	sadd.s32 $0x9F6, s3  }
0xcd: {  	[tilespmem:s21], [sflag:$0x4] =	stream.linear.gather [hbm4b:s3+s4], $0x190, $0x38;
	[tilespmem:$0x16A80] =	vst v63  }
0xce: {  	s15 =	sadd.s32 $0x64, s15;
	s3 =	sadd.s32 $0x9F6, s12  }
0xcf: {  	[tilespmem:s22], [sflag:$0x4] =	stream.linear.gather [hbm4b:s3+s4], $0x190, $0x38;
	[tilespmem:$0x16A80] =	vst v63  }
.LBB2_9:
.Ltmp7:
0xd0: {  	(pc) =	sbr.rel @!p0 .LBB2_10-.Ltmp7, $4  }
0xd1: {  	_ = 	snop  }
0xd2: {  	s3 =	stileid.u32  }
0xd3: {  	[bflag:$0x0] =	sbarrier.arrive $0xFFFF;
	s3 =	sshll.u32 s3, $0x6  }
0xd4: {  	s12 =	sshrl.u32 s7, $0x3;
	s15 =	sor.u32 $0x1C05, s3  }
0xd5: {  	s15 =	sor.u32 $0x1C05, s3;
	s3 =	rddreg [dreg:$0x7]  }
0xd6: {  	[hbm:s3@s0], [sflag:s15] =	dma.strided [spmem:s12@s14], $0x1380, s28, $0x8   }
.Ltmp8:
0xd7: {  	_ = 	snop;
	(pc) =	sbr.rel @p1 .LBB2_13-.Ltmp8, $4  }
.Ltmp9:
0xd8: {  	_ = 	snop;
	(pc) =	sbr.rel @!p1 .LBB2_12-.Ltmp9, $4  }
0xd9: {  	_ =	swait.ge [sflag:s24], $0x1380  }
0xda: {  	[sflag:s24] =	ssyncset.done $0x0  }
0xdb: {  	s12 =	rddreg [dreg:$0x8];
	[sflag:s24] =	ssyncadd.s32 $0xFFFFEC80  }
0xdc: {  	_ = 	snop  }
.LBB2_10:
0xdd: {  	s3 =	rddreg [dreg:$0x5]  }
0xde: {  	[hbm:s3@s0], [sflag:s15] =	dma.strided [spmem:s12@s14], $0x1380, s28, $0x8   }
.Ltmp10:
0xdf: {  	_ = 	snop;
	(pc) =	sbr.rel @p2 .LBB2_12-.Ltmp10, $4  }
.Ltmp11:
0xe0: {  	_ = 	snop;
	(pc) =	sbr.rel @!p2 .LBB2_13-.Ltmp11, $4  }
0xe1: {  	_ =	swait.ge [sflag:s24], $0x1380  }
0xe2: {  	[sflag:s24] =	ssyncset.done $0x0  }
0xe3: {  	s12 =	rddreg [dreg:$0x6];
	[sflag:s24] =	ssyncadd.s32 $0xFFFFEC80  }
0xe4: {  	_ = 	snop  }
.LBB2_14:
0xe5: {  	_ =	sfence.sel $0x180000  }
0xe6: {  	[bflag:$0x0] =	sbarrier.arrive $0xFFFF  }
0xe7: {  	_ =	strace $0x90000047  }
0xe8: {  	s0 =	stileid.u32;
	[bflag:$0x2] =	sbarrier.arrive $0xFFFF  }
0xe9: {  	p0 =	sne.s32 s0, $0x0;
	s0 =	rddreg [dreg:$0x4]  }
0xea: {  	s0 =	sadd.s32 @!p0 $0x100000, s0  }
0xeb: {  	[sflag:s0] =	ssyncadd.tile.s32 @!p0 $0x1;
	_ =	shalt  }
.Lfunc_end2:
_tile_overlayer_lowered:
.L_overlay_start_2:
0xec: {  	(tag) =	ssettag $0x2  }
0xed: {  	s0 =	rddreg [dreg:$0x0];
	s2 =	stileid.u32  }
0xee: {  	s1 =	rddreg [dreg:$0x1];
	p0 =	sne.s32 s2, $0x0  }
0xef: {  	s3 =	rddreg [dreg:$0x2];
	[bflag:$0x3] =	sbarrier.arrive $0xFFFF;
	s2 =	simm.s32 @!p0 $0x1C05  }
0xf0: {  	[timem:s3], [sflag:s2] =	dma.local @!p0 [hbm:s0], s1  }
0xf1: {  	s0 =	simm.s32 @!p0 $0x5  }
0xf2: {  	_ =	swait.ge @!p0 [sflag:s0], s1  }
0xf3: {  	s1 =	ssub.s32 @!p0 $0x0, s1;
	[sflag:s0] =	ssyncset.done @!p0 $0x0  }
0xf4: {  	[sflag:s0] =	ssyncadd.s32 @!p0 s1  }
0xf5: {  	[bflag:$0x3] =	sbarrier.arrive $0xFFFF  }
0xf6: {  	_ =	shalt  }

// kernel: kernel.8.cloned.1.call-start
scs
__scs_entry_jumppad:
0x0: {  	(pc) =	sbr.rel $0x88, $3  }
0x1: {  	(tag) =	ssettag $0x0;
	lr =	simm.s32 $0x1  }
0x2: {  	[smem:$0x3F99] =	sst lr;
	_ =	strace $0xD0000000  }
0x3: {  	_ = 	snop  }
0x4: {  	_ = 	snop  }
0x5: {  	_ = 	snop  }
0x6: {  	_ = 	snop  }
0x7: {  	_ = 	snop  }
__scs_overlays_trampoline_lowered:
0x8: {  	[smem:$0x3FA8] =	sst s0  }
0x9: {  	[smem:$0x3FA9] =	sst s1  }
0xa: {  	[smem:$0x3FAA] =	sst s2  }
0xb: {  	[smem:$0x3FAB] =	sst s3  }
0xc: {  	[smem:$0x3FAC] =	sst s4  }
0xd: {  	[smem:$0x3FAD] =	sst s5  }
0xe: {  	[smem:$0x3FAE] =	sst s6  }
0xf: {  	[smem:$0x3FAF] =	sst s7  }
0x10: {  	[smem:$0x3FB0] =	sst s8  }
0x11: {  	[smem:$0x3FB1] =	sst s9;
	s0 =	simm.s32 @!p0 $0x0  }
0x12: {  	s1 =	sld [smem:$0x3F97];
	s0 =	simm.s32 @p0 $0x1  }
0x13: {  	[smem:$0x3FB2] =	sst s0;
	s0 =	simm.s32 @!p1 $0x0  }
0x14: {  	s2 =	sld [smem:$0x3F96];
	s0 =	simm.s32 @p1 $0x1  }
0x15: {  	[smem:$0x3FB3] =	sst s0;
	s0 =	simm.s32 @!p2 $0x0  }
0x16: {  	s3 =	sld [smem:$0x3FDB];
	s0 =	simm.s32 @p2 $0x1  }
0x17: {  	s4 =	simm.s32 $0x1BF5;
	[smem:$0x3FB5] =	sst s0  }
0x18: {  	s0 =	sld [smem:$0x3F98];
	_ =	swait.ge [sflag:s4], $0x0  }
0x19: {  	s7 =	sld [smem:$0x3F99]  }
0x1a: {  	s8 =	sadd.s32 $0xFFFFE003, lr  }
0x1b: {  	s9 =	sadd.s32 $0xFFFFFEF7, lr;
	s5 =	simm.s32 $0xFFFFFFFF;
	p2 =	slt.u32 s8, $0xFFFFF086  }
0x1c: {  	p1 =	slt.u32 s9, $0xF7A;
	s5 =	simm.s32 @!p2 $0x0  }
0x1d: {  	s5 =	simm.s32 @p1 $0x1;
	p0 =	seq.s32 s7, s2  }
0x1e: {  	s7 =	smul.u32 @!p0 $0xF7A, s2;
	p2 =	seq.s32 @!p0 s5, $0x0  }
0x1f: {  	s9 =	smul.u32 $0xF7A, s1;
	s8 =	simm.s32 @!p0 $0x1BF5;
	p2 =	por !p2, p0  }
0x20: {  	[sflag:s8] =	ssyncset.s32 @!p0 $0xFFFFF086;
	s6 =	sadd.s32 @!p0 s3, s7;
	s7 =	simm.s32 @!p0 $0x108  }
0x21: {  	s3 =	sadd.s32 s3, s9;
	s6 =	sadd.s32 @!p0 $0x88, s6;
	s7 =	simm.s32 @p2 $0x1082  }
0x22: {  	[simem:s7], [sflag:s8] =	dma.local @!p0 [hbm:s6], $0xF7A  }
0x23: {  	s9 =	sor.u32 $0xD0000000, s2;
	s6 =	simm.s32 $0x108;
	_ =	swait.ge @!p0 [sflag:s8], $0x0  }
0x24: {  	s3 =	sadd.s32 $0x88, s3;
	s6 =	simm.s32 @!p1 $0x1082;
	[sflag:s4] =	ssyncset.s32 $0xFFFFF086  }
0x25: {  	[simem:s6], [sflag:s4] =	dma.local [hbm:s3], $0xF7A  }
0x26: {  	[smem:$0x3F99] =	sst s1;
	(tag) =	ssettag s2;
	_ =	strace s9  }
0x27: {  	s1 =	sld [smem:$0x3FA9]  }
0x28: {  	s2 =	sld [smem:$0x3FAA]  }
0x29: {  	s4 =	sld [smem:$0x3FAC]  }
0x2a: {  	p0 =	seq.s32 s5, $0x0;
	s5 =	sld [smem:$0x3FAD]  }
0x2b: {  	s6 =	sld [smem:$0x3FAE]  }
0x2c: {  	s7 =	sld [smem:$0x3FAF]  }
0x2d: {  	s3 =	simm.s32 $0x108;
	s8 =	sld [smem:$0x3FB0]  }
0x2e: {  	s3 =	simm.s32 @!p0 $0x1082;
	s9 =	sld [smem:$0x3FB1]  }
0x2f: {  	lr =	sadd.s32 s0, s3;
	s0 =	sld [smem:$0x3FA8]  }
0x30: {  	s3 =	sld [smem:$0x3FAB]  }
0x31: {  	[smem:$0x3FB4] =	sst s10  }
0x32: {  	s10 =	sld [smem:$0x3FB2];
	_ =	sdelay $0x3  }
0x33: {  	p0 =	seq.s32 s10, $0x1;
	s10 =	sld [smem:$0x3FB4];
	_ =	sdelay $0x3  }
0x34: {  	[smem:$0x3FB4] =	sst s10  }
0x35: {  	s10 =	sld [smem:$0x3FB3];
	_ =	sdelay $0x3  }
0x36: {  	p1 =	seq.s32 s10, $0x1;
	s10 =	sld [smem:$0x3FB4];
	_ =	sdelay $0x3  }
0x37: {  	[smem:$0x3FB4] =	sst s10  }
0x38: {  	s10 =	sld [smem:$0x3FB5]  }
0x39: {  	_ = 	snop;
	(pc) =	sbr.ind lr, $3  }
0x3a: {  	_ = 	snop  }
0x3b: {  	_ = 	snop  }
0x3c: {  	p2 =	seq.s32 s10, $0x1;
	s10 =	sld [smem:$0x3FB4]  }
0x3d: {  	_ =	shalt  }
0x3e: {  	_ =	shalt  }
0x3f: {  	_ =	shalt  }
0x40: {  	_ =	shalt  }
0x41: {  	_ =	shalt  }
0x42: {  	_ =	shalt  }
0x43: {  	_ =	shalt  }
0x44: {  	_ =	shalt  }
0x45: {  	_ =	shalt  }
0x46: {  	_ =	shalt  }
0x47: {  	_ =	shalt  }
0x48: {  	_ =	shalt  }
0x49: {  	_ =	shalt  }
0x4a: {  	_ =	shalt  }
0x4b: {  	_ =	shalt  }
0x4c: {  	_ =	shalt  }
0x4d: {  	_ =	shalt  }
0x4e: {  	_ =	shalt  }
0x4f: {  	_ =	shalt  }
0x50: {  	_ =	shalt  }
0x51: {  	_ =	shalt  }
0x52: {  	_ =	shalt  }
0x53: {  	_ =	shalt  }
0x54: {  	_ =	shalt  }
0x55: {  	_ =	shalt  }
0x56: {  	_ =	shalt  }
0x57: {  	_ =	shalt  }
0x58: {  	_ =	shalt  }
0x59: {  	_ =	shalt  }
0x5a: {  	_ =	shalt  }
0x5b: {  	_ =	shalt  }
0x5c: {  	_ =	shalt  }
0x5d: {  	_ =	shalt  }
0x5e: {  	_ =	shalt  }
0x5f: {  	_ =	shalt  }
0x60: {  	_ =	shalt  }
0x61: {  	_ =	shalt  }
0x62: {  	_ =	shalt  }
0x63: {  	_ =	shalt  }
0x64: {  	_ =	shalt  }
0x65: {  	_ =	shalt  }
0x66: {  	_ =	shalt  }
0x67: {  	_ =	shalt  }
0x68: {  	_ =	shalt  }
0x69: {  	_ =	shalt  }
0x6a: {  	_ =	shalt  }
0x6b: {  	_ =	shalt  }
0x6c: {  	_ =	shalt  }
0x6d: {  	_ =	shalt  }
0x6e: {  	_ =	shalt  }
0x6f: {  	_ =	shalt  }
0x70: {  	_ =	shalt  }
0x71: {  	_ =	shalt  }
0x72: {  	_ =	shalt  }
0x73: {  	_ =	shalt  }
0x74: {  	_ =	shalt  }
0x75: {  	_ =	shalt  }
0x76: {  	_ =	shalt  }
0x77: {  	_ =	shalt  }
0x78: {  	_ =	shalt  }
0x79: {  	_ =	shalt  }
0x7a: {  	_ =	shalt  }
0x7b: {  	_ =	shalt  }
0x7c: {  	_ =	shalt  }
0x7d: {  	_ =	shalt  }
0x7e: {  	_ =	shalt  }
0x7f: {  	_ =	shalt  }
0x80: {  	_ =	shalt  }
0x81: {  	_ =	shalt  }
0x82: {  	_ =	shalt  }
0x83: {  	_ =	shalt  }
0x84: {  	_ =	shalt  }
0x85: {  	_ =	shalt  }
0x86: {  	_ =	shalt  }
0x87: {  	_ =	shalt  }
.Lfunc_end0:
.L_simem_size_0:
called_computation.1_lowered:
.L_overlay_start_0:
0x88: {  	s2 =	sld [smem:$0x3FD9]  }
0x89: {  	s3 =	sld [smem:$0x3FFE];
	_ =	sdelay $0x1  }
0x8a: {  	s1 =	srdreg.scid  }
0x8b: {  	s0 =	sand.u32 $0x1, s1  }
0x8c: {  	s16 =	sshll.u32 s0, $0xA;
	s2 =	sadd.s32 s3, s2  }
0x8d: {  	s2 =	sadd.s32 s2, s16  }
0x8e: {  	[smem:$0x3FC0] =	sst s2  }
0x8f: {  	_ = 	snop  }
0x90: {  	(tm) =	ssettm $0x1  }
0x91: {  	s17 =	sld [smem:$0x3FFB];
	_ =	sdelay $0x3  }
0x92: {  	_ =	strace s17  }
0x93: {  	s2 =	sld [smem:$0x3FFC];
	_ =	sdelay $0x3  }
0x94: {  	_ =	strace s2  }
0x95: {  	s2 =	sld [smem:$0x3FFD];
	_ =	sdelay $0x3  }
0x96: {  	_ =	strace s2  }
0x97: {  	_ =	strace $0x8FFFFFFF  }
0x98: {  	s18 =	sld [smem:$0x3FDB];
	_ =	sdelay $0x1  }
0x99: {  	s19 =	simm.s32 $_scs_section_size  }
0x9a: {  	s4 =	simm.s32 $_size__tile_overlayer_lowered;
	s5 =	simm.s32 $_tile_overlayer_lowered  }
0x9b: {  	s22 =	simm.s32 $0x1BFF;
	s21 =	sshll.u32 s5, $0x1;
	s2 =	sadd.s32 s19, s18  }
0x9c: {  	s6 =	simm.s32 $0x0;
	s20 =	sshll.u32 s4, $0x1;
	s4 =	sadd.s32 s21, s2  }
0x9d: {  	[timem:s6], [sflag:s22] =	dma.local [hbm:s4], s20  }
0x9e: {  	_ =	swait.ge [sflag:s22], s20  }
0x9f: {  	s3 =	ssub.s32 $0x0, s20;
	[sflag:s22] =	ssyncset.done $0x0  }
0xa0: {  	[sflag:s22] =	ssyncadd.s32 s3;
	_ =	sdelay $0x1  }
0xa1: {  	s23 =	simm.s32 $0x1B8B  }
0xa2: {  	_ =	swait.ge [sflag:s23], $0x1  }
0xa3: {  	[sflag:s23] =	ssyncset.done $0x0  }
0xa4: {  	s25 =	simm.s32 $0x1B8E;
	s24 =	sld [smem:$0x3FFE];
	[sflag:s23] =	ssyncadd.s32 $0xFFFFFFFF  }
0xa5: {  	s26 =	simm.s32 $execute0_lowered;
	[smem:$0x3FD2] =	sst s25  }
0xa6: {  	s4 =	sshll.u32 s26, $0x1;
	_ =	strace $0x80000049;
	[dreg:$0x1] =	wrdreg $0xFFFFFFFF  }
0xa7: {  	s28 =	simm.s32 $_size_execute0_lowered;
	s2 =	sadd.s32 s2, s4;
	[dreg:$0x0] =	wrdreg $0x0  }
0xa8: {  	s4 =	sshll.u32 s28, $0x1;
	[dreg:$0x2] =	wrdreg s2  }
0xa9: {  	[dreg:$0x3] =	wrdreg s4  }
0xaa: {  	[dreg:$0x4] =	wrdreg $0xC0  }
0xab: {  	_ =	task [dreg:s6], $0x5FFFF  }
0xac: {  	[dreg:$0x1] =	wrdreg $0xFFFFFFFF  }
0xad: {  	[dreg:$0x0] =	wrdreg $0x60  }
0xae: {  	[dreg:$0x2] =	wrdreg s24  }
0xaf: {  	[dreg:$0x3] =	wrdreg $0x0  }
0xb0: {  	[dreg:$0x4] =	wrdreg $0x9  }
0xb1: {  	_ =	task.clear_ibuf [dreg:s6], $0x5FFFF;
	_ =	strace $0x90000049  }
0xb2: {  	s29 =	simm.s32 $0x9;
	_ =	strace $0x8000004B  }
0xb3: {  	_ =	swait.ge [sflag:s29], $0x1  }
0xb4: {  	[sflag:s29] =	ssyncadd.s32 $0xFFFFFFFF  }
0xb5: {  	_ =	strace $0x9000004B  }
0xb6: {  	_ =	sfence  }
0xb7: {  	s30 =	sld [smem:$0x0];
	_ =	sdelay $0x2  }
0xb8: {  	s31 =	sshll.u32 s1, $0xD;
	s1 =	sshrl.u32 s1, $0x2  }
0xb9: {  	s3 =	sand.u32 $0x4000, s31;
	s1 =	sadd.s32 s1, s30  }
0xba: {  	s0 =	sor.u32 s3, s0;
	s1 =	sshll.u32 s1, $0x11  }
0xbb: {  	s0 =	sor.u32 s1, s0  }
0xbc: {  	s0 =	sadd.s32 $0x8F2B, s0  }
0xbd: {  	[sflag:s0] =	ssyncadd.remote.s32 $0x1  }
0xbe: {  	_ =	sfence.sel $0xFFFF  }
0xbf: {  	[dreg:$0x0] =	wrdreg $0xFFFFFFFF;
	(pc) =	sbr.abs _section_cstart, $3  }
0xc0: {  	[dreg:$0x1] =	wrdreg $0xFFFFFFFF  }
0xc1: {  	_ =	task.clear_ibuf [dreg:s6], $0x2FFFF;
	_ =	strace $0x9FFFFFFF  }
0xc2: {  	(tm) =	ssettm $0x7FFFFFFF  }
0xc3: {  	_ =	shalt  }
tec
execute0_lowered:
.L_overlay_start_1:
0x0: {  	(tag) =	ssettag $0x1  }
0x1: {  	s0 =	rddreg [dreg:$0x0]  }
0x2: {  	s1 =	rddreg [dreg:$0x1]  }
0x3: {  	s2 =	simm.s32 $0x0;
	s3 =	srdreg.scid;
	s19 =	stileid.u32  }
0x4: {  	s28 =	simm.s32 $0x2;
	s29 =	simm.s32 $0x4;
	s30 =	simm.s32 $0x0  }
0x5: {  	[smem:$0x7FF] =	sst s2;
	s15 =	sadd.s32 $0x4F8600, s0;
	s6 =	smul.u32 $0x9C00, s19  }
0x6: {  	s3 =	sand.u32 $0x1, s3;
	s4 =	sadd.s32 $0x2C00, s0;
	s11 =	smul.u32 $0x2700, s19  }
0x7: {  	s0 =	sadd.s32 $0xCA00, s0;
	s17 =	smul.u32 $0x2710, s19;
	p0 =	sne.s32 s19, $0xF  }
0x8: {  	_ =	strace $0x8000004A;
	s5 =	ssub.s32 $0x2, s3;
	s8 =	sshll.u32 s3, $0x4  }
0x9: {  	s3 =	smul.u32 $0x27100, s3;
	s7 =	sshrl.u32 s5, $0x1;
	s8 =	sor.u32 s19, s8  }
0xa: {  	s6 =	sshrl.u32 s6, $0x2;
	s19 =	simm.s32 $0x2A30;
	s14 =	ssub.s32 s5, s7  }
0xb: {  	s9 =	smul.u32 $0x2710, s8;
	s6 =	sadd.s32 s6, s1;
	s5 =	sadd.s32 s11, s1  }
0xc: {  	s7 =	sadd.s32 $0x27000, s1;
	s12 =	smul.u32 $0x4E20, s8;
	s22 =	sadd.s32 s11, s3  }
0xd: {  	s16 =	sshrl.u32 s3, $0x3;
	s25 =	sadd.s32 s17, s3;
	s6 =	sadd.s32 $0x1900, s6  }
0xe: {  	s23 =	sshrl.u32 s22, $0x3;
	s24 =	sadd.s32 s0, s16;
	s14 =	smax.u32 s14, $0x1  }
0xf: {  	s3 =	sadd.s32 $0x4B0, s25;
	s22 =	simm.s32 $0x28A0;
	[dreg:$0x3] =	wrdreg s6  }
0x10: {  	s10 =	sshrl.u32 s9, $0x3;
	s13 =	sadd.s32 $0x190, s9;
	s9 =	sadd.s32 s15, s12  }
0x11: {  	s12 =	sadd.s32 s0, s23;
	s0 =	sadd.s32 $0x320, s25;
	s26 =	sshll.u32 s3, $0x1  }
0x12: {  	s3 =	sshrl.u32 s3, $0x3;
	s23 =	simm.s32 $0x4330;
	s25 =	simm.s32 $0x3  }
.Ltmp0:
0x13: {  	s8 =	sadd.s32 s4, s10;
	s20 =	sshrl.u32 s13, $0x3;
	(pc) =	sbr.rel .LBB2_1-.Ltmp0, $4  }
0x14: {  	s21 =	sshll.u32 s13, $0x1;
	s13 =	sadd.s32 $0x4E00, s24;
	s31 =	sshll.u32 s0, $0x1  }
0x15: {  	s16 =	sadd.s32 s26, s15;
	s3 =	sadd.s32 s3, s4;
	s24 =	simm.s32 $0x1  }
0x16: {  	s26 =	simm.s32 $0x190;
	s10 =	sadd.s32 s4, s20;
	s11 =	sadd.s32 s15, s21  }
0x17: {  	v0 =	vimm.f32 $0.0e+00;
	s18 =	sadd.s32 s31, s15;
	s20 =	simm.s32 $0x5;
	s21 =	simm.s32 $0x2710  }
.LBB2_6:
0x18: {  	_ =	swait.ge [sflag:s24], $0x190  }
0x19: {  	[sflag:s24] =	ssyncset.done $0x0  }
0x1a: {  	[sflag:s24] =	ssyncadd.s32 $0xFFFFFE70  }
0x1b: {  	_ =	swait.ge [sflag:s25], $0x1900  }
0x1c: {  	[sflag:s25] =	ssyncset.done $0x0  }
0x1d: {  	[sflag:s25] =	ssyncadd.s32 $0xFFFFE700  }
0x1e: {  	[spmem:s1] =	stream.indirect.scatter.add.f32 [tilespmem:s19], [sflag:$0x5], $0x10, s21, s26, $0xb8;
	[tilespmem:$0x5C30] =	vst v63  }
0x1f: {  	_ =	swait.ge [sflag:s20], $0x1900  }
0x20: {  	s6 =	stileid.u32;
	[sflag:s20] =	ssyncset.done $0x0  }
0x21: {  	s6 =	sshll.u32 s6, $0x6;
	[sflag:s20] =	ssyncadd.s32 $0xFFFFE700  }
0x22: {  	s15 =	sshrl.u32 s5, $0x3;
	s6 =	sor.u32 $0x1C05, s6;
	[bflag:$0x0] =	sbarrier.arrive $0xFFFF  }
0x23: {  	[hbm:s12], [sflag:s6] =	dma.local [spmem:s15], $0x4E0  }
0x24: {  	_ =	swait.ge [sflag:s20], $0x4E0  }
0x25: {  	s30 =	sadd.s32 $0x1, s30;
	[sflag:s20] =	ssyncset.done $0x0  }
0x26: {  	p1 =	sne.s32 s30, s14;
	s15 =	sshrl.u32 @!p0 s7, $0x3;
	[sflag:s20] =	ssyncadd.s32 $0xFFFFFB20  }
0x27: {  	[hbm:s13], [sflag:s6] =	dma.local @!p0 [spmem:s15], $0x20  }
.Ltmp1:
0x28: {  	_ = 	snop;
	(pc) =	sbr.rel @!p1 .LBB2_7-.Ltmp1, $4  }
0x29: {  	s6 =	simm.s32 @!p0 $0x5  }
0x2a: {  	_ =	swait.ge @!p0 [sflag:s6], $0x20  }
0x2b: {  	[sflag:s6] =	ssyncset.done @!p0 $0x0  }
0x2c: {  	[sflag:s6] =	ssyncadd.s32 @!p0 $0xFFFFFFE0  }
.LBB2_1:
0x2d: {  	s15 =	simm.s32 $0x40;
	s17 =	simm.s32 $0x0  }
.LBB2_2:
0x2e: {  	p1 =	sne.s32 s15, $0x63C0;
	[tilespmem:s17+$0x2A30] =	vst v0;
	s17 =	smov.u32 s15;
	s15 =	sadd.s32 $0x40, s15  }
.Ltmp2:
0x2f: {  	(pc) =	sbr.rel @p1 .LBB2_2-.Ltmp2, $2  }
0x30: {  	_ =	sdelay $0x2  }
0x31: {  	s17 =	sshra.s32 s17, $0x2  }
0x32: {  	[tilespmem:s17+$0x2A30] =	vst v0  }
0x33: {  	[spmem:s5] =	stream.linear.scatter [tilespmem:s19], [sflag:$0x5], $0x1900, $0x38;
	[tilespmem:$0x5C30] =	vst v63  }
0x34: {  	_ =	swait.ge [sflag:s20], $0x1900  }
0x35: {  	[sflag:s20] =	ssyncset.done $0x0  }
0x36: {  	s6 =	rddreg [dreg:$0x3];
	[sflag:s20] =	ssyncadd.s32 $0xFFFFE700  }
0x37: {  	[spmem:s6] =	stream.linear.scatter [tilespmem:s19], [sflag:$0x5], $0xE00, $0x38;
	[tilespmem:$0x5C30] =	vst v63  }
0x38: {  	_ =	swait.ge [sflag:s20], $0xE00  }
0x39: {  	[sflag:s20] =	ssyncset.done $0x0  }
0x3a: {  	s15 =	simm.s32 @!p0 $0x2A30;
	[sflag:s20] =	ssyncadd.s32 $0xFFFFF200  }
0x3b: {  	[spmem:s7] =	stream.linear.scatter @!p0 [tilespmem:s15], [sflag:$0x5], $0x100, $0x38;
	[tilespmem:$0x5C30] =	vst v63  }
0x3c: {  	s15 =	simm.s32 @!p0 $0x5  }
0x3d: {  	_ =	swait.ge @!p0 [sflag:s15], $0x100  }
0x3e: {  	[sflag:s15] =	ssyncset.done @!p0 $0x0  }
0x3f: {  	s31 =	simm.s32 $0x0;
	[sflag:s15] =	ssyncadd.s32 @!p0 $0xFFFFFF00  }
0x40: {  	[tilespmem:s21], [sflag:$0x1] =	stream.linear.gather [hbm4b:s8+s31], $0x190, $0x38;
	[tilespmem:$0x5C30] =	vst v63  }
0x41: {  	_ = 	snop  }
0x42: {  	[tilespmem:s19], [sflag:$0x3] =	stream.linear.gather [hbm4b:s9+s31], $0x1900, $0x38;
	[tilespmem:$0x5C30] =	vst v63  }
0x43: {  	_ = 	snop  }
0x44: {  	[tilespmem:s22], [sflag:$0x2] =	stream.linear.gather [hbm4b:s10+s31], $0x190, $0x38;
	[tilespmem:$0x5C30] =	vst v63  }
0x45: {  	_ = 	snop  }
0x46: {  	[tilespmem:s23], [sflag:$0x4] =	stream.linear.gather [hbm4b:s11+s31], $0x1900, $0x38;
	[tilespmem:$0x5C30] =	vst v63  }
0x47: {  	s17 =	smov.u32 s3;
	s15 =	smov.u32 s0;
	[bflag:$0x0] =	sbarrier.arrive $0xFFFF  }
.LBB2_4:
0x48: {  	_ =	swait.ge [sflag:s24], $0x190  }
0x49: {  	[sflag:s24] =	ssyncset.done $0x0  }
0x4a: {  	[sflag:s24] =	ssyncadd.s32 $0xFFFFFE70  }
0x4b: {  	_ =	swait.ge [sflag:s25], $0x1900  }
0x4c: {  	[sflag:s25] =	ssyncset.done $0x0  }
0x4d: {  	[sflag:s25] =	ssyncadd.s32 $0xFFFFE700  }
0x4e: {  	[spmem:s1] =	stream.indirect.scatter.add.f32 [tilespmem:s19], [sflag:$0x5], $0x10, s21, s26, $0xb8;
	[tilespmem:$0x5C30] =	vst v63  }
0x4f: {  	_ =	swait.ge [sflag:s20], $0x1900  }
0x50: {  	s6 =	sshrl.u32 s15, $0x3;
	[sflag:s20] =	ssyncset.done $0x0  }
0x51: {  	s6 =	sadd.s32 s4, s6;
	[sflag:s20] =	ssyncadd.s32 $0xFFFFE700  }
0x52: {  	[tilespmem:s21], [sflag:$0x1] =	stream.linear.gather [hbm4b:s6+s2], $0x190, $0x38;
	[tilespmem:$0x5C30] =	vst v63  }
0x53: {  	s6 =	sadd.s32 s31, s18  }
0x54: {  	[tilespmem:s19], [sflag:$0x3] =	stream.linear.gather [hbm4b:s6+s2], $0x1900, $0x38;
	[tilespmem:$0x5C30] =	vst v63  }
0x55: {  	_ =	swait.ge [sflag:s28], $0x190  }
0x56: {  	[sflag:s28] =	ssyncset.done $0x0  }
0x57: {  	[sflag:s28] =	ssyncadd.s32 $0xFFFFFE70  }
0x58: {  	_ =	swait.ge [sflag:s29], $0x1900  }
0x59: {  	p1 =	seq.s32 s31, $0x44C0;
	[sflag:s29] =	ssyncset.done $0x0  }
.Ltmp3:
0x5a: {  	[sflag:s29] =	ssyncadd.s32 $0xFFFFE700;
	(pc) =	sbr.rel @p1 .LBB2_6-.Ltmp3, $4  }
0x5b: {  	[spmem:s1] =	stream.indirect.scatter.add.f32 [tilespmem:s23], [sflag:$0x5], $0x10, s22, s26, $0xb8;
	[tilespmem:$0x5C30] =	vst v63  }
0x5c: {  	_ =	swait.ge [sflag:s20], $0x1900  }
0x5d: {  	[sflag:s20] =	ssyncset.done $0x0  }
0x5e: {  	[sflag:s20] =	ssyncadd.s32 $0xFFFFE700  }
.Ltmp4:
0x5f: {  	(pc) =	sbr.rel .LBB2_4-.Ltmp4, $4  }
0x60: {  	[tilespmem:s22], [sflag:$0x2] =	stream.linear.gather [hbm4b:s17+s2], $0x190, $0x38;
	[tilespmem:$0x5C30] =	vst v63  }
0x61: {  	s6 =	sadd.s32 s31, s16  }
0x62: {  	s31 =	sadd.s32 $0x640, s31;
	s17 =	sadd.s32 $0x64, s17;
	s15 =	sadd.s32 $0x320, s15  }
0x63: {  	[tilespmem:s23], [sflag:$0x4] =	stream.linear.gather [hbm4b:s6+s2], $0x1900, $0x38;
	[tilespmem:$0x5C30] =	vst v63  }
.LBB2_7:
0x64: {  	_ =	sfence.sel $0x180000  }
0x65: {  	[bflag:$0x0] =	sbarrier.arrive $0xFFFF  }
0x66: {  	_ =	strace $0x9000004A  }
0x67: {  	s0 =	stileid.u32;
	[bflag:$0x2] =	sbarrier.arrive $0xFFFF  }
0x68: {  	p0 =	sne.s32 s0, $0x0;
	s0 =	rddreg [dreg:$0x2]  }
0x69: {  	s0 =	sadd.s32 @!p0 $0x100000, s0  }
0x6a: {  	[sflag:s0] =	ssyncadd.tile.s32 @!p0 $0x1;
	_ =	shalt  }
.Lfunc_end2:
_tile_overlayer_lowered:
.L_overlay_start_2:
0x6b: {  	(tag) =	ssettag $0x2  }
0x6c: {  	s0 =	rddreg [dreg:$0x0];
	s2 =	stileid.u32  }
0x6d: {  	s1 =	rddreg [dreg:$0x1];
	p0 =	sne.s32 s2, $0x0  }
0x6e: {  	s3 =	rddreg [dreg:$0x2];
	[bflag:$0x3] =	sbarrier.arrive $0xFFFF;
	s2 =	simm.s32 @!p0 $0x1C05  }
0x6f: {  	[timem:s3], [sflag:s2] =	dma.local @!p0 [hbm:s0], s1  }
0x70: {  	s0 =	simm.s32 @!p0 $0x5  }
0x71: {  	_ =	swait.ge @!p0 [sflag:s0], s1  }
0x72: {  	s1 =	ssub.s32 @!p0 $0x0, s1;
	[sflag:s0] =	ssyncset.done @!p0 $0x0  }
0x73: {  	[sflag:s0] =	ssyncadd.s32 @!p0 s1  }
0x74: {  	[bflag:$0x3] =	sbarrier.arrive $0xFFFF  }
0x75: {  	_ =	shalt  }

</sc_bundles>
